<compile_context>
chip_gen: v7x
topology: tpu7x:2x2x1
jax: 0.10.2.dev20260603
libtpu: 0.0.44.dev20260713+nightly
codegen_flags: <defaults>
</compile_context>

<pallas_src>
import functools

import jax
import jax.numpy as jnp
from jax.experimental import pallas as pl
from jax.experimental.pallas import tpu as pltpu
from jax.experimental.pallas import tpu_sc as plsc

N = 10000
E = 320000
H = 128
G = 64

NSC = 2
NSUB = 16
SCBLK = 128
SCBLK2 = 128
EPAD = ((E + NSC * NSUB * SCBLK - 1) // (NSC * NSUB * SCBLK)) * (NSC * NSUB * SCBLK)
NPAD = 10240
ROWS_PER_SUB = NPAD // NSUB

BE = 2048


def _vector_mesh():
    return plsc.VectorSubcoreMesh(core_axis_name="core", subcore_axis_name="subcore")



def _edge1_body(ea_ref, w_ref, c_ref, o_ref):
    i = pl.program_id(0)
    e = jnp.dot(ea_ref[...], w_ref[...], preferred_element_type=jnp.float32)
    v = jnp.maximum(e + c_ref[...], 0.0)
    rows = i * BE + jax.lax.broadcasted_iota(jnp.int32, (BE, H), 0)
    o_ref[...] = jnp.where(rows < E, v, 0.0)


def _edge1(ea_p, w, c):
    return pl.pallas_call(
        _edge1_body,
        grid=(EPAD // BE,),
        in_specs=[
            pl.BlockSpec((BE, 8), lambda i: (i, 0)),
            pl.BlockSpec((8, H), lambda i: (0, 0)),
            pl.BlockSpec((1, H), lambda i: (0, 0)),
        ],
        out_specs=pl.BlockSpec((BE, H), lambda i: (i, 0)),
        out_shape=jax.ShapeDtypeStruct((EPAD, H), jnp.float32),
    )(ea_p, w, c)


def _edge2_body(ea_ref, w_ref, b_ref, hs_ref, o_ref):
    i = pl.program_id(0)
    e = jnp.dot(ea_ref[...], w_ref[...], preferred_element_type=jnp.float32)
    v = jnp.maximum(hs_ref[...] + e + b_ref[...], 0.0)
    rows = i * BE + jax.lax.broadcasted_iota(jnp.int32, (BE, H), 0)
    o_ref[...] = jnp.where(rows < E, v, 0.0)


def _edge2(ea_p, w, b, hsrc):
    return pl.pallas_call(
        _edge2_body,
        grid=(EPAD // BE,),
        in_specs=[
            pl.BlockSpec((BE, 8), lambda i: (i, 0)),
            pl.BlockSpec((8, H), lambda i: (0, 0)),
            pl.BlockSpec((1, H), lambda i: (0, 0)),
            pl.BlockSpec((BE, H), lambda i: (i, 0)),
        ],
        out_specs=pl.BlockSpec((BE, H), lambda i: (i, 0)),
        out_shape=jax.ShapeDtypeStruct((EPAD, H), jnp.float32),
    )(ea_p, w, b, hsrc)


def _node_body(p_ref, xp_ref, wa_ref, ba_ref, wb_ref, bb_ref, g_ref, beta_ref,
               o_ref):
    hin = xp_ref[...] + p_ref[0][:N] + p_ref[1][:N]
    t = jnp.maximum(
        jnp.dot(hin, wa_ref[...], preferred_element_type=jnp.float32)
        + ba_ref[...], 0.0)
    t = jnp.dot(t, wb_ref[...], preferred_element_type=jnp.float32) + bb_ref[...]
    mu = jnp.mean(t, axis=0, keepdims=True)
    var = jnp.mean(jnp.square(t - mu), axis=0, keepdims=True)
    y = g_ref[...] * (t - mu) * jax.lax.rsqrt(var + 1e-5) + beta_ref[...]
    o_ref[...] = jnp.maximum(y + xp_ref[...], 0.0)


def _node(p, xp, wa, ba, wb, bb, g, beta):
    return pl.pallas_call(
        _node_body,
        out_shape=jax.ShapeDtypeStruct((N, H), jnp.float32),
    )(p, xp, wa, ba, wb, bb, g, beta)


def _final_body(p_ref, h1_ref, wa_ref, ba_ref, wb_ref, bb_ref, g_ref, beta_ref,
                b_ref, wv1_ref, bv1_ref, wv2_ref, bv2_ref, wl_ref, bl_ref,
                out_ref, h_ref):
    hin = h1_ref[...] + p_ref[0][:N] + p_ref[1][:N]
    t = jnp.maximum(
        jnp.dot(hin, wa_ref[...], preferred_element_type=jnp.float32)
        + ba_ref[...], 0.0)
    t = jnp.dot(t, wb_ref[...], preferred_element_type=jnp.float32) + bb_ref[...]
    mu = jnp.mean(t, axis=0, keepdims=True)
    var = jnp.mean(jnp.square(t - mu), axis=0, keepdims=True)
    y = g_ref[...] * (t - mu) * jax.lax.rsqrt(var + 1e-5) + beta_ref[...]
    h2 = jnp.maximum(y + h1_ref[...], 0.0)

    onehot = (jax.lax.broadcasted_iota(jnp.int32, (G, N), 0)
              == b_ref[...]).astype(jnp.float32)
    cnt = jnp.sum(onehot, axis=1, keepdims=True)
    inv = 1.0 / jnp.maximum(cnt, 1.0)
    gm = jnp.dot(onehot, h2, preferred_element_type=jnp.float32) * inv
    gp = jnp.maximum(
        jnp.dot(gm, wv1_ref[...], preferred_element_type=jnp.float32)
        + bv1_ref[...], 0.0)
    gp = jnp.dot(gp, wv2_ref[...], preferred_element_type=jnp.float32) + bv2_ref[...]
    gexp = jax.lax.dot_general(onehot, gp, (((0,), (0,)), ((), ())),
                               preferred_element_type=jnp.float32)
    h = h2 + gexp
    gr = jnp.dot(onehot, h, preferred_element_type=jnp.float32) * inv
    out_ref[...] = jnp.dot(gr, wl_ref[...], preferred_element_type=jnp.float32) \
        + bl_ref[...]
    h_ref[...] = h


def _final(p, h1, wa, ba, wb, bb, g, beta, batch2, wv1, bv1, wv2, bv2, wl, bl):
    return pl.pallas_call(
        _final_body,
        out_shape=[
            jax.ShapeDtypeStruct((G, H), jnp.float32),
            jax.ShapeDtypeStruct((N, H), jnp.float32),
        ],
    )(p, h1, wa, ba, wb, bb, g, beta, batch2, wv1, bv1, wv2, bv2, wl, bl)



def _scatter_add(m, dst2, zeros_n):

    @functools.partial(
        pl.kernel,
        out_type=jax.ShapeDtypeStruct((NSC, NPAD, H), jnp.float32),
        mesh=_vector_mesh(),
        scratch_types=[pltpu.VMEM_SHARED((NPAD, H), jnp.float32)],
    )
    def k(m_hbm, dst_hbm, z_hbm, out_hbm, acc_sh):
        c = jax.lax.axis_index("core")
        s = jax.lax.axis_index("subcore")
        r0 = s * ROWS_PER_SUB
        pltpu.sync_copy(z_hbm.at[pl.ds(r0, ROWS_PER_SUB)],
                        acc_sh.at[pl.ds(r0, ROWS_PER_SUB)])
        plsc.subcore_barrier()

        def body(m_vmem, i_vmem):
            pltpu.sync_copy(m_vmem, acc_sh.at[i_vmem.at[0]], add=True)

        pltpu.emit_pipeline(
            body,
            grid=(EPAD // SCBLK,),
            in_specs=[
                pl.BlockSpec((SCBLK, H), lambda i: (i, 0)),
                pl.BlockSpec((1, SCBLK), lambda i: (0, i)),
            ],
            core_axis_name=("core", "subcore"),
            dimension_semantics=(pltpu.PARALLEL,),
        )(m_hbm, dst_hbm)

        plsc.subcore_barrier()
        pltpu.sync_copy(acc_sh.at[pl.ds(r0, ROWS_PER_SUB)],
                        out_hbm.at[c, pl.ds(r0, ROWS_PER_SUB)])

    return k(m, dst2, zeros_n)


def _gather(h1p, src2):

    @functools.partial(
        pl.kernel,
        out_type=jax.ShapeDtypeStruct((EPAD, H), jnp.float32),
        mesh=_vector_mesh(),
        scratch_types=[pltpu.VMEM_SHARED((NPAD, H), jnp.float32)],
    )
    def k(h_hbm, i_hbm, o_hbm, h_sh):
        s_ = jax.lax.axis_index("subcore")
        r0 = s_ * ROWS_PER_SUB

        @pl.loop(0, ROWS_PER_SUB, step=SCBLK)
        def _(r):
            pltpu.sync_copy(h_hbm.at[pl.ds(r0 + r, SCBLK)],
                            h_sh.at[pl.ds(r0 + r, SCBLK)])

        plsc.subcore_barrier()

        def body(i_vmem, o_vmem):
            pltpu.sync_copy(h_sh.at[i_vmem.at[0]], o_vmem)

        pltpu.emit_pipeline(
            body,
            grid=(EPAD // SCBLK,),
            in_specs=[pl.BlockSpec((1, SCBLK), lambda i: (0, i))],
            out_specs=[pl.BlockSpec((SCBLK, H), lambda i: (i, 0))],
            core_axis_name=("core", "subcore"),
            dimension_semantics=(pltpu.PARALLEL,),
        )(i_hbm, o_hbm)

    return k(h1p, src2)



def kernel(x, edge_index, edge_attr, batch, emb, We1, be1, W1a, b1a, W1b, b1b,
           We2, be2, W2a, b2a, W2b, b2b, g1, beta1, g2, beta2, Wv1, bv1, Wv2,
           bv2, Wl, bl):
    src = edge_index[0]
    dst = edge_index[1]
    pad = EPAD - E
    ea_p = jnp.pad(edge_attr, ((0, pad), (0, 1)))
    src2 = jnp.pad(src, (0, pad)).reshape(1, EPAD)
    dst2 = jnp.pad(dst, (0, pad)).reshape(1, EPAD)
    zeros_n = jnp.zeros((NPAD, H), jnp.float32)
    emb0 = emb[0:1]
    We1p = jnp.pad(We1, ((0, 1), (0, 0)))
    We2p = jnp.pad(We2, ((0, 1), (0, 0)))

    m1 = _edge1(ea_p, We1p, emb0 + be1[None, :])
    p1 = _scatter_add(m1, dst2, zeros_n)
    h1 = _node(p1, emb0, W1a, b1a[None, :], W1b, b1b[None, :],
               g1[None, :], beta1[None, :])
    hsrc = _gather(jnp.pad(h1, ((0, NPAD - N), (0, 0))), src2)
    m2 = _edge2(ea_p, We2p, be2[None, :], hsrc)
    p2 = _scatter_add(m2, dst2, zeros_n)
    out, h = _final(p2, h1, W2a, b2a[None, :], W2b, b2b[None, :],
                    g2[None, :], beta2[None, :], batch.reshape(1, N),
                    Wv1, bv1[None, :], Wv2, bv2[None, :], Wl, bl[None, :])
    return out, h

# --- scband reference (transcript-rebuilt; emitter-appended) ---
"""Pipeline reference for scband-enhanced-ginewith-vn-395136991280 (READ-ONLY COPY).

The authoritative reference and input builder live on the scoring server;
editing this copy changes nothing except your own understanding.
"""

import jax, jax.numpy as jnp
import numpy as np

N = 10000
E = 320000
H = 128
OUT = 128
G = 64
EDGE_DIM = 7


def setup_inputs(seed: int = 0) -> dict:
    key = jax.random.key(seed)
    ks = jax.random.split(key, 16)
    def w(k, shape):
        return jax.random.normal(k, shape, dtype=jnp.float32) * 0.02
    inp = {}
    inp['x'] = jnp.zeros((N,), dtype=jnp.int32)
    inp['edge_index'] = jax.random.randint(ks[0], (2, E), 0, N, dtype=jnp.int32)
    inp['edge_attr'] = jax.random.normal(ks[1], (E, EDGE_DIM), dtype=jnp.float32)
    inp['batch'] = jnp.sort(jax.random.randint(ks[2], (N,), 0, G, dtype=jnp.int32))
    inp['emb'] = w(ks[3], (1, H))
    inp['We1'] = w(ks[4], (EDGE_DIM, H)); inp['be1'] = jnp.zeros((H,), jnp.float32)
    inp['W1a'] = w(ks[5], (H, H)); inp['b1a'] = jnp.zeros((H,), jnp.float32)
    inp['W1b'] = w(ks[6], (H, H)); inp['b1b'] = jnp.zeros((H,), jnp.float32)
    inp['We2'] = w(ks[7], (EDGE_DIM, H)); inp['be2'] = jnp.zeros((H,), jnp.float32)
    inp['W2a'] = w(ks[8], (H, H)); inp['b2a'] = jnp.zeros((H,), jnp.float32)
    inp['W2b'] = w(ks[9], (H, H)); inp['b2b'] = jnp.zeros((H,), jnp.float32)
    inp['g1'] = jnp.ones((H,), jnp.float32); inp['beta1'] = jnp.zeros((H,), jnp.float32)
    inp['g2'] = jnp.ones((H,), jnp.float32); inp['beta2'] = jnp.zeros((H,), jnp.float32)
    inp['Wv1'] = w(ks[10], (H, H)); inp['bv1'] = jnp.zeros((H,), jnp.float32)
    inp['Wv2'] = w(ks[11], (H, H)); inp['bv2'] = jnp.zeros((H,), jnp.float32)
    inp['Wl'] = w(ks[12], (H, OUT)); inp['bl'] = jnp.zeros((OUT,), jnp.float32)
    return inp


def _gine(x, src, dst, edge_attr, We, be, Wa, ba, Wb, bb):
    # PyG GINEConv with edge_dim: message = relu(x_j + lin_edge(edge_attr)), sum-aggr, out = nn((1+eps)*x_i + aggr), eps=0
    e = edge_attr @ We + be
    m = jax.nn.relu(x[src] + e)
    aggr = jnp.zeros_like(x).at[dst].add(m)
    h = x + aggr
    h = jax.nn.relu(h @ Wa + ba) @ Wb + bb
    return h


def _bn(x, g, b):
    mu = jnp.mean(x, axis=0)
    var = jnp.var(x, axis=0)
    return g * (x - mu) * jax.lax.rsqrt(var + 1e-5) + b


def _gmp(x, batch):
    s = jax.ops.segment_sum(x, batch, num_segments=G)
    c = jax.ops.segment_sum(jnp.ones((x.shape[0],), x.dtype), batch, num_segments=G)
    return s / jnp.clip(c, 1.0)[:, None]


def reference(x, edge_index, edge_attr, batch, emb, We1, be1, W1a, b1a, W1b, b1b, We2, be2, W2a, b2a, W2b, b2b, g1, beta1, g2, beta2, Wv1, bv1, Wv2, bv2, Wl, bl):
    src = edge_index[0]
    dst = edge_index[1]
    x0 = emb[x]
    h1 = _gine(x0, src, dst, edge_attr, We1, be1, W1a, b1a, W1b, b1b)
    h1 = _bn(h1, g1, beta1)
    h1 = jax.nn.relu(h1 + x0)
    h2 = h1  # dropout = identity in eval
    h2 = _gine(h2, src, dst, edge_attr, We2, be2, W2a, b2a, W2b, b2b)
    h2 = _bn(h2, g2, beta2)
    h2 = jax.nn.relu(h2 + h1)
    g = _gmp(h2, batch)
    g_proj = jax.nn.relu(g @ Wv1 + bv1) @ Wv2 + bv2
    g_exp = g_proj[batch]
    h = h2 + g_exp
    graph_repr = _gmp(h, batch)
    out = graph_repr @ Wl + bl
    return (out, h)

if __name__ == "__main__":
    import jax
    _d = setup_inputs()
    print(jax.jit(kernel)(*tuple(_d.values())))

</pallas_src>

<mosaic_0001>
#map = affine_map<(d0, d1) -> (0, 0)>
#map1 = affine_map<(d0, d1) -> (0, 0, 0)>
module attributes {stable_mosaic.version = 14 : i64} {
  func.func @k(%arg0: i32, %arg1: i32, %arg2: memref<323584x128xf32, #tpu.memory_space<hbm>>, %arg3: memref<1x323584xi32, #tpu.memory_space<hbm>>, %arg4: memref<10240x128xf32, #tpu.memory_space<hbm>>, %arg5: memref<2x10240x128xf32, #tpu.memory_space<hbm>>, %arg6: memref<10240x128xf32, #tpu.memory_space<vmem_shared>>) attributes {dimension_semantics = [#tpu.dimension_semantics<core_parallel>, #tpu.dimension_semantics<subcore_parallel>], iteration_bounds = array<i64: 2, 16>, scalar_prefetch = 0 : i64, scratch_operands = 1 : i64, tpu.core_type = #tpu.core_type<sc_vector_subcore>, window_params = [{transform_indices = #map}, {transform_indices = #map}, {transform_indices = #map}, {transform_indices = #map1}]} {
    %mul3A = arith.constant 640 : i32
    %mul3A_0 = arith.muli %arg1, %mul3A : i32
    "tpu.region"() ({
      %run_scoped3A = tpu.sem_alloc : memref<!tpu.dma_semaphore, #tpu.memory_space<semaphore_mem>>
      %dma_start3A = arith.constant 0 : i32
      %dma_start3A_10 = tpu.memref_slice %arg6[%mul3A_0, %dma_start3A] : memref<10240x128xf32, #tpu.memory_space<vmem_shared>> -> memref<640x128xf32, #tpu.memory_space<vmem_shared>>
      %dma_start3A_11 = arith.constant 0 : i32
      %dma_start3A_12 = tpu.memref_slice %arg4[%mul3A_0, %dma_start3A_11] : memref<10240x128xf32, #tpu.memory_space<hbm>> -> memref<640x128xf32, #tpu.memory_space<hbm>>
      tpu.enqueue_dma source(%dma_start3A_12 : memref<640x128xf32, #tpu.memory_space<hbm>>) target(%dma_start3A_10 : memref<640x128xf32, #tpu.memory_space<vmem_shared>>) target_semaphore(%run_scoped3A : memref<!tpu.dma_semaphore, #tpu.memory_space<semaphore_mem>>)
      %dma_wait3A = arith.constant 0 : i32
      %dma_wait3A_13 = tpu.memref_slice %arg6[%mul3A_0, %dma_wait3A] : memref<10240x128xf32, #tpu.memory_space<vmem_shared>> -> memref<640x128xf32, #tpu.memory_space<vmem_shared>>
      %dma_wait3A_14 = arith.constant 0 : i32
      %dma_wait3A_15 = tpu.memref_slice %arg4[%mul3A_0, %dma_wait3A_14] : memref<10240x128xf32, #tpu.memory_space<hbm>> -> memref<640x128xf32, #tpu.memory_space<hbm>>
      tpu.wait_dma2 semaphore(%run_scoped3A : memref<!tpu.dma_semaphore, #tpu.memory_space<semaphore_mem>>) src(%dma_wait3A_15 : memref<640x128xf32, #tpu.memory_space<hbm>>) dst(%dma_wait3A_13 : memref<640x128xf32, #tpu.memory_space<vmem_shared>>)
      tpu.yield
    }) : () -> ()
    %barrier3A = arith.constant 0 : index
    tpu.barrier barrier_id(%barrier3A)
    %mul3A_1 = arith.constant 1 : i32
    %mul3A_2 = arith.muli %arg1, %mul3A_1 : i32
    %add3A = arith.constant 0 : i32
    %add3A_3 = arith.addi %add3A, %mul3A_2 : i32
    %mul3A_4 = arith.constant 16 : i32
    %mul3A_5 = arith.muli %arg0, %mul3A_4 : i32
    %add3A_6 = arith.addi %add3A_3, %mul3A_5 : i32
    %mul3A_7 = arith.constant 79 : i32
    %mul3A_8 = arith.muli %add3A_6, %mul3A_7 : i32
    "tpu.region"() ({
      %run_scoped3A = memref.alloca() : memref<2x128x128xf32, #tpu.memory_space<vmem>>
      %run_scoped3A_10 = tpu.sem_alloc : memref<2x!tpu.dma_semaphore, #tpu.memory_space<semaphore_mem>>
      %run_scoped3A_11 = memref.alloca() : memref<2x1x128xi32, #tpu.memory_space<vmem>>
      %run_scoped3A_12 = tpu.sem_alloc : memref<2x!tpu.dma_semaphore, #tpu.memory_space<semaphore_mem>>
      %add3A_13 = arith.constant 0 : i32
      %add3A_14 = arith.addi %add3A_13, %mul3A_8 : i32
      %select_n3A = arith.constant true
      %select_n3A_15 = arith.constant 0 : i32
      %select_n3A_16 = arith.constant -1 : i32
      %select_n3A_17 = arith.select %select_n3A, %select_n3A_16, %select_n3A_15 : i32
      %eq3A = arith.constant -1 : i32
      %eq3A_18 = arith.cmpi eq, %select_n3A_17, %eq3A : i32
      %select_n3A_19 = arith.constant 78 : i32
      %select_n3A_20 = arith.select %eq3A_18, %select_n3A_19, %select_n3A_17 : i32
      %add3A_21 = arith.addi %select_n3A_20, %mul3A_8 : i32
      %select_n3A_22 = arith.constant true
      %select_n3A_23 = arith.constant 0 : i32
      %select_n3A_24 = arith.constant 1 : i32
      %select_n3A_25 = arith.select %select_n3A_22, %select_n3A_24, %select_n3A_23 : i32
      %eq3A_26 = arith.constant 79 : i32
      %eq3A_27 = arith.cmpi eq, %select_n3A_25, %eq3A_26 : i32
      %select_n3A_28 = arith.constant 0 : i32
      %select_n3A_29 = arith.select %eq3A_27, %select_n3A_28, %select_n3A_25 : i32
      %add3A_30 = arith.addi %select_n3A_29, %mul3A_8 : i32
      %add3A_31 = arith.constant 1 : i32
      %add3A_32 = arith.addi %select_n3A_29, %add3A_31 : i32
      %select_n3A_33 = arith.constant true
      %select_n3A_34 = arith.select %select_n3A_33, %add3A_32, %select_n3A_29 : i32
      %eq3A_35 = arith.constant 79 : i32
      %eq3A_36 = arith.cmpi eq, %select_n3A_34, %eq3A_35 : i32
      %select_n3A_37 = arith.constant 0 : i32
      %select_n3A_38 = arith.select %eq3A_36, %select_n3A_37, %select_n3A_34 : i32
      %add3A_39 = arith.addi %select_n3A_38, %mul3A_8 : i32
      "tpu.trace_start"() <{level = 10 : i32, message = "ep_initialize_0"}> : () -> ()
      %rem3A = arith.constant 0 : i32
      %rem3A_40 = arith.constant 2 : i32
      %rem3A_41 = arith.remui %rem3A, %rem3A_40 : i32
      %mul3A_42 = arith.constant 128 : i32
      %mul3A_43 = arith.muli %mul3A_42, %add3A_14 : i32
      %dma_start3A = arith.constant 0 : i32
      %dma_start3A_44 = arith.constant 0 : i32
      %dma_start3A_45 = tpu.memref_slice %run_scoped3A[%rem3A_41, %dma_start3A, %dma_start3A_44] : memref<2x128x128xf32, #tpu.memory_space<vmem>> -> memref<1x128x128xf32, #tpu.memory_space<vmem>>
      %dma_start3A_46 = tpu.memref_squeeze %dma_start3A_45 : memref<1x128x128xf32, #tpu.memory_space<vmem>> -> memref<128x128xf32, #tpu.memory_space<vmem>>
      %dma_start3A_47 = arith.constant 0 : i32
      %dma_start3A_48 = tpu.memref_slice %arg2[%mul3A_43, %dma_start3A_47] : memref<323584x128xf32, #tpu.memory_space<hbm>> -> memref<128x128xf32, #tpu.memory_space<hbm>>
      %dma_start3A_49 = tpu.memref_slice %run_scoped3A_10[%rem3A_41] : memref<2x!tpu.dma_semaphore, #tpu.memory_space<semaphore_mem>> -> memref<1x!tpu.dma_semaphore, #tpu.memory_space<semaphore_mem>>
      %dma_start3A_50 = tpu.memref_squeeze %dma_start3A_49 : memref<1x!tpu.dma_semaphore, #tpu.memory_space<semaphore_mem>> -> memref<!tpu.dma_semaphore, #tpu.memory_space<semaphore_mem>>
      %dma_start3A_51 = arith.constant 0 : i32
      %dma_start3A_52 = arith.constant 0 : i32
      %dma_start3A_53 = tpu.memref_slice %run_scoped3A[%rem3A_41, %dma_start3A_51, %dma_start3A_52] : memref<2x128x128xf32, #tpu.memory_space<vmem>> -> memref<1x128x128xf32, #tpu.memory_space<vmem>>
      %dma_start3A_54 = tpu.memref_squeeze %dma_start3A_53 : memref<1x128x128xf32, #tpu.memory_space<vmem>> -> memref<128x128xf32, #tpu.memory_space<vmem>>
      %dma_start3A_55 = arith.constant 0 : i32
      %dma_start3A_56 = tpu.memref_slice %arg2[%mul3A_43, %dma_start3A_55] : memref<323584x128xf32, #tpu.memory_space<hbm>> -> memref<128x128xf32, #tpu.memory_space<hbm>>
      tpu.enqueue_dma source(%dma_start3A_56 : memref<128x128xf32, #tpu.memory_space<hbm>>) target(%dma_start3A_54 : memref<128x128xf32, #tpu.memory_space<vmem>>) target_semaphore(%dma_start3A_50 : memref<!tpu.dma_semaphore, #tpu.memory_space<semaphore_mem>>)
      %add3A_57 = arith.constant 0 : i32
      %add3A_58 = arith.constant 1 : i32
      %add3A_59 = arith.addi %add3A_57, %add3A_58 : i32
      %select_n3A_60 = arith.constant true
      %select_n3A_61 = arith.constant 0 : i32
      %select_n3A_62 = arith.select %select_n3A_60, %add3A_59, %select_n3A_61 : i32
      %rem3A_63 = arith.constant 0 : i32
      %rem3A_64 = arith.constant 2 : i32
      %rem3A_65 = arith.remui %rem3A_63, %rem3A_64 : i32
      %mul3A_66 = arith.constant 128 : i32
      %mul3A_67 = arith.muli %mul3A_66, %add3A_14 : i32
      %dma_start3A_68 = arith.constant 0 : i32
      %dma_start3A_69 = arith.constant 0 : i32
      %dma_start3A_70 = tpu.memref_slice %run_scoped3A_11[%rem3A_65, %dma_start3A_68, %dma_start3A_69] : memref<2x1x128xi32, #tpu.memory_space<vmem>> -> memref<1x1x128xi32, #tpu.memory_space<vmem>>
      %dma_start3A_71 = tpu.memref_squeeze %dma_start3A_70 : memref<1x1x128xi32, #tpu.memory_space<vmem>> -> memref<1x128xi32, #tpu.memory_space<vmem>>
      %dma_start3A_72 = arith.constant 0 : i32
      %dma_start3A_73 = tpu.memref_slice %arg3[%dma_start3A_72, %mul3A_67] : memref<1x323584xi32, #tpu.memory_space<hbm>> -> memref<1x128xi32, #tpu.memory_space<hbm>>
      %dma_start3A_74 = tpu.memref_slice %run_scoped3A_12[%rem3A_65] : memref<2x!tpu.dma_semaphore, #tpu.memory_space<semaphore_mem>> -> memref<1x!tpu.dma_semaphore, #tpu.memory_space<semaphore_mem>>
      %dma_start3A_75 = tpu.memref_squeeze %dma_start3A_74 : memref<1x!tpu.dma_semaphore, #tpu.memory_space<semaphore_mem>> -> memref<!tpu.dma_semaphore, #tpu.memory_space<semaphore_mem>>
      %dma_start3A_76 = arith.constant 0 : i32
      %dma_start3A_77 = arith.constant 0 : i32
      %dma_start3A_78 = tpu.memref_slice %run_scoped3A_11[%rem3A_65, %dma_start3A_76, %dma_start3A_77] : memref<2x1x128xi32, #tpu.memory_space<vmem>> -> memref<1x1x128xi32, #tpu.memory_space<vmem>>
      %dma_start3A_79 = tpu.memref_squeeze %dma_start3A_78 : memref<1x1x128xi32, #tpu.memory_space<vmem>> -> memref<1x128xi32, #tpu.memory_space<vmem>>
      %dma_start3A_80 = arith.constant 0 : i32
      %dma_start3A_81 = tpu.memref_slice %arg3[%dma_start3A_80, %mul3A_67] : memref<1x323584xi32, #tpu.memory_space<hbm>> -> memref<1x128xi32, #tpu.memory_space<hbm>>
      tpu.enqueue_dma source(%dma_start3A_81 : memref<1x128xi32, #tpu.memory_space<hbm>>) target(%dma_start3A_79 : memref<1x128xi32, #tpu.memory_space<vmem>>) target_semaphore(%dma_start3A_75 : memref<!tpu.dma_semaphore, #tpu.memory_space<semaphore_mem>>)
      %add3A_82 = arith.constant 0 : i32
      %add3A_83 = arith.constant 1 : i32
      %add3A_84 = arith.addi %add3A_82, %add3A_83 : i32
      %select_n3A_85 = arith.constant true
      %select_n3A_86 = arith.constant 0 : i32
      %select_n3A_87 = arith.select %select_n3A_85, %add3A_84, %select_n3A_86 : i32
      "tpu.trace_stop"() : () -> ()
      %scan3A = arith.constant 0 : i32
      %scan3A_88 = arith.constant 0 : i32
      %scan3A_89 = arith.constant 0 : i32
      %scan3A_90 = arith.constant 0 : i32
      %scan3A_91 = arith.constant 79 : i32
      %scan3A_92 = arith.addi %scan3A_90, %scan3A_91 : i32
      %scan3A_93 = arith.constant 1 : i32
      %scan3A_94:5 = scf.for %scan3A_131 = %scan3A_90 to %scan3A_92 step %scan3A_93 iter_args(%scan3A_132 = %select_n3A_62, %scan3A_133 = %scan3A, %scan3A_134 = %select_n3A_87, %scan3A_135 = %scan3A_88, %scan3A_136 = %scan3A_89) -> (i32, i32, i32, i32, i32)  : i32 {
        %eq3A_137 = arith.constant 0 : i32
        %eq3A_138 = arith.cmpi eq, %scan3A_131, %eq3A_137 : i32
        %eq3A_139 = arith.constant 78 : i32
        %eq3A_140 = arith.cmpi eq, %scan3A_131, %eq3A_139 : i32
        %add3A_141 = arith.addi %scan3A_136, %mul3A_8 : i32
        %sub3A_142 = arith.constant 1 : i32
        %sub3A_143 = arith.subi %scan3A_136, %sub3A_142 : i32
        %select_n3A_144 = arith.constant true
        %select_n3A_145 = arith.select %select_n3A_144, %sub3A_143, %scan3A_136 : i32
        %eq3A_146 = arith.constant -1 : i32
        %eq3A_147 = arith.cmpi eq, %select_n3A_145, %eq3A_146 : i32
        %select_n3A_148 = arith.constant 78 : i32
        %select_n3A_149 = arith.select %eq3A_147, %select_n3A_148, %select_n3A_145 : i32
        %add3A_150 = arith.addi %select_n3A_149, %mul3A_8 : i32
        %add3A_151 = arith.constant 1 : i32
        %add3A_152 = arith.addi %scan3A_136, %add3A_151 : i32
        %select_n3A_153 = arith.constant true
        %select_n3A_154 = arith.select %select_n3A_153, %add3A_152, %scan3A_136 : i32
        %eq3A_155 = arith.constant 79 : i32
        %eq3A_156 = arith.cmpi eq, %select_n3A_154, %eq3A_155 : i32
        %select_n3A_157 = arith.constant 0 : i32
        %select_n3A_158 = arith.select %eq3A_156, %select_n3A_157, %select_n3A_154 : i32
        %add3A_159 = arith.addi %select_n3A_158, %mul3A_8 : i32
        %add3A_160 = arith.constant 1 : i32
        %add3A_161 = arith.addi %select_n3A_158, %add3A_160 : i32
        %select_n3A_162 = arith.constant true
        %select_n3A_163 = arith.select %select_n3A_162, %add3A_161, %select_n3A_158 : i32
        %eq3A_164 = arith.constant 79 : i32
        %eq3A_165 = arith.cmpi eq, %select_n3A_163, %eq3A_164 : i32
        %select_n3A_166 = arith.constant 0 : i32
        %select_n3A_167 = arith.select %eq3A_165, %select_n3A_166, %select_n3A_163 : i32
        %add3A_168 = arith.addi %select_n3A_167, %mul3A_8 : i32
        %ne3A = arith.cmpi ne, %add3A_141, %add3A_159 : i32
        %or3A = arith.constant false
        %or3A_169 = arith.ori %or3A, %ne3A : i1
        %or3A_170 = arith.constant false
        %or3A_171 = arith.ori %or3A_169, %or3A_170 : i1
        %ge3A = arith.constant 78 : i32
        %ge3A_172 = arith.cmpi sge, %scan3A_131, %ge3A : i32
        %not3A = arith.constant true
        %not3A_173 = arith.xori %ge3A_172, %not3A : i1
        %and3A = arith.andi %or3A_171, %not3A_173 : i1
        %convert_element_type3A = arith.extui %and3A : i1 to i32
        %cond3A = arith.constant 0 : i32
        %cond3A_174 = arith.cmpi ne, %convert_element_type3A, %cond3A : i32
        scf.if %cond3A_174 {
          "tpu.trace_start"() <{level = 10 : i32, message = "ep_copy_in"}> : () -> ()
          %rem3A_285 = arith.constant 2 : i32
          %rem3A_286 = arith.remui %scan3A_132, %rem3A_285 : i32
          %mul3A_287 = arith.constant 128 : i32
          %mul3A_288 = arith.muli %mul3A_287, %add3A_159 : i32
          %dma_start3A_289 = arith.constant 0 : i32
          %dma_start3A_290 = arith.constant 0 : i32
          %dma_start3A_291 = tpu.memref_slice %run_scoped3A[%rem3A_286, %dma_start3A_289, %dma_start3A_290] : memref<2x128x128xf32, #tpu.memory_space<vmem>> -> memref<1x128x128xf32, #tpu.memory_space<vmem>>
          %dma_start3A_292 = tpu.memref_squeeze %dma_start3A_291 : memref<1x128x128xf32, #tpu.memory_space<vmem>> -> memref<128x128xf32, #tpu.memory_space<vmem>>
          %dma_start3A_293 = arith.constant 0 : i32
          %dma_start3A_294 = tpu.memref_slice %arg2[%mul3A_288, %dma_start3A_293] : memref<323584x128xf32, #tpu.memory_space<hbm>> -> memref<128x128xf32, #tpu.memory_space<hbm>>
          %dma_start3A_295 = tpu.memref_slice %run_scoped3A_10[%rem3A_286] : memref<2x!tpu.dma_semaphore, #tpu.memory_space<semaphore_mem>> -> memref<1x!tpu.dma_semaphore, #tpu.memory_space<semaphore_mem>>
          %dma_start3A_296 = tpu.memref_squeeze %dma_start3A_295 : memref<1x!tpu.dma_semaphore, #tpu.memory_space<semaphore_mem>> -> memref<!tpu.dma_semaphore, #tpu.memory_space<semaphore_mem>>
          %dma_start3A_297 = arith.constant 0 : i32
          %dma_start3A_298 = arith.constant 0 : i32
          %dma_start3A_299 = tpu.memref_slice %run_scoped3A[%rem3A_286, %dma_start3A_297, %dma_start3A_298] : memref<2x128x128xf32, #tpu.memory_space<vmem>> -> memref<1x128x128xf32, #tpu.memory_space<vmem>>
          %dma_start3A_300 = tpu.memref_squeeze %dma_start3A_299 : memref<1x128x128xf32, #tpu.memory_space<vmem>> -> memref<128x128xf32, #tpu.memory_space<vmem>>
          %dma_start3A_301 = arith.constant 0 : i32
          %dma_start3A_302 = tpu.memref_slice %arg2[%mul3A_288, %dma_start3A_301] : memref<323584x128xf32, #tpu.memory_space<hbm>> -> memref<128x128xf32, #tpu.memory_space<hbm>>
          tpu.enqueue_dma source(%dma_start3A_302 : memref<128x128xf32, #tpu.memory_space<hbm>>) target(%dma_start3A_300 : memref<128x128xf32, #tpu.memory_space<vmem>>) target_semaphore(%dma_start3A_296 : memref<!tpu.dma_semaphore, #tpu.memory_space<semaphore_mem>>)
          "tpu.trace_stop"() : () -> ()
        } else {
        }
        %and3A_175 = arith.constant true
        %and3A_176 = arith.andi %and3A, %and3A_175 : i1
        %add3A_177 = arith.constant 1 : i32
        %add3A_178 = arith.addi %scan3A_132, %add3A_177 : i32
        %select_n3A_179 = arith.select %and3A_176, %add3A_178, %scan3A_132 : i32
        %ne3A_180 = arith.cmpi ne, %add3A_141, %add3A_159 : i32
        %or3A_181 = arith.constant false
        %or3A_182 = arith.ori %or3A_181, %ne3A_180 : i1
        %ge3A_183 = arith.constant 78 : i32
        %ge3A_184 = arith.cmpi sge, %scan3A_131, %ge3A_183 : i32
        %not3A_185 = arith.constant true
        %not3A_186 = arith.xori %ge3A_184, %not3A_185 : i1
        %and3A_187 = arith.andi %or3A_182, %not3A_186 : i1
        %convert_element_type3A_188 = arith.extui %and3A_187 : i1 to i32
        %cond3A_189 = arith.constant 0 : i32
        %cond3A_190 = arith.cmpi ne, %convert_element_type3A_188, %cond3A_189 : i32
        scf.if %cond3A_190 {
          "tpu.trace_start"() <{level = 10 : i32, message = "ep_copy_in"}> : () -> ()
          %rem3A_285 = arith.constant 2 : i32
          %rem3A_286 = arith.remui %scan3A_134, %rem3A_285 : i32
          %mul3A_287 = arith.constant 128 : i32
          %mul3A_288 = arith.muli %mul3A_287, %add3A_159 : i32
          %dma_start3A_289 = arith.constant 0 : i32
          %dma_start3A_290 = arith.constant 0 : i32
          %dma_start3A_291 = tpu.memref_slice %run_scoped3A_11[%rem3A_286, %dma_start3A_289, %dma_start3A_290] : memref<2x1x128xi32, #tpu.memory_space<vmem>> -> memref<1x1x128xi32, #tpu.memory_space<vmem>>
          %dma_start3A_292 = tpu.memref_squeeze %dma_start3A_291 : memref<1x1x128xi32, #tpu.memory_space<vmem>> -> memref<1x128xi32, #tpu.memory_space<vmem>>
          %dma_start3A_293 = arith.constant 0 : i32
          %dma_start3A_294 = tpu.memref_slice %arg3[%dma_start3A_293, %mul3A_288] : memref<1x323584xi32, #tpu.memory_space<hbm>> -> memref<1x128xi32, #tpu.memory_space<hbm>>
          %dma_start3A_295 = tpu.memref_slice %run_scoped3A_12[%rem3A_286] : memref<2x!tpu.dma_semaphore, #tpu.memory_space<semaphore_mem>> -> memref<1x!tpu.dma_semaphore, #tpu.memory_space<semaphore_mem>>
          %dma_start3A_296 = tpu.memref_squeeze %dma_start3A_295 : memref<1x!tpu.dma_semaphore, #tpu.memory_space<semaphore_mem>> -> memref<!tpu.dma_semaphore, #tpu.memory_space<semaphore_mem>>
          %dma_start3A_297 = arith.constant 0 : i32
          %dma_start3A_298 = arith.constant 0 : i32
          %dma_start3A_299 = tpu.memref_slice %run_scoped3A_11[%rem3A_286, %dma_start3A_297, %dma_start3A_298] : memref<2x1x128xi32, #tpu.memory_space<vmem>> -> memref<1x1x128xi32, #tpu.memory_space<vmem>>
          %dma_start3A_300 = tpu.memref_squeeze %dma_start3A_299 : memref<1x1x128xi32, #tpu.memory_space<vmem>> -> memref<1x128xi32, #tpu.memory_space<vmem>>
          %dma_start3A_301 = arith.constant 0 : i32
          %dma_start3A_302 = tpu.memref_slice %arg3[%dma_start3A_301, %mul3A_288] : memref<1x323584xi32, #tpu.memory_space<hbm>> -> memref<1x128xi32, #tpu.memory_space<hbm>>
          tpu.enqueue_dma source(%dma_start3A_302 : memref<1x128xi32, #tpu.memory_space<hbm>>) target(%dma_start3A_300 : memref<1x128xi32, #tpu.memory_space<vmem>>) target_semaphore(%dma_start3A_296 : memref<!tpu.dma_semaphore, #tpu.memory_space<semaphore_mem>>)
          "tpu.trace_stop"() : () -> ()
        } else {
        }
        %and3A_191 = arith.constant true
        %and3A_192 = arith.andi %and3A_187, %and3A_191 : i1
        %add3A_193 = arith.constant 1 : i32
        %add3A_194 = arith.addi %scan3A_134, %add3A_193 : i32
        %select_n3A_195 = arith.select %and3A_192, %add3A_194, %scan3A_134 : i32
        %ne3A_196 = arith.cmpi ne, %add3A_141, %add3A_150 : i32
        %or3A_197 = arith.constant false
        %or3A_198 = arith.ori %or3A_197, %ne3A_196 : i1
        %or3A_199 = arith.constant false
        %or3A_200 = arith.ori %or3A_198, %or3A_199 : i1
        %or3A_201 = arith.ori %or3A_200, %eq3A_138 : i1
        %convert_element_type3A_202 = arith.extui %or3A_201 : i1 to i32
        %cond3A_203 = arith.constant 0 : i32
        %cond3A_204 = arith.cmpi ne, %convert_element_type3A_202, %cond3A_203 : i32
        scf.if %cond3A_204 {
          "tpu.trace_start"() <{level = 10 : i32, message = "ep_wait_in"}> : () -> ()
          %mul3A_285 = arith.constant 128 : i32
          %mul3A_286 = arith.muli %mul3A_285, %add3A_141 : i32
          %rem3A_287 = arith.constant 2 : i32
          %rem3A_288 = arith.remui %scan3A_133, %rem3A_287 : i32
          %dma_wait3A = arith.constant 0 : i32
          %dma_wait3A_289 = arith.constant 0 : i32
          %dma_wait3A_290 = tpu.memref_slice %run_scoped3A[%rem3A_288, %dma_wait3A, %dma_wait3A_289] : memref<2x128x128xf32, #tpu.memory_space<vmem>> -> memref<1x128x128xf32, #tpu.memory_space<vmem>>
          %dma_wait3A_291 = tpu.memref_squeeze %dma_wait3A_290 : memref<1x128x128xf32, #tpu.memory_space<vmem>> -> memref<128x128xf32, #tpu.memory_space<vmem>>
          %dma_wait3A_292 = arith.constant 0 : i32
          %dma_wait3A_293 = tpu.memref_slice %arg2[%mul3A_286, %dma_wait3A_292] : memref<323584x128xf32, #tpu.memory_space<hbm>> -> memref<128x128xf32, #tpu.memory_space<hbm>>
          %dma_wait3A_294 = tpu.memref_slice %run_scoped3A_10[%rem3A_288] : memref<2x!tpu.dma_semaphore, #tpu.memory_space<semaphore_mem>> -> memref<1x!tpu.dma_semaphore, #tpu.memory_space<semaphore_mem>>
          %dma_wait3A_295 = tpu.memref_squeeze %dma_wait3A_294 : memref<1x!tpu.dma_semaphore, #tpu.memory_space<semaphore_mem>> -> memref<!tpu.dma_semaphore, #tpu.memory_space<semaphore_mem>>
          %dma_wait3A_296 = arith.constant 0 : i32
          %dma_wait3A_297 = arith.constant 0 : i32
          %dma_wait3A_298 = tpu.memref_slice %run_scoped3A[%rem3A_288, %dma_wait3A_296, %dma_wait3A_297] : memref<2x128x128xf32, #tpu.memory_space<vmem>> -> memref<1x128x128xf32, #tpu.memory_space<vmem>>
          %dma_wait3A_299 = tpu.memref_squeeze %dma_wait3A_298 : memref<1x128x128xf32, #tpu.memory_space<vmem>> -> memref<128x128xf32, #tpu.memory_space<vmem>>
          %dma_wait3A_300 = arith.constant 0 : i32
          %dma_wait3A_301 = tpu.memref_slice %arg2[%mul3A_286, %dma_wait3A_300] : memref<323584x128xf32, #tpu.memory_space<hbm>> -> memref<128x128xf32, #tpu.memory_space<hbm>>
          tpu.wait_dma2 semaphore(%dma_wait3A_295 : memref<!tpu.dma_semaphore, #tpu.memory_space<semaphore_mem>>) src(%dma_wait3A_301 : memref<128x128xf32, #tpu.memory_space<hbm>>) dst(%dma_wait3A_299 : memref<128x128xf32, #tpu.memory_space<vmem>>)
          "tpu.trace_stop"() : () -> ()
        } else {
        }
        %ne3A_205 = arith.cmpi ne, %add3A_141, %add3A_150 : i32
        %or3A_206 = arith.constant false
        %or3A_207 = arith.ori %or3A_206, %ne3A_205 : i1
        %or3A_208 = arith.ori %or3A_207, %eq3A_138 : i1
        %convert_element_type3A_209 = arith.extui %or3A_208 : i1 to i32
        %cond3A_210 = arith.constant 0 : i32
        %cond3A_211 = arith.cmpi ne, %convert_element_type3A_209, %cond3A_210 : i32
        scf.if %cond3A_211 {
          "tpu.trace_start"() <{level = 10 : i32, message = "ep_wait_in"}> : () -> ()
          %mul3A_285 = arith.constant 128 : i32
          %mul3A_286 = arith.muli %mul3A_285, %add3A_141 : i32
          %rem3A_287 = arith.constant 2 : i32
          %rem3A_288 = arith.remui %scan3A_135, %rem3A_287 : i32
          %dma_wait3A = arith.constant 0 : i32
          %dma_wait3A_289 = arith.constant 0 : i32
          %dma_wait3A_290 = tpu.memref_slice %run_scoped3A_11[%rem3A_288, %dma_wait3A, %dma_wait3A_289] : memref<2x1x128xi32, #tpu.memory_space<vmem>> -> memref<1x1x128xi32, #tpu.memory_space<vmem>>
          %dma_wait3A_291 = tpu.memref_squeeze %dma_wait3A_290 : memref<1x1x128xi32, #tpu.memory_space<vmem>> -> memref<1x128xi32, #tpu.memory_space<vmem>>
          %dma_wait3A_292 = arith.constant 0 : i32
          %dma_wait3A_293 = tpu.memref_slice %arg3[%dma_wait3A_292, %mul3A_286] : memref<1x323584xi32, #tpu.memory_space<hbm>> -> memref<1x128xi32, #tpu.memory_space<hbm>>
          %dma_wait3A_294 = tpu.memref_slice %run_scoped3A_12[%rem3A_288] : memref<2x!tpu.dma_semaphore, #tpu.memory_space<semaphore_mem>> -> memref<1x!tpu.dma_semaphore, #tpu.memory_space<semaphore_mem>>
          %dma_wait3A_295 = tpu.memref_squeeze %dma_wait3A_294 : memref<1x!tpu.dma_semaphore, #tpu.memory_space<semaphore_mem>> -> memref<!tpu.dma_semaphore, #tpu.memory_space<semaphore_mem>>
          %dma_wait3A_296 = arith.constant 0 : i32
          %dma_wait3A_297 = arith.constant 0 : i32
          %dma_wait3A_298 = tpu.memref_slice %run_scoped3A_11[%rem3A_288, %dma_wait3A_296, %dma_wait3A_297] : memref<2x1x128xi32, #tpu.memory_space<vmem>> -> memref<1x1x128xi32, #tpu.memory_space<vmem>>
          %dma_wait3A_299 = tpu.memref_squeeze %dma_wait3A_298 : memref<1x1x128xi32, #tpu.memory_space<vmem>> -> memref<1x128xi32, #tpu.memory_space<vmem>>
          %dma_wait3A_300 = arith.constant 0 : i32
          %dma_wait3A_301 = tpu.memref_slice %arg3[%dma_wait3A_300, %mul3A_286] : memref<1x323584xi32, #tpu.memory_space<hbm>> -> memref<1x128xi32, #tpu.memory_space<hbm>>
          tpu.wait_dma2 semaphore(%dma_wait3A_295 : memref<!tpu.dma_semaphore, #tpu.memory_space<semaphore_mem>>) src(%dma_wait3A_301 : memref<1x128xi32, #tpu.memory_space<hbm>>) dst(%dma_wait3A_299 : memref<1x128xi32, #tpu.memory_space<vmem>>)
          "tpu.trace_stop"() : () -> ()
        } else {
        }
        %rem3A_212 = arith.constant 2 : i32
        %rem3A_213 = arith.remui %scan3A_133, %rem3A_212 : i32
        %rem3A_214 = arith.constant 2 : i32
        %rem3A_215 = arith.remui %scan3A_135, %rem3A_214 : i32
        %run_scoped3A_216 = arith.constant 0 : i32
        "tpu.trace_start"() <{level = 10 : i32, message = "ep_run_kernel"}> : () -> ()
        "tpu.region"() ({
          %run_scoped3A_285 = tpu.sem_alloc : memref<!tpu.dma_semaphore, #tpu.memory_space<semaphore_mem>>
          %dma_start3A_286 = arith.constant 0 : i32
          %dma_start3A_287 = arith.constant 0 : i32
          %dma_start3A_288 = tpu.memref_slice %run_scoped3A[%rem3A_213, %dma_start3A_286, %dma_start3A_287] : memref<2x128x128xf32, #tpu.memory_space<vmem>> -> memref<1x128x128xf32, #tpu.memory_space<vmem>>
          %dma_start3A_289 = tpu.memref_squeeze %dma_start3A_288 : memref<1x128x128xf32, #tpu.memory_space<vmem>> -> memref<128x128xf32, #tpu.memory_space<vmem>>
          %dma_start3A_290 = arith.constant 0 : i32
          %dma_start3A_291 = arith.constant 0 : i32
          %dma_start3A_292 = tpu.memref_slice %run_scoped3A_11[%rem3A_215, %dma_start3A_290, %dma_start3A_291] : memref<2x1x128xi32, #tpu.memory_space<vmem>> -> memref<1x1x128xi32, #tpu.memory_space<vmem>>
          %dma_start3A_293 = tpu.memref_squeeze %dma_start3A_292 : memref<1x1x128xi32, #tpu.memory_space<vmem>> -> memref<1x128xi32, #tpu.memory_space<vmem>>
          %dma_start3A_294 = arith.constant 0 : i32
          %dma_start3A_295 = tpu.memref_slice %dma_start3A_293[%run_scoped3A_216, %dma_start3A_294] : memref<1x128xi32, #tpu.memory_space<vmem>> -> memref<1x128xi32, #tpu.memory_space<vmem>>
          %dma_start3A_296 = tpu.memref_squeeze %dma_start3A_295 : memref<1x128xi32, #tpu.memory_space<vmem>> -> memref<128xi32, #tpu.memory_space<vmem>>
          %dma_start3A_297 = arith.constant 0 : i32
          %dma_start3A_298 = arith.constant 0 : i32
          %dma_start3A_299 = tpu.memref_slice %arg6[%dma_start3A_297, %dma_start3A_298] : memref<10240x128xf32, #tpu.memory_space<vmem_shared>> -> memref<10240x128xf32, #tpu.memory_space<vmem_shared>>
          tpu.enqueue_indirect_dma source(%dma_start3A_289 : memref<128x128xf32, #tpu.memory_space<vmem>>) target(%dma_start3A_299 : memref<10240x128xf32, #tpu.memory_space<vmem_shared>>) offsets(%dma_start3A_296 : memref<128xi32, #tpu.memory_space<vmem>>) semaphore(%run_scoped3A_285 : memref<!tpu.dma_semaphore, #tpu.memory_space<semaphore_mem>>) {add = true}
          %dma_wait3A = arith.constant 0 : i32
          %dma_wait3A_300 = arith.constant 0 : i32
          %dma_wait3A_301 = tpu.memref_slice %run_scoped3A[%rem3A_213, %dma_wait3A, %dma_wait3A_300] : memref<2x128x128xf32, #tpu.memory_space<vmem>> -> memref<1x128x128xf32, #tpu.memory_space<vmem>>
          %dma_wait3A_302 = tpu.memref_squeeze %dma_wait3A_301 : memref<1x128x128xf32, #tpu.memory_space<vmem>> -> memref<128x128xf32, #tpu.memory_space<vmem>>
          %dma_wait3A_303 = arith.constant 0 : i32
          %dma_wait3A_304 = arith.constant 0 : i32
          %dma_wait3A_305 = tpu.memref_slice %run_scoped3A_11[%rem3A_215, %dma_wait3A_303, %dma_wait3A_304] : memref<2x1x128xi32, #tpu.memory_space<vmem>> -> memref<1x1x128xi32, #tpu.memory_space<vmem>>
          %dma_wait3A_306 = tpu.memref_squeeze %dma_wait3A_305 : memref<1x1x128xi32, #tpu.memory_space<vmem>> -> memref<1x128xi32, #tpu.memory_space<vmem>>
          %dma_wait3A_307 = arith.constant 0 : i32
          %dma_wait3A_308 = tpu.memref_slice %dma_wait3A_306[%run_scoped3A_216, %dma_wait3A_307] : memref<1x128xi32, #tpu.memory_space<vmem>> -> memref<1x128xi32, #tpu.memory_space<vmem>>
          %dma_wait3A_309 = tpu.memref_squeeze %dma_wait3A_308 : memref<1x128xi32, #tpu.memory_space<vmem>> -> memref<128xi32, #tpu.memory_space<vmem>>
          %dma_wait3A_310 = arith.constant 0 : i32
          %dma_wait3A_311 = arith.constant 0 : i32
          %dma_wait3A_312 = tpu.memref_slice %arg6[%dma_wait3A_310, %dma_wait3A_311] : memref<10240x128xf32, #tpu.memory_space<vmem_shared>> -> memref<10240x128xf32, #tpu.memory_space<vmem_shared>>
          tpu.wait_indirect_dma semaphore(%run_scoped3A_285 : memref<!tpu.dma_semaphore, #tpu.memory_space<semaphore_mem>>) src(%dma_wait3A_302 : memref<128x128xf32, #tpu.memory_space<vmem>>) dst(%dma_wait3A_312 : memref<10240x128xf32, #tpu.memory_space<vmem_shared>>)
          tpu.yield
        }) : () -> ()
        "tpu.trace_stop"() : () -> ()
        %ne3A_217 = arith.cmpi ne, %add3A_141, %add3A_159 : i32
        %or3A_218 = arith.constant false
        %or3A_219 = arith.ori %or3A_218, %ne3A_217 : i1
        %or3A_220 = arith.constant false
        %or3A_221 = arith.ori %or3A_219, %or3A_220 : i1
        %or3A_222 = arith.ori %or3A_221, %eq3A_140 : i1
        %convert_element_type3A_223 = arith.extui %or3A_222 : i1 to i32
        %cond3A_224 = arith.constant 0 : i32
        %cond3A_225 = arith.cmpi ne, %convert_element_type3A_223, %cond3A_224 : i32
        scf.if %cond3A_225 {
        } else {
        }
        %and3A_226 = arith.constant false
        %and3A_227 = arith.andi %or3A_222, %and3A_226 : i1
        %ne3A_228 = arith.cmpi ne, %add3A_141, %add3A_159 : i32
        %or3A_229 = arith.constant false
        %or3A_230 = arith.ori %or3A_229, %ne3A_228 : i1
        %or3A_231 = arith.ori %or3A_230, %eq3A_140 : i1
        %convert_element_type3A_232 = arith.extui %or3A_231 : i1 to i32
        %cond3A_233 = arith.constant 0 : i32
        %cond3A_234 = arith.cmpi ne, %convert_element_type3A_232, %cond3A_233 : i32
        scf.if %cond3A_234 {
        } else {
        }
        %and3A_235 = arith.constant false
        %and3A_236 = arith.andi %or3A_231, %and3A_235 : i1
        %ne3A_237 = arith.cmpi ne, %add3A_141, %add3A_150 : i32
        %or3A_238 = arith.constant false
        %or3A_239 = arith.ori %or3A_238, %ne3A_237 : i1
        %or3A_240 = arith.constant false
        %or3A_241 = arith.ori %or3A_239, %or3A_240 : i1
        %not3A_242 = arith.constant true
        %not3A_243 = arith.xori %eq3A_138, %not3A_242 : i1
        %and3A_244 = arith.andi %or3A_241, %not3A_243 : i1
        %convert_element_type3A_245 = arith.extui %and3A_244 : i1 to i32
        %cond3A_246 = arith.constant 0 : i32
        %cond3A_247 = arith.cmpi ne, %convert_element_type3A_245, %cond3A_246 : i32
        scf.if %cond3A_247 {
        } else {
        }
        %and3A_248 = arith.constant false
        %and3A_249 = arith.andi %and3A_244, %and3A_248 : i1
        %ne3A_250 = arith.cmpi ne, %add3A_141, %add3A_150 : i32
        %or3A_251 = arith.constant false
        %or3A_252 = arith.ori %or3A_251, %ne3A_250 : i1
        %not3A_253 = arith.constant true
        %not3A_254 = arith.xori %eq3A_138, %not3A_253 : i1
        %and3A_255 = arith.andi %or3A_252, %not3A_254 : i1
        %convert_element_type3A_256 = arith.extui %and3A_255 : i1 to i32
        %cond3A_257 = arith.constant 0 : i32
        %cond3A_258 = arith.cmpi ne, %convert_element_type3A_256, %cond3A_257 : i32
        scf.if %cond3A_258 {
        } else {
        }
        %and3A_259 = arith.constant false
        %and3A_260 = arith.andi %and3A_255, %and3A_259 : i1
        %ne3A_261 = arith.cmpi ne, %add3A_141, %add3A_159 : i32
        %or3A_262 = arith.constant false
        %or3A_263 = arith.ori %or3A_262, %ne3A_261 : i1
        %or3A_264 = arith.constant false
        %or3A_265 = arith.ori %or3A_263, %or3A_264 : i1
        %or3A_266 = arith.ori %or3A_265, %eq3A_140 : i1
        %add3A_267 = arith.constant 1 : i32
        %add3A_268 = arith.addi %scan3A_133, %add3A_267 : i32
        %select_n3A_269 = arith.select %or3A_266, %add3A_268, %scan3A_133 : i32
        %ne3A_270 = arith.cmpi ne, %add3A_141, %add3A_159 : i32
        %or3A_271 = arith.constant false
        %or3A_272 = arith.ori %or3A_271, %ne3A_270 : i1
        %or3A_273 = arith.ori %or3A_272, %eq3A_140 : i1
        %add3A_274 = arith.constant 1 : i32
        %add3A_275 = arith.addi %scan3A_135, %add3A_274 : i32
        %select_n3A_276 = arith.select %or3A_273, %add3A_275, %scan3A_135 : i32
        %add3A_277 = arith.constant 1 : i32
        %add3A_278 = arith.addi %scan3A_136, %add3A_277 : i32
        %select_n3A_279 = arith.constant true
        %select_n3A_280 = arith.select %select_n3A_279, %add3A_278, %scan3A_136 : i32
        %eq3A_281 = arith.constant 79 : i32
        %eq3A_282 = arith.cmpi eq, %select_n3A_280, %eq3A_281 : i32
        %select_n3A_283 = arith.constant 0 : i32
        %select_n3A_284 = arith.select %eq3A_282, %select_n3A_283, %select_n3A_280 : i32
        scf.yield %select_n3A_179, %select_n3A_269, %select_n3A_195, %select_n3A_276, %select_n3A_284 : i32, i32, i32, i32, i32
      }
      %scan3A_95 = arith.constant 79 : i32
      %sub3A = arith.constant 1 : i32
      %sub3A_96 = arith.subi %scan3A_94#4, %sub3A : i32
      %select_n3A_97 = arith.constant true
      %select_n3A_98 = arith.select %select_n3A_97, %sub3A_96, %scan3A_94#4 : i32
      %eq3A_99 = arith.constant -1 : i32
      %eq3A_100 = arith.cmpi eq, %select_n3A_98, %eq3A_99 : i32
      %select_n3A_101 = arith.constant 78 : i32
      %select_n3A_102 = arith.select %eq3A_100, %select_n3A_101, %select_n3A_98 : i32
      %add3A_103 = arith.addi %select_n3A_102, %mul3A_8 : i32
      %sub3A_104 = arith.constant 1 : i32
      %sub3A_105 = arith.subi %select_n3A_102, %sub3A_104 : i32
      %select_n3A_106 = arith.constant true
      %select_n3A_107 = arith.select %select_n3A_106, %sub3A_105, %select_n3A_102 : i32
      %eq3A_108 = arith.constant -1 : i32
      %eq3A_109 = arith.cmpi eq, %select_n3A_107, %eq3A_108 : i32
      %select_n3A_110 = arith.constant 78 : i32
      %select_n3A_111 = arith.select %eq3A_109, %select_n3A_110, %select_n3A_107 : i32
      %add3A_112 = arith.addi %select_n3A_111, %mul3A_8 : i32
      %add3A_113 = arith.constant 1 : i32
      %add3A_114 = arith.addi %select_n3A_102, %add3A_113 : i32
      %select_n3A_115 = arith.constant true
      %select_n3A_116 = arith.select %select_n3A_115, %add3A_114, %select_n3A_102 : i32
      %eq3A_117 = arith.constant 79 : i32
      %eq3A_118 = arith.cmpi eq, %select_n3A_116, %eq3A_117 : i32
      %select_n3A_119 = arith.constant 0 : i32
      %select_n3A_120 = arith.select %eq3A_118, %select_n3A_119, %select_n3A_116 : i32
      %add3A_121 = arith.addi %select_n3A_120, %mul3A_8 : i32
      %add3A_122 = arith.constant 1 : i32
      %add3A_123 = arith.addi %select_n3A_120, %add3A_122 : i32
      %select_n3A_124 = arith.constant true
      %select_n3A_125 = arith.select %select_n3A_124, %add3A_123, %select_n3A_120 : i32
      %eq3A_126 = arith.constant 79 : i32
      %eq3A_127 = arith.cmpi eq, %select_n3A_125, %eq3A_126 : i32
      %select_n3A_128 = arith.constant 0 : i32
      %select_n3A_129 = arith.select %eq3A_127, %select_n3A_128, %select_n3A_125 : i32
      %add3A_130 = arith.addi %select_n3A_129, %mul3A_8 : i32
      tpu.yield
    }) : () -> ()
    %barrier3A_9 = arith.constant 0 : index
    tpu.barrier barrier_id(%barrier3A_9)
    "tpu.region"() ({
      %run_scoped3A = tpu.sem_alloc : memref<!tpu.dma_semaphore, #tpu.memory_space<semaphore_mem>>
      %dma_start3A = arith.constant 0 : i32
      %dma_start3A_10 = tpu.memref_slice %arg5[%arg0, %mul3A_0, %dma_start3A] : memref<2x10240x128xf32, #tpu.memory_space<hbm>> -> memref<1x640x128xf32, #tpu.memory_space<hbm>>
      %dma_start3A_11 = tpu.memref_squeeze %dma_start3A_10 : memref<1x640x128xf32, #tpu.memory_space<hbm>> -> memref<640x128xf32, #tpu.memory_space<hbm>>
      %dma_start3A_12 = arith.constant 0 : i32
      %dma_start3A_13 = tpu.memref_slice %arg6[%mul3A_0, %dma_start3A_12] : memref<10240x128xf32, #tpu.memory_space<vmem_shared>> -> memref<640x128xf32, #tpu.memory_space<vmem_shared>>
      tpu.enqueue_dma source(%dma_start3A_13 : memref<640x128xf32, #tpu.memory_space<vmem_shared>>) target(%dma_start3A_11 : memref<640x128xf32, #tpu.memory_space<hbm>>) target_semaphore(%run_scoped3A : memref<!tpu.dma_semaphore, #tpu.memory_space<semaphore_mem>>)
      %dma_wait3A = arith.constant 0 : i32
      %dma_wait3A_14 = tpu.memref_slice %arg5[%arg0, %mul3A_0, %dma_wait3A] : memref<2x10240x128xf32, #tpu.memory_space<hbm>> -> memref<1x640x128xf32, #tpu.memory_space<hbm>>
      %dma_wait3A_15 = tpu.memref_squeeze %dma_wait3A_14 : memref<1x640x128xf32, #tpu.memory_space<hbm>> -> memref<640x128xf32, #tpu.memory_space<hbm>>
      %dma_wait3A_16 = arith.constant 0 : i32
      %dma_wait3A_17 = tpu.memref_slice %arg6[%mul3A_0, %dma_wait3A_16] : memref<10240x128xf32, #tpu.memory_space<vmem_shared>> -> memref<640x128xf32, #tpu.memory_space<vmem_shared>>
      tpu.wait_dma2 semaphore(%run_scoped3A : memref<!tpu.dma_semaphore, #tpu.memory_space<semaphore_mem>>) src(%dma_wait3A_17 : memref<640x128xf32, #tpu.memory_space<vmem_shared>>) dst(%dma_wait3A_15 : memref<640x128xf32, #tpu.memory_space<hbm>>)
      tpu.yield
    }) : () -> ()
    return
  }
}

#map = affine_map<(d0, d1) -> (0, 0)>
#map1 = affine_map<(d0, d1) -> (0, 0, 0)>
module attributes {stable_mosaic.version = 14 : i64} {
  func.func @k(%arg0: i32, %arg1: i32, %arg2: memref<323584x128xf32, #tpu.memory_space<hbm>>, %arg3: memref<1x323584xi32, #tpu.memory_space<hbm>>, %arg4: memref<10240x128xf32, #tpu.memory_space<hbm>>, %arg5: memref<2x10240x128xf32, #tpu.memory_space<hbm>>, %arg6: memref<10240x128xf32, #tpu.memory_space<vmem_shared>>) attributes {dimension_semantics = [#tpu.dimension_semantics<core_parallel>, #tpu.dimension_semantics<subcore_parallel>], iteration_bounds = array<i64: 2, 16>, scalar_prefetch = 0 : i64, scratch_operands = 1 : i64, tpu.core_type = #tpu.core_type<sc_vector_subcore>, window_params = [{transform_indices = #map}, {transform_indices = #map}, {transform_indices = #map}, {transform_indices = #map1}]} {
    %mul3A = arith.constant 640 : i32
    %mul3A_0 = arith.muli %arg1, %mul3A : i32
    "tpu.region"() ({
      %run_scoped3A = tpu.sem_alloc : memref<!tpu.dma_semaphore, #tpu.memory_space<semaphore_mem>>
      %dma_start3A = arith.constant 0 : i32
      %dma_start3A_10 = tpu.memref_slice %arg6[%mul3A_0, %dma_start3A] : memref<10240x128xf32, #tpu.memory_space<vmem_shared>> -> memref<640x128xf32, #tpu.memory_space<vmem_shared>>
      %dma_start3A_11 = arith.constant 0 : i32
      %dma_start3A_12 = tpu.memref_slice %arg4[%mul3A_0, %dma_start3A_11] : memref<10240x128xf32, #tpu.memory_space<hbm>> -> memref<640x128xf32, #tpu.memory_space<hbm>>
      tpu.enqueue_dma source(%dma_start3A_12 : memref<640x128xf32, #tpu.memory_space<hbm>>) target(%dma_start3A_10 : memref<640x128xf32, #tpu.memory_space<vmem_shared>>) target_semaphore(%run_scoped3A : memref<!tpu.dma_semaphore, #tpu.memory_space<semaphore_mem>>)
      %dma_wait3A = arith.constant 0 : i32
      %dma_wait3A_13 = tpu.memref_slice %arg6[%mul3A_0, %dma_wait3A] : memref<10240x128xf32, #tpu.memory_space<vmem_shared>> -> memref<640x128xf32, #tpu.memory_space<vmem_shared>>
      %dma_wait3A_14 = arith.constant 0 : i32
      %dma_wait3A_15 = tpu.memref_slice %arg4[%mul3A_0, %dma_wait3A_14] : memref<10240x128xf32, #tpu.memory_space<hbm>> -> memref<640x128xf32, #tpu.memory_space<hbm>>
      tpu.wait_dma2 semaphore(%run_scoped3A : memref<!tpu.dma_semaphore, #tpu.memory_space<semaphore_mem>>) src(%dma_wait3A_15 : memref<640x128xf32, #tpu.memory_space<hbm>>) dst(%dma_wait3A_13 : memref<640x128xf32, #tpu.memory_space<vmem_shared>>)
      tpu.yield
    }) : () -> ()
    %barrier3A = arith.constant 0 : index
    tpu.barrier barrier_id(%barrier3A)
    %mul3A_1 = arith.constant 1 : i32
    %mul3A_2 = arith.muli %arg1, %mul3A_1 : i32
    %add3A = arith.constant 0 : i32
    %add3A_3 = arith.addi %add3A, %mul3A_2 : i32
    %mul3A_4 = arith.constant 16 : i32
    %mul3A_5 = arith.muli %arg0, %mul3A_4 : i32
    %add3A_6 = arith.addi %add3A_3, %mul3A_5 : i32
    %mul3A_7 = arith.constant 79 : i32
    %mul3A_8 = arith.muli %add3A_6, %mul3A_7 : i32
    "tpu.region"() ({
      %run_scoped3A = memref.alloca() : memref<2x128x128xf32, #tpu.memory_space<vmem>>
      %run_scoped3A_10 = tpu.sem_alloc : memref<2x!tpu.dma_semaphore, #tpu.memory_space<semaphore_mem>>
      %run_scoped3A_11 = memref.alloca() : memref<2x1x128xi32, #tpu.memory_space<vmem>>
      %run_scoped3A_12 = tpu.sem_alloc : memref<2x!tpu.dma_semaphore, #tpu.memory_space<semaphore_mem>>
      %add3A_13 = arith.constant 0 : i32
      %add3A_14 = arith.addi %add3A_13, %mul3A_8 : i32
      %select_n3A = arith.constant true
      %select_n3A_15 = arith.constant 0 : i32
      %select_n3A_16 = arith.constant -1 : i32
      %select_n3A_17 = arith.select %select_n3A, %select_n3A_16, %select_n3A_15 : i32
      %eq3A = arith.constant -1 : i32
      %eq3A_18 = arith.cmpi eq, %select_n3A_17, %eq3A : i32
      %select_n3A_19 = arith.constant 78 : i32
      %select_n3A_20 = arith.select %eq3A_18, %select_n3A_19, %select_n3A_17 : i32
      %add3A_21 = arith.addi %select_n3A_20, %mul3A_8 : i32
      %select_n3A_22 = arith.constant true
      %select_n3A_23 = arith.constant 0 : i32
      %select_n3A_24 = arith.constant 1 : i32
      %select_n3A_25 = arith.select %select_n3A_22, %select_n3A_24, %select_n3A_23 : i32
      %eq3A_26 = arith.constant 79 : i32
      %eq3A_27 = arith.cmpi eq, %select_n3A_25, %eq3A_26 : i32
      %select_n3A_28 = arith.constant 0 : i32
      %select_n3A_29 = arith.select %eq3A_27, %select_n3A_28, %select_n3A_25 : i32
      %add3A_30 = arith.addi %select_n3A_29, %mul3A_8 : i32
      %add3A_31 = arith.constant 1 : i32
      %add3A_32 = arith.addi %select_n3A_29, %add3A_31 : i32
      %select_n3A_33 = arith.constant true
      %select_n3A_34 = arith.select %select_n3A_33, %add3A_32, %select_n3A_29 : i32
      %eq3A_35 = arith.constant 79 : i32
      %eq3A_36 = arith.cmpi eq, %select_n3A_34, %eq3A_35 : i32
      %select_n3A_37 = arith.constant 0 : i32
      %select_n3A_38 = arith.select %eq3A_36, %select_n3A_37, %select_n3A_34 : i32
      %add3A_39 = arith.addi %select_n3A_38, %mul3A_8 : i32
      "tpu.trace_start"() <{level = 10 : i32, message = "ep_initialize_0"}> : () -> ()
      %rem3A = arith.constant 0 : i32
      %rem3A_40 = arith.constant 2 : i32
      %rem3A_41 = arith.remui %rem3A, %rem3A_40 : i32
      %mul3A_42 = arith.constant 128 : i32
      %mul3A_43 = arith.muli %mul3A_42, %add3A_14 : i32
      %dma_start3A = arith.constant 0 : i32
      %dma_start3A_44 = arith.constant 0 : i32
      %dma_start3A_45 = tpu.memref_slice %run_scoped3A[%rem3A_41, %dma_start3A, %dma_start3A_44] : memref<2x128x128xf32, #tpu.memory_space<vmem>> -> memref<1x128x128xf32, #tpu.memory_space<vmem>>
      %dma_start3A_46 = tpu.memref_squeeze %dma_start3A_45 : memref<1x128x128xf32, #tpu.memory_space<vmem>> -> memref<128x128xf32, #tpu.memory_space<vmem>>
      %dma_start3A_47 = arith.constant 0 : i32
      %dma_start3A_48 = tpu.memref_slice %arg2[%mul3A_43, %dma_start3A_47] : memref<323584x128xf32, #tpu.memory_space<hbm>> -> memref<128x128xf32, #tpu.memory_space<hbm>>
      %dma_start3A_49 = tpu.memref_slice %run_scoped3A_10[%rem3A_41] : memref<2x!tpu.dma_semaphore, #tpu.memory_space<semaphore_mem>> -> memref<1x!tpu.dma_semaphore, #tpu.memory_space<semaphore_mem>>
      %dma_start3A_50 = tpu.memref_squeeze %dma_start3A_49 : memref<1x!tpu.dma_semaphore, #tpu.memory_space<semaphore_mem>> -> memref<!tpu.dma_semaphore, #tpu.memory_space<semaphore_mem>>
      %dma_start3A_51 = arith.constant 0 : i32
      %dma_start3A_52 = arith.constant 0 : i32
      %dma_start3A_53 = tpu.memref_slice %run_scoped3A[%rem3A_41, %dma_start3A_51, %dma_start3A_52] : memref<2x128x128xf32, #tpu.memory_space<vmem>> -> memref<1x128x128xf32, #tpu.memory_space<vmem>>
      %dma_start3A_54 = tpu.memref_squeeze %dma_start3A_53 : memref<1x128x128xf32, #tpu.memory_space<vmem>> -> memref<128x128xf32, #tpu.memory_space<vmem>>
      %dma_start3A_55 = arith.constant 0 : i32
      %dma_start3A_56 = tpu.memref_slice %arg2[%mul3A_43, %dma_start3A_55] : memref<323584x128xf32, #tpu.memory_space<hbm>> -> memref<128x128xf32, #tpu.memory_space<hbm>>
      tpu.enqueue_dma source(%dma_start3A_56 : memref<128x128xf32, #tpu.memory_space<hbm>>) target(%dma_start3A_54 : memref<128x128xf32, #tpu.memory_space<vmem>>) target_semaphore(%dma_start3A_50 : memref<!tpu.dma_semaphore, #tpu.memory_space<semaphore_mem>>)
      %add3A_57 = arith.constant 0 : i32
      %add3A_58 = arith.constant 1 : i32
      %add3A_59 = arith.addi %add3A_57, %add3A_58 : i32
      %select_n3A_60 = arith.constant true
      %select_n3A_61 = arith.constant 0 : i32
      %select_n3A_62 = arith.select %select_n3A_60, %add3A_59, %select_n3A_61 : i32
      %rem3A_63 = arith.constant 0 : i32
      %rem3A_64 = arith.constant 2 : i32
      %rem3A_65 = arith.remui %rem3A_63, %rem3A_64 : i32
      %mul3A_66 = arith.constant 128 : i32
      %mul3A_67 = arith.muli %mul3A_66, %add3A_14 : i32
      %dma_start3A_68 = arith.constant 0 : i32
      %dma_start3A_69 = arith.constant 0 : i32
      %dma_start3A_70 = tpu.memref_slice %run_scoped3A_11[%rem3A_65, %dma_start3A_68, %dma_start3A_69] : memref<2x1x128xi32, #tpu.memory_space<vmem>> -> memref<1x1x128xi32, #tpu.memory_space<vmem>>
      %dma_start3A_71 = tpu.memref_squeeze %dma_start3A_70 : memref<1x1x128xi32, #tpu.memory_space<vmem>> -> memref<1x128xi32, #tpu.memory_space<vmem>>
      %dma_start3A_72 = arith.constant 0 : i32
      %dma_start3A_73 = tpu.memref_slice %arg3[%dma_start3A_72, %mul3A_67] : memref<1x323584xi32, #tpu.memory_space<hbm>> -> memref<1x128xi32, #tpu.memory_space<hbm>>
      %dma_start3A_74 = tpu.memref_slice %run_scoped3A_12[%rem3A_65] : memref<2x!tpu.dma_semaphore, #tpu.memory_space<semaphore_mem>> -> memref<1x!tpu.dma_semaphore, #tpu.memory_space<semaphore_mem>>
      %dma_start3A_75 = tpu.memref_squeeze %dma_start3A_74 : memref<1x!tpu.dma_semaphore, #tpu.memory_space<semaphore_mem>> -> memref<!tpu.dma_semaphore, #tpu.memory_space<semaphore_mem>>
      %dma_start3A_76 = arith.constant 0 : i32
      %dma_start3A_77 = arith.constant 0 : i32
      %dma_start3A_78 = tpu.memref_slice %run_scoped3A_11[%rem3A_65, %dma_start3A_76, %dma_start3A_77] : memref<2x1x128xi32, #tpu.memory_space<vmem>> -> memref<1x1x128xi32, #tpu.memory_space<vmem>>
      %dma_start3A_79 = tpu.memref_squeeze %dma_start3A_78 : memref<1x1x128xi32, #tpu.memory_space<vmem>> -> memref<1x128xi32, #tpu.memory_space<vmem>>
      %dma_start3A_80 = arith.constant 0 : i32
      %dma_start3A_81 = tpu.memref_slice %arg3[%dma_start3A_80, %mul3A_67] : memref<1x323584xi32, #tpu.memory_space<hbm>> -> memref<1x128xi32, #tpu.memory_space<hbm>>
      tpu.enqueue_dma source(%dma_start3A_81 : memref<1x128xi32, #tpu.memory_space<hbm>>) target(%dma_start3A_79 : memref<1x128xi32, #tpu.memory_space<vmem>>) target_semaphore(%dma_start3A_75 : memref<!tpu.dma_semaphore, #tpu.memory_space<semaphore_mem>>)
      %add3A_82 = arith.constant 0 : i32
      %add3A_83 = arith.constant 1 : i32
      %add3A_84 = arith.addi %add3A_82, %add3A_83 : i32
      %select_n3A_85 = arith.constant true
      %select_n3A_86 = arith.constant 0 : i32
      %select_n3A_87 = arith.select %select_n3A_85, %add3A_84, %select_n3A_86 : i32
      "tpu.trace_stop"() : () -> ()
      %scan3A = arith.constant 0 : i32
      %scan3A_88 = arith.constant 0 : i32
      %scan3A_89 = arith.constant 0 : i32
      %scan3A_90 = arith.constant 0 : i32
      %scan3A_91 = arith.constant 79 : i32
      %scan3A_92 = arith.addi %scan3A_90, %scan3A_91 : i32
      %scan3A_93 = arith.constant 1 : i32
      %scan3A_94:5 = scf.for %scan3A_131 = %scan3A_90 to %scan3A_92 step %scan3A_93 iter_args(%scan3A_132 = %select_n3A_62, %scan3A_133 = %scan3A, %scan3A_134 = %select_n3A_87, %scan3A_135 = %scan3A_88, %scan3A_136 = %scan3A_89) -> (i32, i32, i32, i32, i32)  : i32 {
        %eq3A_137 = arith.constant 0 : i32
        %eq3A_138 = arith.cmpi eq, %scan3A_131, %eq3A_137 : i32
        %eq3A_139 = arith.constant 78 : i32
        %eq3A_140 = arith.cmpi eq, %scan3A_131, %eq3A_139 : i32
        %add3A_141 = arith.addi %scan3A_136, %mul3A_8 : i32
        %sub3A_142 = arith.constant 1 : i32
        %sub3A_143 = arith.subi %scan3A_136, %sub3A_142 : i32
        %select_n3A_144 = arith.constant true
        %select_n3A_145 = arith.select %select_n3A_144, %sub3A_143, %scan3A_136 : i32
        %eq3A_146 = arith.constant -1 : i32
        %eq3A_147 = arith.cmpi eq, %select_n3A_145, %eq3A_146 : i32
        %select_n3A_148 = arith.constant 78 : i32
        %select_n3A_149 = arith.select %eq3A_147, %select_n3A_148, %select_n3A_145 : i32
        %add3A_150 = arith.addi %select_n3A_149, %mul3A_8 : i32
        %add3A_151 = arith.constant 1 : i32
        %add3A_152 = arith.addi %scan3A_136, %add3A_151 : i32
        %select_n3A_153 = arith.constant true
        %select_n3A_154 = arith.select %select_n3A_153, %add3A_152, %scan3A_136 : i32
        %eq3A_155 = arith.constant 79 : i32
        %eq3A_156 = arith.cmpi eq, %select_n3A_154, %eq3A_155 : i32
        %select_n3A_157 = arith.constant 0 : i32
        %select_n3A_158 = arith.select %eq3A_156, %select_n3A_157, %select_n3A_154 : i32
        %add3A_159 = arith.addi %select_n3A_158, %mul3A_8 : i32
        %add3A_160 = arith.constant 1 : i32
        %add3A_161 = arith.addi %select_n3A_158, %add3A_160 : i32
        %select_n3A_162 = arith.constant true
        %select_n3A_163 = arith.select %select_n3A_162, %add3A_161, %select_n3A_158 : i32
        %eq3A_164 = arith.constant 79 : i32
        %eq3A_165 = arith.cmpi eq, %select_n3A_163, %eq3A_164 : i32
        %select_n3A_166 = arith.constant 0 : i32
        %select_n3A_167 = arith.select %eq3A_165, %select_n3A_166, %select_n3A_163 : i32
        %add3A_168 = arith.addi %select_n3A_167, %mul3A_8 : i32
        %ne3A = arith.cmpi ne, %add3A_141, %add3A_159 : i32
        %or3A = arith.constant false
        %or3A_169 = arith.ori %or3A, %ne3A : i1
        %or3A_170 = arith.constant false
        %or3A_171 = arith.ori %or3A_169, %or3A_170 : i1
        %ge3A = arith.constant 78 : i32
        %ge3A_172 = arith.cmpi sge, %scan3A_131, %ge3A : i32
        %not3A = arith.constant true
        %not3A_173 = arith.xori %ge3A_172, %not3A : i1
        %and3A = arith.andi %or3A_171, %not3A_173 : i1
        %convert_element_type3A = arith.extui %and3A : i1 to i32
        %cond3A = arith.constant 0 : i32
        %cond3A_174 = arith.cmpi ne, %convert_element_type3A, %cond3A : i32
        scf.if %cond3A_174 {
          "tpu.trace_start"() <{level = 10 : i32, message = "ep_copy_in"}> : () -> ()
          %rem3A_285 = arith.constant 2 : i32
          %rem3A_286 = arith.remui %scan3A_132, %rem3A_285 : i32
          %mul3A_287 = arith.constant 128 : i32
          %mul3A_288 = arith.muli %mul3A_287, %add3A_159 : i32
          %dma_start3A_289 = arith.constant 0 : i32
          %dma_start3A_290 = arith.constant 0 : i32
          %dma_start3A_291 = tpu.memref_slice %run_scoped3A[%rem3A_286, %dma_start3A_289, %dma_start3A_290] : memref<2x128x128xf32, #tpu.memory_space<vmem>> -> memref<1x128x128xf32, #tpu.memory_space<vmem>>
          %dma_start3A_292 = tpu.memref_squeeze %dma_start3A_291 : memref<1x128x128xf32, #tpu.memory_space<vmem>> -> memref<128x128xf32, #tpu.memory_space<vmem>>
          %dma_start3A_293 = arith.constant 0 : i32
          %dma_start3A_294 = tpu.memref_slice %arg2[%mul3A_288, %dma_start3A_293] : memref<323584x128xf32, #tpu.memory_space<hbm>> -> memref<128x128xf32, #tpu.memory_space<hbm>>
          %dma_start3A_295 = tpu.memref_slice %run_scoped3A_10[%rem3A_286] : memref<2x!tpu.dma_semaphore, #tpu.memory_space<semaphore_mem>> -> memref<1x!tpu.dma_semaphore, #tpu.memory_space<semaphore_mem>>
          %dma_start3A_296 = tpu.memref_squeeze %dma_start3A_295 : memref<1x!tpu.dma_semaphore, #tpu.memory_space<semaphore_mem>> -> memref<!tpu.dma_semaphore, #tpu.memory_space<semaphore_mem>>
          %dma_start3A_297 = arith.constant 0 : i32
          %dma_start3A_298 = arith.constant 0 : i32
          %dma_start3A_299 = tpu.memref_slice %run_scoped3A[%rem3A_286, %dma_start3A_297, %dma_start3A_298] : memref<2x128x128xf32, #tpu.memory_space<vmem>> -> memref<1x128x128xf32, #tpu.memory_space<vmem>>
          %dma_start3A_300 = tpu.memref_squeeze %dma_start3A_299 : memref<1x128x128xf32, #tpu.memory_space<vmem>> -> memref<128x128xf32, #tpu.memory_space<vmem>>
          %dma_start3A_301 = arith.constant 0 : i32
          %dma_start3A_302 = tpu.memref_slice %arg2[%mul3A_288, %dma_start3A_301] : memref<323584x128xf32, #tpu.memory_space<hbm>> -> memref<128x128xf32, #tpu.memory_space<hbm>>
          tpu.enqueue_dma source(%dma_start3A_302 : memref<128x128xf32, #tpu.memory_space<hbm>>) target(%dma_start3A_300 : memref<128x128xf32, #tpu.memory_space<vmem>>) target_semaphore(%dma_start3A_296 : memref<!tpu.dma_semaphore, #tpu.memory_space<semaphore_mem>>)
          "tpu.trace_stop"() : () -> ()
        } else {
        }
        %and3A_175 = arith.constant true
        %and3A_176 = arith.andi %and3A, %and3A_175 : i1
        %add3A_177 = arith.constant 1 : i32
        %add3A_178 = arith.addi %scan3A_132, %add3A_177 : i32
        %select_n3A_179 = arith.select %and3A_176, %add3A_178, %scan3A_132 : i32
        %ne3A_180 = arith.cmpi ne, %add3A_141, %add3A_159 : i32
        %or3A_181 = arith.constant false
        %or3A_182 = arith.ori %or3A_181, %ne3A_180 : i1
        %ge3A_183 = arith.constant 78 : i32
        %ge3A_184 = arith.cmpi sge, %scan3A_131, %ge3A_183 : i32
        %not3A_185 = arith.constant true
        %not3A_186 = arith.xori %ge3A_184, %not3A_185 : i1
        %and3A_187 = arith.andi %or3A_182, %not3A_186 : i1
        %convert_element_type3A_188 = arith.extui %and3A_187 : i1 to i32
        %cond3A_189 = arith.constant 0 : i32
        %cond3A_190 = arith.cmpi ne, %convert_element_type3A_188, %cond3A_189 : i32
        scf.if %cond3A_190 {
          "tpu.trace_start"() <{level = 10 : i32, message = "ep_copy_in"}> : () -> ()
          %rem3A_285 = arith.constant 2 : i32
          %rem3A_286 = arith.remui %scan3A_134, %rem3A_285 : i32
          %mul3A_287 = arith.constant 128 : i32
          %mul3A_288 = arith.muli %mul3A_287, %add3A_159 : i32
          %dma_start3A_289 = arith.constant 0 : i32
          %dma_start3A_290 = arith.constant 0 : i32
          %dma_start3A_291 = tpu.memref_slice %run_scoped3A_11[%rem3A_286, %dma_start3A_289, %dma_start3A_290] : memref<2x1x128xi32, #tpu.memory_space<vmem>> -> memref<1x1x128xi32, #tpu.memory_space<vmem>>
          %dma_start3A_292 = tpu.memref_squeeze %dma_start3A_291 : memref<1x1x128xi32, #tpu.memory_space<vmem>> -> memref<1x128xi32, #tpu.memory_space<vmem>>
          %dma_start3A_293 = arith.constant 0 : i32
          %dma_start3A_294 = tpu.memref_slice %arg3[%dma_start3A_293, %mul3A_288] : memref<1x323584xi32, #tpu.memory_space<hbm>> -> memref<1x128xi32, #tpu.memory_space<hbm>>
          %dma_start3A_295 = tpu.memref_slice %run_scoped3A_12[%rem3A_286] : memref<2x!tpu.dma_semaphore, #tpu.memory_space<semaphore_mem>> -> memref<1x!tpu.dma_semaphore, #tpu.memory_space<semaphore_mem>>
          %dma_start3A_296 = tpu.memref_squeeze %dma_start3A_295 : memref<1x!tpu.dma_semaphore, #tpu.memory_space<semaphore_mem>> -> memref<!tpu.dma_semaphore, #tpu.memory_space<semaphore_mem>>
          %dma_start3A_297 = arith.constant 0 : i32
          %dma_start3A_298 = arith.constant 0 : i32
          %dma_start3A_299 = tpu.memref_slice %run_scoped3A_11[%rem3A_286, %dma_start3A_297, %dma_start3A_298] : memref<2x1x128xi32, #tpu.memory_space<vmem>> -> memref<1x1x128xi32, #tpu.memory_space<vmem>>
          %dma_start3A_300 = tpu.memref_squeeze %dma_start3A_299 : memref<1x1x128xi32, #tpu.memory_space<vmem>> -> memref<1x128xi32, #tpu.memory_space<vmem>>
          %dma_start3A_301 = arith.constant 0 : i32
          %dma_start3A_302 = tpu.memref_slice %arg3[%dma_start3A_301, %mul3A_288] : memref<1x323584xi32, #tpu.memory_space<hbm>> -> memref<1x128xi32, #tpu.memory_space<hbm>>
          tpu.enqueue_dma source(%dma_start3A_302 : memref<1x128xi32, #tpu.memory_space<hbm>>) target(%dma_start3A_300 : memref<1x128xi32, #tpu.memory_space<vmem>>) target_semaphore(%dma_start3A_296 : memref<!tpu.dma_semaphore, #tpu.memory_space<semaphore_mem>>)
          "tpu.trace_stop"() : () -> ()
        } else {
        }
        %and3A_191 = arith.constant true
        %and3A_192 = arith.andi %and3A_187, %and3A_191 : i1
        %add3A_193 = arith.constant 1 : i32
        %add3A_194 = arith.addi %scan3A_134, %add3A_193 : i32
        %select_n3A_195 = arith.select %and3A_192, %add3A_194, %scan3A_134 : i32
        %ne3A_196 = arith.cmpi ne, %add3A_141, %add3A_150 : i32
        %or3A_197 = arith.constant false
        %or3A_198 = arith.ori %or3A_197, %ne3A_196 : i1
        %or3A_199 = arith.constant false
        %or3A_200 = arith.ori %or3A_198, %or3A_199 : i1
        %or3A_201 = arith.ori %or3A_200, %eq3A_138 : i1
        %convert_element_type3A_202 = arith.extui %or3A_201 : i1 to i32
        %cond3A_203 = arith.constant 0 : i32
        %cond3A_204 = arith.cmpi ne, %convert_element_type3A_202, %cond3A_203 : i32
        scf.if %cond3A_204 {
          "tpu.trace_start"() <{level = 10 : i32, message = "ep_wait_in"}> : () -> ()
          %mul3A_285 = arith.constant 128 : i32
          %mul3A_286 = arith.muli %mul3A_285, %add3A_141 : i32
          %rem3A_287 = arith.constant 2 : i32
          %rem3A_288 = arith.remui %scan3A_133, %rem3A_287 : i32
          %dma_wait3A = arith.constant 0 : i32
          %dma_wait3A_289 = arith.constant 0 : i32
          %dma_wait3A_290 = tpu.memref_slice %run_scoped3A[%rem3A_288, %dma_wait3A, %dma_wait3A_289] : memref<2x128x128xf32, #tpu.memory_space<vmem>> -> memref<1x128x128xf32, #tpu.memory_space<vmem>>
          %dma_wait3A_291 = tpu.memref_squeeze %dma_wait3A_290 : memref<1x128x128xf32, #tpu.memory_space<vmem>> -> memref<128x128xf32, #tpu.memory_space<vmem>>
          %dma_wait3A_292 = arith.constant 0 : i32
          %dma_wait3A_293 = tpu.memref_slice %arg2[%mul3A_286, %dma_wait3A_292] : memref<323584x128xf32, #tpu.memory_space<hbm>> -> memref<128x128xf32, #tpu.memory_space<hbm>>
          %dma_wait3A_294 = tpu.memref_slice %run_scoped3A_10[%rem3A_288] : memref<2x!tpu.dma_semaphore, #tpu.memory_space<semaphore_mem>> -> memref<1x!tpu.dma_semaphore, #tpu.memory_space<semaphore_mem>>
          %dma_wait3A_295 = tpu.memref_squeeze %dma_wait3A_294 : memref<1x!tpu.dma_semaphore, #tpu.memory_space<semaphore_mem>> -> memref<!tpu.dma_semaphore, #tpu.memory_space<semaphore_mem>>
          %dma_wait3A_296 = arith.constant 0 : i32
          %dma_wait3A_297 = arith.constant 0 : i32
          %dma_wait3A_298 = tpu.memref_slice %run_scoped3A[%rem3A_288, %dma_wait3A_296, %dma_wait3A_297] : memref<2x128x128xf32, #tpu.memory_space<vmem>> -> memref<1x128x128xf32, #tpu.memory_space<vmem>>
          %dma_wait3A_299 = tpu.memref_squeeze %dma_wait3A_298 : memref<1x128x128xf32, #tpu.memory_space<vmem>> -> memref<128x128xf32, #tpu.memory_space<vmem>>
          %dma_wait3A_300 = arith.constant 0 : i32
          %dma_wait3A_301 = tpu.memref_slice %arg2[%mul3A_286, %dma_wait3A_300] : memref<323584x128xf32, #tpu.memory_space<hbm>> -> memref<128x128xf32, #tpu.memory_space<hbm>>
          tpu.wait_dma2 semaphore(%dma_wait3A_295 : memref<!tpu.dma_semaphore, #tpu.memory_space<semaphore_mem>>) src(%dma_wait3A_301 : memref<128x128xf32, #tpu.memory_space<hbm>>) dst(%dma_wait3A_299 : memref<128x128xf32, #tpu.memory_space<vmem>>)
          "tpu.trace_stop"() : () -> ()
        } else {
        }
        %ne3A_205 = arith.cmpi ne, %add3A_141, %add3A_150 : i32
        %or3A_206 = arith.constant false
        %or3A_207 = arith.ori %or3A_206, %ne3A_205 : i1
        %or3A_208 = arith.ori %or3A_207, %eq3A_138 : i1
        %convert_element_type3A_209 = arith.extui %or3A_208 : i1 to i32
        %cond3A_210 = arith.constant 0 : i32
        %cond3A_211 = arith.cmpi ne, %convert_element_type3A_209, %cond3A_210 : i32
        scf.if %cond3A_211 {
          "tpu.trace_start"() <{level = 10 : i32, message = "ep_wait_in"}> : () -> ()
          %mul3A_285 = arith.constant 128 : i32
          %mul3A_286 = arith.muli %mul3A_285, %add3A_141 : i32
          %rem3A_287 = arith.constant 2 : i32
          %rem3A_288 = arith.remui %scan3A_135, %rem3A_287 : i32
          %dma_wait3A = arith.constant 0 : i32
          %dma_wait3A_289 = arith.constant 0 : i32
          %dma_wait3A_290 = tpu.memref_slice %run_scoped3A_11[%rem3A_288, %dma_wait3A, %dma_wait3A_289] : memref<2x1x128xi32, #tpu.memory_space<vmem>> -> memref<1x1x128xi32, #tpu.memory_space<vmem>>
          %dma_wait3A_291 = tpu.memref_squeeze %dma_wait3A_290 : memref<1x1x128xi32, #tpu.memory_space<vmem>> -> memref<1x128xi32, #tpu.memory_space<vmem>>
          %dma_wait3A_292 = arith.constant 0 : i32
          %dma_wait3A_293 = tpu.memref_slice %arg3[%dma_wait3A_292, %mul3A_286] : memref<1x323584xi32, #tpu.memory_space<hbm>> -> memref<1x128xi32, #tpu.memory_space<hbm>>
          %dma_wait3A_294 = tpu.memref_slice %run_scoped3A_12[%rem3A_288] : memref<2x!tpu.dma_semaphore, #tpu.memory_space<semaphore_mem>> -> memref<1x!tpu.dma_semaphore, #tpu.memory_space<semaphore_mem>>
          %dma_wait3A_295 = tpu.memref_squeeze %dma_wait3A_294 : memref<1x!tpu.dma_semaphore, #tpu.memory_space<semaphore_mem>> -> memref<!tpu.dma_semaphore, #tpu.memory_space<semaphore_mem>>
          %dma_wait3A_296 = arith.constant 0 : i32
          %dma_wait3A_297 = arith.constant 0 : i32
          %dma_wait3A_298 = tpu.memref_slice %run_scoped3A_11[%rem3A_288, %dma_wait3A_296, %dma_wait3A_297] : memref<2x1x128xi32, #tpu.memory_space<vmem>> -> memref<1x1x128xi32, #tpu.memory_space<vmem>>
          %dma_wait3A_299 = tpu.memref_squeeze %dma_wait3A_298 : memref<1x1x128xi32, #tpu.memory_space<vmem>> -> memref<1x128xi32, #tpu.memory_space<vmem>>
          %dma_wait3A_300 = arith.constant 0 : i32
          %dma_wait3A_301 = tpu.memref_slice %arg3[%dma_wait3A_300, %mul3A_286] : memref<1x323584xi32, #tpu.memory_space<hbm>> -> memref<1x128xi32, #tpu.memory_space<hbm>>
          tpu.wait_dma2 semaphore(%dma_wait3A_295 : memref<!tpu.dma_semaphore, #tpu.memory_space<semaphore_mem>>) src(%dma_wait3A_301 : memref<1x128xi32, #tpu.memory_space<hbm>>) dst(%dma_wait3A_299 : memref<1x128xi32, #tpu.memory_space<vmem>>)
          "tpu.trace_stop"() : () -> ()
        } else {
        }
        %rem3A_212 = arith.constant 2 : i32
        %rem3A_213 = arith.remui %scan3A_133, %rem3A_212 : i32
        %rem3A_214 = arith.constant 2 : i32
        %rem3A_215 = arith.remui %scan3A_135, %rem3A_214 : i32
        %run_scoped3A_216 = arith.constant 0 : i32
        "tpu.trace_start"() <{level = 10 : i32, message = "ep_run_kernel"}> : () -> ()
        "tpu.region"() ({
          %run_scoped3A_285 = tpu.sem_alloc : memref<!tpu.dma_semaphore, #tpu.memory_space<semaphore_mem>>
          %dma_start3A_286 = arith.constant 0 : i32
          %dma_start3A_287 = arith.constant 0 : i32
          %dma_start3A_288 = tpu.memref_slice %run_scoped3A[%rem3A_213, %dma_start3A_286, %dma_start3A_287] : memref<2x128x128xf32, #tpu.memory_space<vmem>> -> memref<1x128x128xf32, #tpu.memory_space<vmem>>
          %dma_start3A_289 = tpu.memref_squeeze %dma_start3A_288 : memref<1x128x128xf32, #tpu.memory_space<vmem>> -> memref<128x128xf32, #tpu.memory_space<vmem>>
          %dma_start3A_290 = arith.constant 0 : i32
          %dma_start3A_291 = arith.constant 0 : i32
          %dma_start3A_292 = tpu.memref_slice %run_scoped3A_11[%rem3A_215, %dma_start3A_290, %dma_start3A_291] : memref<2x1x128xi32, #tpu.memory_space<vmem>> -> memref<1x1x128xi32, #tpu.memory_space<vmem>>
          %dma_start3A_293 = tpu.memref_squeeze %dma_start3A_292 : memref<1x1x128xi32, #tpu.memory_space<vmem>> -> memref<1x128xi32, #tpu.memory_space<vmem>>
          %dma_start3A_294 = arith.constant 0 : i32
          %dma_start3A_295 = tpu.memref_slice %dma_start3A_293[%run_scoped3A_216, %dma_start3A_294] : memref<1x128xi32, #tpu.memory_space<vmem>> -> memref<1x128xi32, #tpu.memory_space<vmem>>
          %dma_start3A_296 = tpu.memref_squeeze %dma_start3A_295 : memref<1x128xi32, #tpu.memory_space<vmem>> -> memref<128xi32, #tpu.memory_space<vmem>>
          %dma_start3A_297 = arith.constant 0 : i32
          %dma_start3A_298 = arith.constant 0 : i32
          %dma_start3A_299 = tpu.memref_slice %arg6[%dma_start3A_297, %dma_start3A_298] : memref<10240x128xf32, #tpu.memory_space<vmem_shared>> -> memref<10240x128xf32, #tpu.memory_space<vmem_shared>>
          tpu.enqueue_indirect_dma source(%dma_start3A_289 : memref<128x128xf32, #tpu.memory_space<vmem>>) target(%dma_start3A_299 : memref<10240x128xf32, #tpu.memory_space<vmem_shared>>) offsets(%dma_start3A_296 : memref<128xi32, #tpu.memory_space<vmem>>) semaphore(%run_scoped3A_285 : memref<!tpu.dma_semaphore, #tpu.memory_space<semaphore_mem>>) {add = true}
          %dma_wait3A = arith.constant 0 : i32
          %dma_wait3A_300 = arith.constant 0 : i32
          %dma_wait3A_301 = tpu.memref_slice %run_scoped3A[%rem3A_213, %dma_wait3A, %dma_wait3A_300] : memref<2x128x128xf32, #tpu.memory_space<vmem>> -> memref<1x128x128xf32, #tpu.memory_space<vmem>>
          %dma_wait3A_302 = tpu.memref_squeeze %dma_wait3A_301 : memref<1x128x128xf32, #tpu.memory_space<vmem>> -> memref<128x128xf32, #tpu.memory_space<vmem>>
          %dma_wait3A_303 = arith.constant 0 : i32
          %dma_wait3A_304 = arith.constant 0 : i32
          %dma_wait3A_305 = tpu.memref_slice %run_scoped3A_11[%rem3A_215, %dma_wait3A_303, %dma_wait3A_304] : memref<2x1x128xi32, #tpu.memory_space<vmem>> -> memref<1x1x128xi32, #tpu.memory_space<vmem>>
          %dma_wait3A_306 = tpu.memref_squeeze %dma_wait3A_305 : memref<1x1x128xi32, #tpu.memory_space<vmem>> -> memref<1x128xi32, #tpu.memory_space<vmem>>
          %dma_wait3A_307 = arith.constant 0 : i32
          %dma_wait3A_308 = tpu.memref_slice %dma_wait3A_306[%run_scoped3A_216, %dma_wait3A_307] : memref<1x128xi32, #tpu.memory_space<vmem>> -> memref<1x128xi32, #tpu.memory_space<vmem>>
          %dma_wait3A_309 = tpu.memref_squeeze %dma_wait3A_308 : memref<1x128xi32, #tpu.memory_space<vmem>> -> memref<128xi32, #tpu.memory_space<vmem>>
          %dma_wait3A_310 = arith.constant 0 : i32
          %dma_wait3A_311 = arith.constant 0 : i32
          %dma_wait3A_312 = tpu.memref_slice %arg6[%dma_wait3A_310, %dma_wait3A_311] : memref<10240x128xf32, #tpu.memory_space<vmem_shared>> -> memref<10240x128xf32, #tpu.memory_space<vmem_shared>>
          tpu.wait_indirect_dma semaphore(%run_scoped3A_285 : memref<!tpu.dma_semaphore, #tpu.memory_space<semaphore_mem>>) src(%dma_wait3A_302 : memref<128x128xf32, #tpu.memory_space<vmem>>) dst(%dma_wait3A_312 : memref<10240x128xf32, #tpu.memory_space<vmem_shared>>)
          tpu.yield
        }) : () -> ()
        "tpu.trace_stop"() : () -> ()
        %ne3A_217 = arith.cmpi ne, %add3A_141, %add3A_159 : i32
        %or3A_218 = arith.constant false
        %or3A_219 = arith.ori %or3A_218, %ne3A_217 : i1
        %or3A_220 = arith.constant false
        %or3A_221 = arith.ori %or3A_219, %or3A_220 : i1
        %or3A_222 = arith.ori %or3A_221, %eq3A_140 : i1
        %convert_element_type3A_223 = arith.extui %or3A_222 : i1 to i32
        %cond3A_224 = arith.constant 0 : i32
        %cond3A_225 = arith.cmpi ne, %convert_element_type3A_223, %cond3A_224 : i32
        scf.if %cond3A_225 {
        } else {
        }
        %and3A_226 = arith.constant false
        %and3A_227 = arith.andi %or3A_222, %and3A_226 : i1
        %ne3A_228 = arith.cmpi ne, %add3A_141, %add3A_159 : i32
        %or3A_229 = arith.constant false
        %or3A_230 = arith.ori %or3A_229, %ne3A_228 : i1
        %or3A_231 = arith.ori %or3A_230, %eq3A_140 : i1
        %convert_element_type3A_232 = arith.extui %or3A_231 : i1 to i32
        %cond3A_233 = arith.constant 0 : i32
        %cond3A_234 = arith.cmpi ne, %convert_element_type3A_232, %cond3A_233 : i32
        scf.if %cond3A_234 {
        } else {
        }
        %and3A_235 = arith.constant false
        %and3A_236 = arith.andi %or3A_231, %and3A_235 : i1
        %ne3A_237 = arith.cmpi ne, %add3A_141, %add3A_150 : i32
        %or3A_238 = arith.constant false
        %or3A_239 = arith.ori %or3A_238, %ne3A_237 : i1
        %or3A_240 = arith.constant false
        %or3A_241 = arith.ori %or3A_239, %or3A_240 : i1
        %not3A_242 = arith.constant true
        %not3A_243 = arith.xori %eq3A_138, %not3A_242 : i1
        %and3A_244 = arith.andi %or3A_241, %not3A_243 : i1
        %convert_element_type3A_245 = arith.extui %and3A_244 : i1 to i32
        %cond3A_246 = arith.constant 0 : i32
        %cond3A_247 = arith.cmpi ne, %convert_element_type3A_245, %cond3A_246 : i32
        scf.if %cond3A_247 {
        } else {
        }
        %and3A_248 = arith.constant false
        %and3A_249 = arith.andi %and3A_244, %and3A_248 : i1
        %ne3A_250 = arith.cmpi ne, %add3A_141, %add3A_150 : i32
        %or3A_251 = arith.constant false
        %or3A_252 = arith.ori %or3A_251, %ne3A_250 : i1
        %not3A_253 = arith.constant true
        %not3A_254 = arith.xori %eq3A_138, %not3A_253 : i1
        %and3A_255 = arith.andi %or3A_252, %not3A_254 : i1
        %convert_element_type3A_256 = arith.extui %and3A_255 : i1 to i32
        %cond3A_257 = arith.constant 0 : i32
        %cond3A_258 = arith.cmpi ne, %convert_element_type3A_256, %cond3A_257 : i32
        scf.if %cond3A_258 {
        } else {
        }
        %and3A_259 = arith.constant false
        %and3A_260 = arith.andi %and3A_255, %and3A_259 : i1
        %ne3A_261 = arith.cmpi ne, %add3A_141, %add3A_159 : i32
        %or3A_262 = arith.constant false
        %or3A_263 = arith.ori %or3A_262, %ne3A_261 : i1
        %or3A_264 = arith.constant false
        %or3A_265 = arith.ori %or3A_263, %or3A_264 : i1
        %or3A_266 = arith.ori %or3A_265, %eq3A_140 : i1
        %add3A_267 = arith.constant 1 : i32
        %add3A_268 = arith.addi %scan3A_133, %add3A_267 : i32
        %select_n3A_269 = arith.select %or3A_266, %add3A_268, %scan3A_133 : i32
        %ne3A_270 = arith.cmpi ne, %add3A_141, %add3A_159 : i32
        %or3A_271 = arith.constant false
        %or3A_272 = arith.ori %or3A_271, %ne3A_270 : i1
        %or3A_273 = arith.ori %or3A_272, %eq3A_140 : i1
        %add3A_274 = arith.constant 1 : i32
        %add3A_275 = arith.addi %scan3A_135, %add3A_274 : i32
        %select_n3A_276 = arith.select %or3A_273, %add3A_275, %scan3A_135 : i32
        %add3A_277 = arith.constant 1 : i32
        %add3A_278 = arith.addi %scan3A_136, %add3A_277 : i32
        %select_n3A_279 = arith.constant true
        %select_n3A_280 = arith.select %select_n3A_279, %add3A_278, %scan3A_136 : i32
        %eq3A_281 = arith.constant 79 : i32
        %eq3A_282 = arith.cmpi eq, %select_n3A_280, %eq3A_281 : i32
        %select_n3A_283 = arith.constant 0 : i32
        %select_n3A_284 = arith.select %eq3A_282, %select_n3A_283, %select_n3A_280 : i32
        scf.yield %select_n3A_179, %select_n3A_269, %select_n3A_195, %select_n3A_276, %select_n3A_284 : i32, i32, i32, i32, i32
      }
      %scan3A_95 = arith.constant 79 : i32
      %sub3A = arith.constant 1 : i32
      %sub3A_96 = arith.subi %scan3A_94#4, %sub3A : i32
      %select_n3A_97 = arith.constant true
      %select_n3A_98 = arith.select %select_n3A_97, %sub3A_96, %scan3A_94#4 : i32
      %eq3A_99 = arith.constant -1 : i32
      %eq3A_100 = arith.cmpi eq, %select_n3A_98, %eq3A_99 : i32
      %select_n3A_101 = arith.constant 78 : i32
      %select_n3A_102 = arith.select %eq3A_100, %select_n3A_101, %select_n3A_98 : i32
      %add3A_103 = arith.addi %select_n3A_102, %mul3A_8 : i32
      %sub3A_104 = arith.constant 1 : i32
      %sub3A_105 = arith.subi %select_n3A_102, %sub3A_104 : i32
      %select_n3A_106 = arith.constant true
      %select_n3A_107 = arith.select %select_n3A_106, %sub3A_105, %select_n3A_102 : i32
      %eq3A_108 = arith.constant -1 : i32
      %eq3A_109 = arith.cmpi eq, %select_n3A_107, %eq3A_108 : i32
      %select_n3A_110 = arith.constant 78 : i32
      %select_n3A_111 = arith.select %eq3A_109, %select_n3A_110, %select_n3A_107 : i32
      %add3A_112 = arith.addi %select_n3A_111, %mul3A_8 : i32
      %add3A_113 = arith.constant 1 : i32
      %add3A_114 = arith.addi %select_n3A_102, %add3A_113 : i32
      %select_n3A_115 = arith.constant true
      %select_n3A_116 = arith.select %select_n3A_115, %add3A_114, %select_n3A_102 : i32
      %eq3A_117 = arith.constant 79 : i32
      %eq3A_118 = arith.cmpi eq, %select_n3A_116, %eq3A_117 : i32
      %select_n3A_119 = arith.constant 0 : i32
      %select_n3A_120 = arith.select %eq3A_118, %select_n3A_119, %select_n3A_116 : i32
      %add3A_121 = arith.addi %select_n3A_120, %mul3A_8 : i32
      %add3A_122 = arith.constant 1 : i32
      %add3A_123 = arith.addi %select_n3A_120, %add3A_122 : i32
      %select_n3A_124 = arith.constant true
      %select_n3A_125 = arith.select %select_n3A_124, %add3A_123, %select_n3A_120 : i32
      %eq3A_126 = arith.constant 79 : i32
      %eq3A_127 = arith.cmpi eq, %select_n3A_125, %eq3A_126 : i32
      %select_n3A_128 = arith.constant 0 : i32
      %select_n3A_129 = arith.select %eq3A_127, %select_n3A_128, %select_n3A_125 : i32
      %add3A_130 = arith.addi %select_n3A_129, %mul3A_8 : i32
      tpu.yield
    }) : () -> ()
    %barrier3A_9 = arith.constant 0 : index
    tpu.barrier barrier_id(%barrier3A_9)
    "tpu.region"() ({
      %run_scoped3A = tpu.sem_alloc : memref<!tpu.dma_semaphore, #tpu.memory_space<semaphore_mem>>
      %dma_start3A = arith.constant 0 : i32
      %dma_start3A_10 = tpu.memref_slice %arg5[%arg0, %mul3A_0, %dma_start3A] : memref<2x10240x128xf32, #tpu.memory_space<hbm>> -> memref<1x640x128xf32, #tpu.memory_space<hbm>>
      %dma_start3A_11 = tpu.memref_squeeze %dma_start3A_10 : memref<1x640x128xf32, #tpu.memory_space<hbm>> -> memref<640x128xf32, #tpu.memory_space<hbm>>
      %dma_start3A_12 = arith.constant 0 : i32
      %dma_start3A_13 = tpu.memref_slice %arg6[%mul3A_0, %dma_start3A_12] : memref<10240x128xf32, #tpu.memory_space<vmem_shared>> -> memref<640x128xf32, #tpu.memory_space<vmem_shared>>
      tpu.enqueue_dma source(%dma_start3A_13 : memref<640x128xf32, #tpu.memory_space<vmem_shared>>) target(%dma_start3A_11 : memref<640x128xf32, #tpu.memory_space<hbm>>) target_semaphore(%run_scoped3A : memref<!tpu.dma_semaphore, #tpu.memory_space<semaphore_mem>>)
      %dma_wait3A = arith.constant 0 : i32
      %dma_wait3A_14 = tpu.memref_slice %arg5[%arg0, %mul3A_0, %dma_wait3A] : memref<2x10240x128xf32, #tpu.memory_space<hbm>> -> memref<1x640x128xf32, #tpu.memory_space<hbm>>
      %dma_wait3A_15 = tpu.memref_squeeze %dma_wait3A_14 : memref<1x640x128xf32, #tpu.memory_space<hbm>> -> memref<640x128xf32, #tpu.memory_space<hbm>>
      %dma_wait3A_16 = arith.constant 0 : i32
      %dma_wait3A_17 = tpu.memref_slice %arg6[%mul3A_0, %dma_wait3A_16] : memref<10240x128xf32, #tpu.memory_space<vmem_shared>> -> memref<640x128xf32, #tpu.memory_space<vmem_shared>>
      tpu.wait_dma2 semaphore(%run_scoped3A : memref<!tpu.dma_semaphore, #tpu.memory_space<semaphore_mem>>) src(%dma_wait3A_17 : memref<640x128xf32, #tpu.memory_space<vmem_shared>>) dst(%dma_wait3A_15 : memref<640x128xf32, #tpu.memory_space<hbm>>)
      tpu.yield
    }) : () -> ()
    return
  }
}

#map = affine_map<(d0, d1) -> (0, 0)>
module attributes {stable_mosaic.version = 14 : i64} {
  func.func @k(%arg0: i32, %arg1: i32, %arg2: memref<10240x128xf32, #tpu.memory_space<hbm>>, %arg3: memref<1x323584xi32, #tpu.memory_space<hbm>>, %arg4: memref<323584x128xf32, #tpu.memory_space<hbm>>, %arg5: memref<10240x128xf32, #tpu.memory_space<vmem_shared>>) attributes {dimension_semantics = [#tpu.dimension_semantics<core_parallel>, #tpu.dimension_semantics<subcore_parallel>], iteration_bounds = array<i64: 2, 16>, scalar_prefetch = 0 : i64, scratch_operands = 1 : i64, tpu.core_type = #tpu.core_type<sc_vector_subcore>, window_params = [{transform_indices = #map}, {transform_indices = #map}, {transform_indices = #map}]} {
    %mul3A = arith.constant 640 : i32
    %mul3A_0 = arith.muli %arg1, %mul3A : i32
    %scan3A = arith.constant 0 : i32
    %scan3A_1 = arith.constant 5 : i32
    %scan3A_2 = arith.addi %scan3A, %scan3A_1 : i32
    %scan3A_3 = arith.constant 1 : i32
    scf.for %scan3A_13 = %scan3A to %scan3A_2 step %scan3A_3  : i32 {
      %mul3A_14 = arith.constant 128 : i32
      %mul3A_15 = arith.muli %scan3A_13, %mul3A_14 : i32
      %add3A_16 = arith.constant 0 : i32
      %add3A_17 = arith.addi %add3A_16, %mul3A_15 : i32
      %add3A_18 = arith.addi %mul3A_0, %add3A_17 : i32
      %add3A_19 = arith.addi %mul3A_0, %add3A_17 : i32
      "tpu.region"() ({
        %run_scoped3A = tpu.sem_alloc : memref<!tpu.dma_semaphore, #tpu.memory_space<semaphore_mem>>
        %dma_start3A = arith.constant 0 : i32
        %dma_start3A_20 = tpu.memref_slice %arg5[%add3A_19, %dma_start3A] : memref<10240x128xf32, #tpu.memory_space<vmem_shared>> -> memref<128x128xf32, #tpu.memory_space<vmem_shared>>
        %dma_start3A_21 = arith.constant 0 : i32
        %dma_start3A_22 = tpu.memref_slice %arg2[%add3A_18, %dma_start3A_21] : memref<10240x128xf32, #tpu.memory_space<hbm>> -> memref<128x128xf32, #tpu.memory_space<hbm>>
        tpu.enqueue_dma source(%dma_start3A_22 : memref<128x128xf32, #tpu.memory_space<hbm>>) target(%dma_start3A_20 : memref<128x128xf32, #tpu.memory_space<vmem_shared>>) target_semaphore(%run_scoped3A : memref<!tpu.dma_semaphore, #tpu.memory_space<semaphore_mem>>)
        %dma_wait3A = arith.constant 0 : i32
        %dma_wait3A_23 = tpu.memref_slice %arg5[%add3A_19, %dma_wait3A] : memref<10240x128xf32, #tpu.memory_space<vmem_shared>> -> memref<128x128xf32, #tpu.memory_space<vmem_shared>>
        %dma_wait3A_24 = arith.constant 0 : i32
        %dma_wait3A_25 = tpu.memref_slice %arg2[%add3A_18, %dma_wait3A_24] : memref<10240x128xf32, #tpu.memory_space<hbm>> -> memref<128x128xf32, #tpu.memory_space<hbm>>
        tpu.wait_dma2 semaphore(%run_scoped3A : memref<!tpu.dma_semaphore, #tpu.memory_space<semaphore_mem>>) src(%dma_wait3A_25 : memref<128x128xf32, #tpu.memory_space<hbm>>) dst(%dma_wait3A_23 : memref<128x128xf32, #tpu.memory_space<vmem_shared>>)
        tpu.yield
      }) : () -> ()
    }
    %scan3A_4 = arith.constant 5 : i32
    %barrier3A = arith.constant 0 : index
    tpu.barrier barrier_id(%barrier3A)
    %mul3A_5 = arith.constant 1 : i32
    %mul3A_6 = arith.muli %arg1, %mul3A_5 : i32
    %add3A = arith.constant 0 : i32
    %add3A_7 = arith.addi %add3A, %mul3A_6 : i32
    %mul3A_8 = arith.constant 16 : i32
    %mul3A_9 = arith.muli %arg0, %mul3A_8 : i32
    %add3A_10 = arith.addi %add3A_7, %mul3A_9 : i32
    %mul3A_11 = arith.constant 79 : i32
    %mul3A_12 = arith.muli %add3A_10, %mul3A_11 : i32
    "tpu.region"() ({
      %run_scoped3A = memref.alloca() : memref<2x1x128xi32, #tpu.memory_space<vmem>>
      %run_scoped3A_13 = tpu.sem_alloc : memref<2x!tpu.dma_semaphore, #tpu.memory_space<semaphore_mem>>
      %run_scoped3A_14 = memref.alloca() : memref<2x128x128xf32, #tpu.memory_space<vmem>>
      %run_scoped3A_15 = tpu.sem_alloc : memref<2x!tpu.dma_semaphore, #tpu.memory_space<semaphore_mem>>
      %add3A_16 = arith.constant 0 : i32
      %add3A_17 = arith.addi %add3A_16, %mul3A_12 : i32
      %select_n3A = arith.constant true
      %select_n3A_18 = arith.constant 0 : i32
      %select_n3A_19 = arith.constant -1 : i32
      %select_n3A_20 = arith.select %select_n3A, %select_n3A_19, %select_n3A_18 : i32
      %eq3A = arith.constant -1 : i32
      %eq3A_21 = arith.cmpi eq, %select_n3A_20, %eq3A : i32
      %select_n3A_22 = arith.constant 78 : i32
      %select_n3A_23 = arith.select %eq3A_21, %select_n3A_22, %select_n3A_20 : i32
      %add3A_24 = arith.addi %select_n3A_23, %mul3A_12 : i32
      %select_n3A_25 = arith.constant true
      %select_n3A_26 = arith.constant 0 : i32
      %select_n3A_27 = arith.constant 1 : i32
      %select_n3A_28 = arith.select %select_n3A_25, %select_n3A_27, %select_n3A_26 : i32
      %eq3A_29 = arith.constant 79 : i32
      %eq3A_30 = arith.cmpi eq, %select_n3A_28, %eq3A_29 : i32
      %select_n3A_31 = arith.constant 0 : i32
      %select_n3A_32 = arith.select %eq3A_30, %select_n3A_31, %select_n3A_28 : i32
      %add3A_33 = arith.addi %select_n3A_32, %mul3A_12 : i32
      %add3A_34 = arith.constant 1 : i32
      %add3A_35 = arith.addi %select_n3A_32, %add3A_34 : i32
      %select_n3A_36 = arith.constant true
      %select_n3A_37 = arith.select %select_n3A_36, %add3A_35, %select_n3A_32 : i32
      %eq3A_38 = arith.constant 79 : i32
      %eq3A_39 = arith.cmpi eq, %select_n3A_37, %eq3A_38 : i32
      %select_n3A_40 = arith.constant 0 : i32
      %select_n3A_41 = arith.select %eq3A_39, %select_n3A_40, %select_n3A_37 : i32
      %add3A_42 = arith.addi %select_n3A_41, %mul3A_12 : i32
      "tpu.trace_start"() <{level = 10 : i32, message = "ep_initialize_0"}> : () -> ()
      %rem3A = arith.constant 0 : i32
      %rem3A_43 = arith.constant 2 : i32
      %rem3A_44 = arith.remui %rem3A, %rem3A_43 : i32
      %mul3A_45 = arith.constant 128 : i32
      %mul3A_46 = arith.muli %mul3A_45, %add3A_17 : i32
      %dma_start3A = arith.constant 0 : i32
      %dma_start3A_47 = arith.constant 0 : i32
      %dma_start3A_48 = tpu.memref_slice %run_scoped3A[%rem3A_44, %dma_start3A, %dma_start3A_47] : memref<2x1x128xi32, #tpu.memory_space<vmem>> -> memref<1x1x128xi32, #tpu.memory_space<vmem>>
      %dma_start3A_49 = tpu.memref_squeeze %dma_start3A_48 : memref<1x1x128xi32, #tpu.memory_space<vmem>> -> memref<1x128xi32, #tpu.memory_space<vmem>>
      %dma_start3A_50 = arith.constant 0 : i32
      %dma_start3A_51 = tpu.memref_slice %arg3[%dma_start3A_50, %mul3A_46] : memref<1x323584xi32, #tpu.memory_space<hbm>> -> memref<1x128xi32, #tpu.memory_space<hbm>>
      %dma_start3A_52 = tpu.memref_slice %run_scoped3A_13[%rem3A_44] : memref<2x!tpu.dma_semaphore, #tpu.memory_space<semaphore_mem>> -> memref<1x!tpu.dma_semaphore, #tpu.memory_space<semaphore_mem>>
      %dma_start3A_53 = tpu.memref_squeeze %dma_start3A_52 : memref<1x!tpu.dma_semaphore, #tpu.memory_space<semaphore_mem>> -> memref<!tpu.dma_semaphore, #tpu.memory_space<semaphore_mem>>
      %dma_start3A_54 = arith.constant 0 : i32
      %dma_start3A_55 = arith.constant 0 : i32
      %dma_start3A_56 = tpu.memref_slice %run_scoped3A[%rem3A_44, %dma_start3A_54, %dma_start3A_55] : memref<2x1x128xi32, #tpu.memory_space<vmem>> -> memref<1x1x128xi32, #tpu.memory_space<vmem>>
      %dma_start3A_57 = tpu.memref_squeeze %dma_start3A_56 : memref<1x1x128xi32, #tpu.memory_space<vmem>> -> memref<1x128xi32, #tpu.memory_space<vmem>>
      %dma_start3A_58 = arith.constant 0 : i32
      %dma_start3A_59 = tpu.memref_slice %arg3[%dma_start3A_58, %mul3A_46] : memref<1x323584xi32, #tpu.memory_space<hbm>> -> memref<1x128xi32, #tpu.memory_space<hbm>>
      tpu.enqueue_dma source(%dma_start3A_59 : memref<1x128xi32, #tpu.memory_space<hbm>>) target(%dma_start3A_57 : memref<1x128xi32, #tpu.memory_space<vmem>>) target_semaphore(%dma_start3A_53 : memref<!tpu.dma_semaphore, #tpu.memory_space<semaphore_mem>>)
      %add3A_60 = arith.constant 0 : i32
      %add3A_61 = arith.constant 1 : i32
      %add3A_62 = arith.addi %add3A_60, %add3A_61 : i32
      %select_n3A_63 = arith.constant true
      %select_n3A_64 = arith.constant 0 : i32
      %select_n3A_65 = arith.select %select_n3A_63, %add3A_62, %select_n3A_64 : i32
      "tpu.trace_stop"() : () -> ()
      %scan3A_66 = arith.constant 0 : i32
      %scan3A_67 = arith.constant 0 : i32
      %scan3A_68 = arith.constant 0 : i32
      %scan3A_69 = arith.constant 0 : i32
      %scan3A_70 = arith.constant 0 : i32
      %scan3A_71 = arith.constant 79 : i32
      %scan3A_72 = arith.addi %scan3A_70, %scan3A_71 : i32
      %scan3A_73 = arith.constant 1 : i32
      %scan3A_74:5 = scf.for %scan3A_128 = %scan3A_70 to %scan3A_72 step %scan3A_73 iter_args(%scan3A_129 = %select_n3A_65, %scan3A_130 = %scan3A_66, %scan3A_131 = %scan3A_67, %scan3A_132 = %scan3A_68, %scan3A_133 = %scan3A_69) -> (i32, i32, i32, i32, i32)  : i32 {
        %eq3A_134 = arith.constant 0 : i32
        %eq3A_135 = arith.cmpi eq, %scan3A_128, %eq3A_134 : i32
        %eq3A_136 = arith.constant 78 : i32
        %eq3A_137 = arith.cmpi eq, %scan3A_128, %eq3A_136 : i32
        %add3A_138 = arith.addi %scan3A_133, %mul3A_12 : i32
        %sub3A_139 = arith.constant 1 : i32
        %sub3A_140 = arith.subi %scan3A_133, %sub3A_139 : i32
        %select_n3A_141 = arith.constant true
        %select_n3A_142 = arith.select %select_n3A_141, %sub3A_140, %scan3A_133 : i32
        %eq3A_143 = arith.constant -1 : i32
        %eq3A_144 = arith.cmpi eq, %select_n3A_142, %eq3A_143 : i32
        %select_n3A_145 = arith.constant 78 : i32
        %select_n3A_146 = arith.select %eq3A_144, %select_n3A_145, %select_n3A_142 : i32
        %add3A_147 = arith.addi %select_n3A_146, %mul3A_12 : i32
        %add3A_148 = arith.constant 1 : i32
        %add3A_149 = arith.addi %scan3A_133, %add3A_148 : i32
        %select_n3A_150 = arith.constant true
        %select_n3A_151 = arith.select %select_n3A_150, %add3A_149, %scan3A_133 : i32
        %eq3A_152 = arith.constant 79 : i32
        %eq3A_153 = arith.cmpi eq, %select_n3A_151, %eq3A_152 : i32
        %select_n3A_154 = arith.constant 0 : i32
        %select_n3A_155 = arith.select %eq3A_153, %select_n3A_154, %select_n3A_151 : i32
        %add3A_156 = arith.addi %select_n3A_155, %mul3A_12 : i32
        %add3A_157 = arith.constant 1 : i32
        %add3A_158 = arith.addi %select_n3A_155, %add3A_157 : i32
        %select_n3A_159 = arith.constant true
        %select_n3A_160 = arith.select %select_n3A_159, %add3A_158, %select_n3A_155 : i32
        %eq3A_161 = arith.constant 79 : i32
        %eq3A_162 = arith.cmpi eq, %select_n3A_160, %eq3A_161 : i32
        %select_n3A_163 = arith.constant 0 : i32
        %select_n3A_164 = arith.select %eq3A_162, %select_n3A_163, %select_n3A_160 : i32
        %add3A_165 = arith.addi %select_n3A_164, %mul3A_12 : i32
        %ne3A = arith.cmpi ne, %add3A_138, %add3A_156 : i32
        %or3A = arith.constant false
        %or3A_166 = arith.ori %or3A, %ne3A : i1
        %ge3A = arith.constant 78 : i32
        %ge3A_167 = arith.cmpi sge, %scan3A_128, %ge3A : i32
        %not3A = arith.constant true
        %not3A_168 = arith.xori %ge3A_167, %not3A : i1
        %and3A = arith.andi %or3A_166, %not3A_168 : i1
        %convert_element_type3A = arith.extui %and3A : i1 to i32
        %cond3A = arith.constant 0 : i32
        %cond3A_169 = arith.cmpi ne, %convert_element_type3A, %cond3A : i32
        scf.if %cond3A_169 {
          "tpu.trace_start"() <{level = 10 : i32, message = "ep_copy_in"}> : () -> ()
          %rem3A_271 = arith.constant 2 : i32
          %rem3A_272 = arith.remui %scan3A_129, %rem3A_271 : i32
          %mul3A_273 = arith.constant 128 : i32
          %mul3A_274 = arith.muli %mul3A_273, %add3A_156 : i32
          %dma_start3A_275 = arith.constant 0 : i32
          %dma_start3A_276 = arith.constant 0 : i32
          %dma_start3A_277 = tpu.memref_slice %run_scoped3A[%rem3A_272, %dma_start3A_275, %dma_start3A_276] : memref<2x1x128xi32, #tpu.memory_space<vmem>> -> memref<1x1x128xi32, #tpu.memory_space<vmem>>
          %dma_start3A_278 = tpu.memref_squeeze %dma_start3A_277 : memref<1x1x128xi32, #tpu.memory_space<vmem>> -> memref<1x128xi32, #tpu.memory_space<vmem>>
          %dma_start3A_279 = arith.constant 0 : i32
          %dma_start3A_280 = tpu.memref_slice %arg3[%dma_start3A_279, %mul3A_274] : memref<1x323584xi32, #tpu.memory_space<hbm>> -> memref<1x128xi32, #tpu.memory_space<hbm>>
          %dma_start3A_281 = tpu.memref_slice %run_scoped3A_13[%rem3A_272] : memref<2x!tpu.dma_semaphore, #tpu.memory_space<semaphore_mem>> -> memref<1x!tpu.dma_semaphore, #tpu.memory_space<semaphore_mem>>
          %dma_start3A_282 = tpu.memref_squeeze %dma_start3A_281 : memref<1x!tpu.dma_semaphore, #tpu.memory_space<semaphore_mem>> -> memref<!tpu.dma_semaphore, #tpu.memory_space<semaphore_mem>>
          %dma_start3A_283 = arith.constant 0 : i32
          %dma_start3A_284 = arith.constant 0 : i32
          %dma_start3A_285 = tpu.memref_slice %run_scoped3A[%rem3A_272, %dma_start3A_283, %dma_start3A_284] : memref<2x1x128xi32, #tpu.memory_space<vmem>> -> memref<1x1x128xi32, #tpu.memory_space<vmem>>
          %dma_start3A_286 = tpu.memref_squeeze %dma_start3A_285 : memref<1x1x128xi32, #tpu.memory_space<vmem>> -> memref<1x128xi32, #tpu.memory_space<vmem>>
          %dma_start3A_287 = arith.constant 0 : i32
          %dma_start3A_288 = tpu.memref_slice %arg3[%dma_start3A_287, %mul3A_274] : memref<1x323584xi32, #tpu.memory_space<hbm>> -> memref<1x128xi32, #tpu.memory_space<hbm>>
          tpu.enqueue_dma source(%dma_start3A_288 : memref<1x128xi32, #tpu.memory_space<hbm>>) target(%dma_start3A_286 : memref<1x128xi32, #tpu.memory_space<vmem>>) target_semaphore(%dma_start3A_282 : memref<!tpu.dma_semaphore, #tpu.memory_space<semaphore_mem>>)
          "tpu.trace_stop"() : () -> ()
        } else {
        }
        %and3A_170 = arith.constant true
        %and3A_171 = arith.andi %and3A, %and3A_170 : i1
        %add3A_172 = arith.constant 1 : i32
        %add3A_173 = arith.addi %scan3A_129, %add3A_172 : i32
        %select_n3A_174 = arith.select %and3A_171, %add3A_173, %scan3A_129 : i32
        %ne3A_175 = arith.cmpi ne, %add3A_138, %add3A_156 : i32
        %or3A_176 = arith.constant false
        %or3A_177 = arith.ori %or3A_176, %ne3A_175 : i1
        %or3A_178 = arith.constant false
        %or3A_179 = arith.ori %or3A_177, %or3A_178 : i1
        %ge3A_180 = arith.constant 78 : i32
        %ge3A_181 = arith.cmpi sge, %scan3A_128, %ge3A_180 : i32
        %not3A_182 = arith.constant true
        %not3A_183 = arith.xori %ge3A_181, %not3A_182 : i1
        %and3A_184 = arith.andi %or3A_179, %not3A_183 : i1
        %ne3A_185 = arith.cmpi ne, %add3A_138, %add3A_147 : i32
        %or3A_186 = arith.constant false
        %or3A_187 = arith.ori %or3A_186, %ne3A_185 : i1
        %or3A_188 = arith.ori %or3A_187, %eq3A_135 : i1
        %convert_element_type3A_189 = arith.extui %or3A_188 : i1 to i32
        %cond3A_190 = arith.constant 0 : i32
        %cond3A_191 = arith.cmpi ne, %convert_element_type3A_189, %cond3A_190 : i32
        scf.if %cond3A_191 {
          "tpu.trace_start"() <{level = 10 : i32, message = "ep_wait_in"}> : () -> ()
          %mul3A_271 = arith.constant 128 : i32
          %mul3A_272 = arith.muli %mul3A_271, %add3A_138 : i32
          %rem3A_273 = arith.constant 2 : i32
          %rem3A_274 = arith.remui %scan3A_130, %rem3A_273 : i32
          %dma_wait3A_275 = arith.constant 0 : i32
          %dma_wait3A_276 = arith.constant 0 : i32
          %dma_wait3A_277 = tpu.memref_slice %run_scoped3A[%rem3A_274, %dma_wait3A_275, %dma_wait3A_276] : memref<2x1x128xi32, #tpu.memory_space<vmem>> -> memref<1x1x128xi32, #tpu.memory_space<vmem>>
          %dma_wait3A_278 = tpu.memref_squeeze %dma_wait3A_277 : memref<1x1x128xi32, #tpu.memory_space<vmem>> -> memref<1x128xi32, #tpu.memory_space<vmem>>
          %dma_wait3A_279 = arith.constant 0 : i32
          %dma_wait3A_280 = tpu.memref_slice %arg3[%dma_wait3A_279, %mul3A_272] : memref<1x323584xi32, #tpu.memory_space<hbm>> -> memref<1x128xi32, #tpu.memory_space<hbm>>
          %dma_wait3A_281 = tpu.memref_slice %run_scoped3A_13[%rem3A_274] : memref<2x!tpu.dma_semaphore, #tpu.memory_space<semaphore_mem>> -> memref<1x!tpu.dma_semaphore, #tpu.memory_space<semaphore_mem>>
          %dma_wait3A_282 = tpu.memref_squeeze %dma_wait3A_281 : memref<1x!tpu.dma_semaphore, #tpu.memory_space<semaphore_mem>> -> memref<!tpu.dma_semaphore, #tpu.memory_space<semaphore_mem>>
          %dma_wait3A_283 = arith.constant 0 : i32
          %dma_wait3A_284 = arith.constant 0 : i32
          %dma_wait3A_285 = tpu.memref_slice %run_scoped3A[%rem3A_274, %dma_wait3A_283, %dma_wait3A_284] : memref<2x1x128xi32, #tpu.memory_space<vmem>> -> memref<1x1x128xi32, #tpu.memory_space<vmem>>
          %dma_wait3A_286 = tpu.memref_squeeze %dma_wait3A_285 : memref<1x1x128xi32, #tpu.memory_space<vmem>> -> memref<1x128xi32, #tpu.memory_space<vmem>>
          %dma_wait3A_287 = arith.constant 0 : i32
          %dma_wait3A_288 = tpu.memref_slice %arg3[%dma_wait3A_287, %mul3A_272] : memref<1x323584xi32, #tpu.memory_space<hbm>> -> memref<1x128xi32, #tpu.memory_space<hbm>>
          tpu.wait_dma2 semaphore(%dma_wait3A_282 : memref<!tpu.dma_semaphore, #tpu.memory_space<semaphore_mem>>) src(%dma_wait3A_288 : memref<1x128xi32, #tpu.memory_space<hbm>>) dst(%dma_wait3A_286 : memref<1x128xi32, #tpu.memory_space<vmem>>)
          "tpu.trace_stop"() : () -> ()
        } else {
        }
        %ne3A_192 = arith.cmpi ne, %add3A_138, %add3A_147 : i32
        %or3A_193 = arith.constant false
        %or3A_194 = arith.ori %or3A_193, %ne3A_192 : i1
        %or3A_195 = arith.constant false
        %or3A_196 = arith.ori %or3A_194, %or3A_195 : i1
        %or3A_197 = arith.ori %or3A_196, %eq3A_135 : i1
        %convert_element_type3A_198 = arith.extui %or3A_197 : i1 to i32
        %cond3A_199 = arith.constant 0 : i32
        %cond3A_200 = arith.cmpi ne, %convert_element_type3A_198, %cond3A_199 : i32
        scf.if %cond3A_200 {
        } else {
        }
        %rem3A_201 = arith.constant 2 : i32
        %rem3A_202 = arith.remui %scan3A_130, %rem3A_201 : i32
        %rem3A_203 = arith.constant 2 : i32
        %rem3A_204 = arith.remui %scan3A_131, %rem3A_203 : i32
        %run_scoped3A_205 = arith.constant 0 : i32
        "tpu.trace_start"() <{level = 10 : i32, message = "ep_run_kernel"}> : () -> ()
        "tpu.region"() ({
          %run_scoped3A_271 = tpu.sem_alloc : memref<!tpu.dma_semaphore, #tpu.memory_space<semaphore_mem>>
          %dma_start3A_272 = arith.constant 0 : i32
          %dma_start3A_273 = arith.constant 0 : i32
          %dma_start3A_274 = tpu.memref_slice %run_scoped3A_14[%rem3A_204, %dma_start3A_272, %dma_start3A_273] : memref<2x128x128xf32, #tpu.memory_space<vmem>> -> memref<1x128x128xf32, #tpu.memory_space<vmem>>
          %dma_start3A_275 = tpu.memref_squeeze %dma_start3A_274 : memref<1x128x128xf32, #tpu.memory_space<vmem>> -> memref<128x128xf32, #tpu.memory_space<vmem>>
          %dma_start3A_276 = arith.constant 0 : i32
          %dma_start3A_277 = arith.constant 0 : i32
          %dma_start3A_278 = tpu.memref_slice %run_scoped3A[%rem3A_202, %dma_start3A_276, %dma_start3A_277] : memref<2x1x128xi32, #tpu.memory_space<vmem>> -> memref<1x1x128xi32, #tpu.memory_space<vmem>>
          %dma_start3A_279 = tpu.memref_squeeze %dma_start3A_278 : memref<1x1x128xi32, #tpu.memory_space<vmem>> -> memref<1x128xi32, #tpu.memory_space<vmem>>
          %dma_start3A_280 = arith.constant 0 : i32
          %dma_start3A_281 = tpu.memref_slice %dma_start3A_279[%run_scoped3A_205, %dma_start3A_280] : memref<1x128xi32, #tpu.memory_space<vmem>> -> memref<1x128xi32, #tpu.memory_space<vmem>>
          %dma_start3A_282 = tpu.memref_squeeze %dma_start3A_281 : memref<1x128xi32, #tpu.memory_space<vmem>> -> memref<128xi32, #tpu.memory_space<vmem>>
          %dma_start3A_283 = arith.constant 0 : i32
          %dma_start3A_284 = arith.constant 0 : i32
          %dma_start3A_285 = tpu.memref_slice %arg5[%dma_start3A_283, %dma_start3A_284] : memref<10240x128xf32, #tpu.memory_space<vmem_shared>> -> memref<10240x128xf32, #tpu.memory_space<vmem_shared>>
          tpu.enqueue_indirect_dma source(%dma_start3A_285 : memref<10240x128xf32, #tpu.memory_space<vmem_shared>>) target(%dma_start3A_275 : memref<128x128xf32, #tpu.memory_space<vmem>>) offsets(%dma_start3A_282 : memref<128xi32, #tpu.memory_space<vmem>>) semaphore(%run_scoped3A_271 : memref<!tpu.dma_semaphore, #tpu.memory_space<semaphore_mem>>)
          %dma_wait3A_286 = arith.constant 0 : i32
          %dma_wait3A_287 = arith.constant 0 : i32
          %dma_wait3A_288 = tpu.memref_slice %run_scoped3A_14[%rem3A_204, %dma_wait3A_286, %dma_wait3A_287] : memref<2x128x128xf32, #tpu.memory_space<vmem>> -> memref<1x128x128xf32, #tpu.memory_space<vmem>>
          %dma_wait3A_289 = tpu.memref_squeeze %dma_wait3A_288 : memref<1x128x128xf32, #tpu.memory_space<vmem>> -> memref<128x128xf32, #tpu.memory_space<vmem>>
          %dma_wait3A_290 = arith.constant 0 : i32
          %dma_wait3A_291 = arith.constant 0 : i32
          %dma_wait3A_292 = tpu.memref_slice %run_scoped3A[%rem3A_202, %dma_wait3A_290, %dma_wait3A_291] : memref<2x1x128xi32, #tpu.memory_space<vmem>> -> memref<1x1x128xi32, #tpu.memory_space<vmem>>
          %dma_wait3A_293 = tpu.memref_squeeze %dma_wait3A_292 : memref<1x1x128xi32, #tpu.memory_space<vmem>> -> memref<1x128xi32, #tpu.memory_space<vmem>>
          %dma_wait3A_294 = arith.constant 0 : i32
          %dma_wait3A_295 = tpu.memref_slice %dma_wait3A_293[%run_scoped3A_205, %dma_wait3A_294] : memref<1x128xi32, #tpu.memory_space<vmem>> -> memref<1x128xi32, #tpu.memory_space<vmem>>
          %dma_wait3A_296 = tpu.memref_squeeze %dma_wait3A_295 : memref<1x128xi32, #tpu.memory_space<vmem>> -> memref<128xi32, #tpu.memory_space<vmem>>
          %dma_wait3A_297 = arith.constant 0 : i32
          %dma_wait3A_298 = arith.constant 0 : i32
          %dma_wait3A_299 = tpu.memref_slice %arg5[%dma_wait3A_297, %dma_wait3A_298] : memref<10240x128xf32, #tpu.memory_space<vmem_shared>> -> memref<10240x128xf32, #tpu.memory_space<vmem_shared>>
          tpu.wait_indirect_dma semaphore(%run_scoped3A_271 : memref<!tpu.dma_semaphore, #tpu.memory_space<semaphore_mem>>) src(%dma_wait3A_299 : memref<10240x128xf32, #tpu.memory_space<vmem_shared>>) dst(%dma_wait3A_289 : memref<128x128xf32, #tpu.memory_space<vmem>>)
          tpu.yield
        }) : () -> ()
        "tpu.trace_stop"() : () -> ()
        %ne3A_206 = arith.cmpi ne, %add3A_138, %add3A_156 : i32
        %or3A_207 = arith.constant false
        %or3A_208 = arith.ori %or3A_207, %ne3A_206 : i1
        %or3A_209 = arith.ori %or3A_208, %eq3A_137 : i1
        %convert_element_type3A_210 = arith.extui %or3A_209 : i1 to i32
        %cond3A_211 = arith.constant 0 : i32
        %cond3A_212 = arith.cmpi ne, %convert_element_type3A_210, %cond3A_211 : i32
        scf.if %cond3A_212 {
        } else {
        }
        %and3A_213 = arith.constant false
        %and3A_214 = arith.andi %or3A_209, %and3A_213 : i1
        %ne3A_215 = arith.cmpi ne, %add3A_138, %add3A_156 : i32
        %or3A_216 = arith.constant false
        %or3A_217 = arith.ori %or3A_216, %ne3A_215 : i1
        %or3A_218 = arith.constant false
        %or3A_219 = arith.ori %or3A_217, %or3A_218 : i1
        %or3A_220 = arith.ori %or3A_219, %eq3A_137 : i1
        %convert_element_type3A_221 = arith.extui %or3A_220 : i1 to i32
        %cond3A_222 = arith.constant 0 : i32
        %cond3A_223 = arith.cmpi ne, %convert_element_type3A_221, %cond3A_222 : i32
        scf.if %cond3A_223 {
          "tpu.trace_start"() <{level = 10 : i32, message = "ep_copy_out"}> : () -> ()
          %rem3A_271 = arith.constant 2 : i32
          %rem3A_272 = arith.remui %scan3A_131, %rem3A_271 : i32
          %mul3A_273 = arith.constant 128 : i32
          %mul3A_274 = arith.muli %mul3A_273, %add3A_138 : i32
          %dma_start3A_275 = arith.constant 0 : i32
          %dma_start3A_276 = arith.constant 0 : i32
          %dma_start3A_277 = tpu.memref_slice %run_scoped3A_14[%rem3A_272, %dma_start3A_275, %dma_start3A_276] : memref<2x128x128xf32, #tpu.memory_space<vmem>> -> memref<1x128x128xf32, #tpu.memory_space<vmem>>
          %dma_start3A_278 = tpu.memref_squeeze %dma_start3A_277 : memref<1x128x128xf32, #tpu.memory_space<vmem>> -> memref<128x128xf32, #tpu.memory_space<vmem>>
          %dma_start3A_279 = arith.constant 0 : i32
          %dma_start3A_280 = tpu.memref_slice %arg4[%mul3A_274, %dma_start3A_279] : memref<323584x128xf32, #tpu.memory_space<hbm>> -> memref<128x128xf32, #tpu.memory_space<hbm>>
          %dma_start3A_281 = tpu.memref_slice %run_scoped3A_15[%rem3A_272] : memref<2x!tpu.dma_semaphore, #tpu.memory_space<semaphore_mem>> -> memref<1x!tpu.dma_semaphore, #tpu.memory_space<semaphore_mem>>
          %dma_start3A_282 = tpu.memref_squeeze %dma_start3A_281 : memref<1x!tpu.dma_semaphore, #tpu.memory_space<semaphore_mem>> -> memref<!tpu.dma_semaphore, #tpu.memory_space<semaphore_mem>>
          %dma_start3A_283 = arith.constant 0 : i32
          %dma_start3A_284 = tpu.memref_slice %arg4[%mul3A_274, %dma_start3A_283] : memref<323584x128xf32, #tpu.memory_space<hbm>> -> memref<128x128xf32, #tpu.memory_space<hbm>>
          %dma_start3A_285 = arith.constant 0 : i32
          %dma_start3A_286 = arith.constant 0 : i32
          %dma_start3A_287 = tpu.memref_slice %run_scoped3A_14[%rem3A_272, %dma_start3A_285, %dma_start3A_286] : memref<2x128x128xf32, #tpu.memory_space<vmem>> -> memref<1x128x128xf32, #tpu.memory_space<vmem>>
          %dma_start3A_288 = tpu.memref_squeeze %dma_start3A_287 : memref<1x128x128xf32, #tpu.memory_space<vmem>> -> memref<128x128xf32, #tpu.memory_space<vmem>>
          tpu.enqueue_dma source(%dma_start3A_288 : memref<128x128xf32, #tpu.memory_space<vmem>>) target(%dma_start3A_284 : memref<128x128xf32, #tpu.memory_space<hbm>>) target_semaphore(%dma_start3A_282 : memref<!tpu.dma_semaphore, #tpu.memory_space<semaphore_mem>>)
          "tpu.trace_stop"() : () -> ()
        } else {
        }
        %and3A_224 = arith.constant true
        %and3A_225 = arith.andi %or3A_220, %and3A_224 : i1
        %add3A_226 = arith.constant 1 : i32
        %add3A_227 = arith.addi %scan3A_131, %add3A_226 : i32
        %select_n3A_228 = arith.select %and3A_225, %add3A_227, %scan3A_131 : i32
        %ne3A_229 = arith.cmpi ne, %add3A_138, %add3A_147 : i32
        %or3A_230 = arith.constant false
        %or3A_231 = arith.ori %or3A_230, %ne3A_229 : i1
        %not3A_232 = arith.constant true
        %not3A_233 = arith.xori %eq3A_135, %not3A_232 : i1
        %and3A_234 = arith.andi %or3A_231, %not3A_233 : i1
        %convert_element_type3A_235 = arith.extui %and3A_234 : i1 to i32
        %cond3A_236 = arith.constant 0 : i32
        %cond3A_237 = arith.cmpi ne, %convert_element_type3A_235, %cond3A_236 : i32
        scf.if %cond3A_237 {
        } else {
        }
        %and3A_238 = arith.constant false
        %and3A_239 = arith.andi %and3A_234, %and3A_238 : i1
        %ne3A_240 = arith.cmpi ne, %add3A_138, %add3A_147 : i32
        %or3A_241 = arith.constant false
        %or3A_242 = arith.ori %or3A_241, %ne3A_240 : i1
        %or3A_243 = arith.constant false
        %or3A_244 = arith.ori %or3A_242, %or3A_243 : i1
        %not3A_245 = arith.constant true
        %not3A_246 = arith.xori %eq3A_135, %not3A_245 : i1
        %and3A_247 = arith.andi %or3A_244, %not3A_246 : i1
        %convert_element_type3A_248 = arith.extui %and3A_247 : i1 to i32
        %cond3A_249 = arith.constant 0 : i32
        %cond3A_250 = arith.cmpi ne, %convert_element_type3A_248, %cond3A_249 : i32
        scf.if %cond3A_250 {
          "tpu.trace_start"() <{level = 10 : i32, message = "ep_wait_out"}> : () -> ()
          %rem3A_271 = arith.constant 2 : i32
          %rem3A_272 = arith.remui %scan3A_132, %rem3A_271 : i32
          %mul3A_273 = arith.constant 128 : i32
          %mul3A_274 = arith.muli %mul3A_273, %add3A_147 : i32
          %dma_wait3A_275 = arith.constant 0 : i32
          %dma_wait3A_276 = arith.constant 0 : i32
          %dma_wait3A_277 = tpu.memref_slice %run_scoped3A_14[%rem3A_272, %dma_wait3A_275, %dma_wait3A_276] : memref<2x128x128xf32, #tpu.memory_space<vmem>> -> memref<1x128x128xf32, #tpu.memory_space<vmem>>
          %dma_wait3A_278 = tpu.memref_squeeze %dma_wait3A_277 : memref<1x128x128xf32, #tpu.memory_space<vmem>> -> memref<128x128xf32, #tpu.memory_space<vmem>>
          %dma_wait3A_279 = arith.constant 0 : i32
          %dma_wait3A_280 = tpu.memref_slice %arg4[%mul3A_274, %dma_wait3A_279] : memref<323584x128xf32, #tpu.memory_space<hbm>> -> memref<128x128xf32, #tpu.memory_space<hbm>>
          %dma_wait3A_281 = tpu.memref_slice %run_scoped3A_15[%rem3A_272] : memref<2x!tpu.dma_semaphore, #tpu.memory_space<semaphore_mem>> -> memref<1x!tpu.dma_semaphore, #tpu.memory_space<semaphore_mem>>
          %dma_wait3A_282 = tpu.memref_squeeze %dma_wait3A_281 : memref<1x!tpu.dma_semaphore, #tpu.memory_space<semaphore_mem>> -> memref<!tpu.dma_semaphore, #tpu.memory_space<semaphore_mem>>
          %dma_wait3A_283 = arith.constant 0 : i32
          %dma_wait3A_284 = tpu.memref_slice %arg4[%mul3A_274, %dma_wait3A_283] : memref<323584x128xf32, #tpu.memory_space<hbm>> -> memref<128x128xf32, #tpu.memory_space<hbm>>
          %dma_wait3A_285 = arith.constant 0 : i32
          %dma_wait3A_286 = arith.constant 0 : i32
          %dma_wait3A_287 = tpu.memref_slice %run_scoped3A_14[%rem3A_272, %dma_wait3A_285, %dma_wait3A_286] : memref<2x128x128xf32, #tpu.memory_space<vmem>> -> memref<1x128x128xf32, #tpu.memory_space<vmem>>
          %dma_wait3A_288 = tpu.memref_squeeze %dma_wait3A_287 : memref<1x128x128xf32, #tpu.memory_space<vmem>> -> memref<128x128xf32, #tpu.memory_space<vmem>>
          tpu.wait_dma2 semaphore(%dma_wait3A_282 : memref<!tpu.dma_semaphore, #tpu.memory_space<semaphore_mem>>) src(%dma_wait3A_288 : memref<128x128xf32, #tpu.memory_space<vmem>>) dst(%dma_wait3A_284 : memref<128x128xf32, #tpu.memory_space<hbm>>)
          "tpu.trace_stop"() : () -> ()
        } else {
        }
        %and3A_251 = arith.constant true
        %and3A_252 = arith.andi %and3A_247, %and3A_251 : i1
        %add3A_253 = arith.constant 1 : i32
        %add3A_254 = arith.addi %scan3A_132, %add3A_253 : i32
        %select_n3A_255 = arith.select %and3A_252, %add3A_254, %scan3A_132 : i32
        %ne3A_256 = arith.cmpi ne, %add3A_138, %add3A_156 : i32
        %or3A_257 = arith.constant false
        %or3A_258 = arith.ori %or3A_257, %ne3A_256 : i1
        %or3A_259 = arith.ori %or3A_258, %eq3A_137 : i1
        %add3A_260 = arith.constant 1 : i32
        %add3A_261 = arith.addi %scan3A_130, %add3A_260 : i32
        %select_n3A_262 = arith.select %or3A_259, %add3A_261, %scan3A_130 : i32
        %add3A_263 = arith.constant 1 : i32
        %add3A_264 = arith.addi %scan3A_133, %add3A_263 : i32
        %select_n3A_265 = arith.constant true
        %select_n3A_266 = arith.select %select_n3A_265, %add3A_264, %scan3A_133 : i32
        %eq3A_267 = arith.constant 79 : i32
        %eq3A_268 = arith.cmpi eq, %select_n3A_266, %eq3A_267 : i32
        %select_n3A_269 = arith.constant 0 : i32
        %select_n3A_270 = arith.select %eq3A_268, %select_n3A_269, %select_n3A_266 : i32
        scf.yield %select_n3A_174, %select_n3A_262, %select_n3A_228, %select_n3A_255, %select_n3A_270 : i32, i32, i32, i32, i32
      }
      %scan3A_75 = arith.constant 79 : i32
      %sub3A = arith.constant 1 : i32
      %sub3A_76 = arith.subi %scan3A_74#4, %sub3A : i32
      %select_n3A_77 = arith.constant true
      %select_n3A_78 = arith.select %select_n3A_77, %sub3A_76, %scan3A_74#4 : i32
      %eq3A_79 = arith.constant -1 : i32
      %eq3A_80 = arith.cmpi eq, %select_n3A_78, %eq3A_79 : i32
      %select_n3A_81 = arith.constant 78 : i32
      %select_n3A_82 = arith.select %eq3A_80, %select_n3A_81, %select_n3A_78 : i32
      %add3A_83 = arith.addi %select_n3A_82, %mul3A_12 : i32
      %sub3A_84 = arith.constant 1 : i32
      %sub3A_85 = arith.subi %select_n3A_82, %sub3A_84 : i32
      %select_n3A_86 = arith.constant true
      %select_n3A_87 = arith.select %select_n3A_86, %sub3A_85, %select_n3A_82 : i32
      %eq3A_88 = arith.constant -1 : i32
      %eq3A_89 = arith.cmpi eq, %select_n3A_87, %eq3A_88 : i32
      %select_n3A_90 = arith.constant 78 : i32
      %select_n3A_91 = arith.select %eq3A_89, %select_n3A_90, %select_n3A_87 : i32
      %add3A_92 = arith.addi %select_n3A_91, %mul3A_12 : i32
      %add3A_93 = arith.constant 1 : i32
      %add3A_94 = arith.addi %select_n3A_82, %add3A_93 : i32
      %select_n3A_95 = arith.constant true
      %select_n3A_96 = arith.select %select_n3A_95, %add3A_94, %select_n3A_82 : i32
      %eq3A_97 = arith.constant 79 : i32
      %eq3A_98 = arith.cmpi eq, %select_n3A_96, %eq3A_97 : i32
      %select_n3A_99 = arith.constant 0 : i32
      %select_n3A_100 = arith.select %eq3A_98, %select_n3A_99, %select_n3A_96 : i32
      %add3A_101 = arith.addi %select_n3A_100, %mul3A_12 : i32
      %add3A_102 = arith.constant 1 : i32
      %add3A_103 = arith.addi %select_n3A_100, %add3A_102 : i32
      %select_n3A_104 = arith.constant true
      %select_n3A_105 = arith.select %select_n3A_104, %add3A_103, %select_n3A_100 : i32
      %eq3A_106 = arith.constant 79 : i32
      %eq3A_107 = arith.cmpi eq, %select_n3A_105, %eq3A_106 : i32
      %select_n3A_108 = arith.constant 0 : i32
      %select_n3A_109 = arith.select %eq3A_107, %select_n3A_108, %select_n3A_105 : i32
      %add3A_110 = arith.addi %select_n3A_109, %mul3A_12 : i32
      "tpu.trace_start"() <{level = 10 : i32, message = "ep_finalize"}> : () -> ()
      %rem3A_111 = arith.constant 2 : i32
      %rem3A_112 = arith.remui %scan3A_74#3, %rem3A_111 : i32
      %mul3A_113 = arith.constant 128 : i32
      %mul3A_114 = arith.muli %mul3A_113, %add3A_83 : i32
      %dma_wait3A = arith.constant 0 : i32
      %dma_wait3A_115 = arith.constant 0 : i32
      %dma_wait3A_116 = tpu.memref_slice %run_scoped3A_14[%rem3A_112, %dma_wait3A, %dma_wait3A_115] : memref<2x128x128xf32, #tpu.memory_space<vmem>> -> memref<1x128x128xf32, #tpu.memory_space<vmem>>
      %dma_wait3A_117 = tpu.memref_squeeze %dma_wait3A_116 : memref<1x128x128xf32, #tpu.memory_space<vmem>> -> memref<128x128xf32, #tpu.memory_space<vmem>>
      %dma_wait3A_118 = arith.constant 0 : i32
      %dma_wait3A_119 = tpu.memref_slice %arg4[%mul3A_114, %dma_wait3A_118] : memref<323584x128xf32, #tpu.memory_space<hbm>> -> memref<128x128xf32, #tpu.memory_space<hbm>>
      %dma_wait3A_120 = tpu.memref_slice %run_scoped3A_15[%rem3A_112] : memref<2x!tpu.dma_semaphore, #tpu.memory_space<semaphore_mem>> -> memref<1x!tpu.dma_semaphore, #tpu.memory_space<semaphore_mem>>
      %dma_wait3A_121 = tpu.memref_squeeze %dma_wait3A_120 : memref<1x!tpu.dma_semaphore, #tpu.memory_space<semaphore_mem>> -> memref<!tpu.dma_semaphore, #tpu.memory_space<semaphore_mem>>
      %dma_wait3A_122 = arith.constant 0 : i32
      %dma_wait3A_123 = tpu.memref_slice %arg4[%mul3A_114, %dma_wait3A_122] : memref<323584x128xf32, #tpu.memory_space<hbm>> -> memref<128x128xf32, #tpu.memory_space<hbm>>
      %dma_wait3A_124 = arith.constant 0 : i32
      %dma_wait3A_125 = arith.constant 0 : i32
      %dma_wait3A_126 = tpu.memref_slice %run_scoped3A_14[%rem3A_112, %dma_wait3A_124, %dma_wait3A_125] : memref<2x128x128xf32, #tpu.memory_space<vmem>> -> memref<1x128x128xf32, #tpu.memory_space<vmem>>
      %dma_wait3A_127 = tpu.memref_squeeze %dma_wait3A_126 : memref<1x128x128xf32, #tpu.memory_space<vmem>> -> memref<128x128xf32, #tpu.memory_space<vmem>>
      tpu.wait_dma2 semaphore(%dma_wait3A_121 : memref<!tpu.dma_semaphore, #tpu.memory_space<semaphore_mem>>) src(%dma_wait3A_127 : memref<128x128xf32, #tpu.memory_space<vmem>>) dst(%dma_wait3A_123 : memref<128x128xf32, #tpu.memory_space<hbm>>)
      "tpu.trace_stop"() : () -> ()
      tpu.yield
    }) : () -> ()
    return
  }
}

module attributes {stable_mosaic.version = 14 : i64} {
  func.func @_edge1_body(%arg0: i32, %arg1: memref<2048x8xf32, #tpu.memory_space<vmem>>, %arg2: memref<8x128xf32, #tpu.memory_space<vmem>>, %arg3: memref<1x128xf32, #tpu.memory_space<vmem>>, %arg4: memref<2048x128xf32, #tpu.memory_space<vmem>>) attributes {dimension_semantics = [#tpu.dimension_semantics<arbitrary>], iteration_bounds = array<i64: 158>, scalar_prefetch = 0 : i64, scratch_operands = 0 : i64, tpu.core_type = #tpu.core_type<tc>, window_params = [{transform_indices = @transform_0, window_bounds = array<i64: 2048, 8>}, {pipeline_mode = #tpu.pipeline_mode<synchronous>, transform_indices = @transform_1, window_bounds = array<i64: 8, 128>}, {pipeline_mode = #tpu.pipeline_mode<synchronous>, transform_indices = @transform_2, window_bounds = array<i64: 1, 128>}, {transform_indices = @transform_3, window_bounds = array<i64: 2048, 128>}]} {
    %get3A = arith.constant 0 : index
    %get3A_0 = arith.constant 0 : index
    %get3A_1 = vector.load %arg1[%get3A, %get3A_0] : memref<2048x8xf32, #tpu.memory_space<vmem>>, vector<2048x8xf32>
    %get3A_2 = arith.constant 0 : index
    %get3A_3 = arith.constant 0 : index
    %get3A_4 = vector.load %arg2[%get3A_2, %get3A_3] : memref<8x128xf32, #tpu.memory_space<vmem>>, vector<8x128xf32>
    %dot_general3A = arith.constant dense<0.000000e+00> : vector<2048x128xf32>
    %dot_general3A_5 = tpu.matmul %get3A_1, %get3A_4, %dot_general3A {dimension_numbers = #tpu.dot_dimension_numbers<[1], [0], [0], [1], [0, 0, 1, 1], [], []>, transpose_lhs_hint = false} : vector<2048x8xf32>, vector<8x128xf32>, vector<2048x128xf32> -> vector<2048x128xf32>
    %get3A_6 = arith.constant 0 : index
    %get3A_7 = arith.constant 0 : index
    %get3A_8 = vector.load %arg3[%get3A_6, %get3A_7] : memref<1x128xf32, #tpu.memory_space<vmem>>, vector<1x128xf32>
    %add3A = vector.broadcast %get3A_8 : vector<1x128xf32> to vector<2048x128xf32>
    %add3A_9 = arith.addf %dot_general3A_5, %add3A : vector<2048x128xf32>
    %max3A = arith.constant 0.000000e+00 : f32
    %max3A_10 = vector.broadcast %max3A : f32 to vector<2048x128xf32>
    %max3A_11 = arith.maximumf %add3A_9, %max3A_10 : vector<2048x128xf32>
    %mul3A = arith.constant 2048 : i32
    %mul3A_12 = arith.muli %arg0, %mul3A : i32
    %iota3A = tpu.iota {dimensions = array<i32: 0>} : vector<2048x128xi32>
    %add3A_13 = vector.broadcast %mul3A_12 : i32 to vector<2048x128xi32>
    %add3A_14 = arith.addi %add3A_13, %iota3A : vector<2048x128xi32>
    %lt3A = arith.constant 320000 : i32
    %lt3A_15 = vector.broadcast %lt3A : i32 to vector<2048x128xi32>
    %lt3A_16 = arith.cmpi slt, %add3A_14, %lt3A_15 : vector<2048x128xi32>
    %jit3A = arith.constant 0.000000e+00 : f32
    %broadcast_in_dim3A = vector.broadcast %jit3A : f32 to vector<2048x128xf32>
    %select_n3A = arith.select %lt3A_16, %max3A_11, %broadcast_in_dim3A : vector<2048x128xi1>, vector<2048x128xf32>
    %swap3A = arith.constant 0 : index
    %swap3A_17 = arith.constant 0 : index
    %swap3A_18 = vector.load %arg4[%swap3A, %swap3A_17] : memref<2048x128xf32, #tpu.memory_space<vmem>>, vector<2048x128xf32>
    tpu.vector_store %arg4[%swap3A, %swap3A_17], %select_n3A {strides = array<i32>} : memref<2048x128xf32, #tpu.memory_space<vmem>>, vector<2048x128xf32>,
    return
  }
  func.func @transform_0(%arg0: i32) -> (i32, i32) {
    %c0_i32 = arith.constant 0 : i32
    %c0_i32_0 = arith.constant 0 : i32
    return %arg0, %c0_i32 : i32, i32
  }
  func.func @transform_1(%arg0: i32) -> (i32, i32) {
    %c0_i32 = arith.constant 0 : i32
    %c0_i32_0 = arith.constant 0 : i32
    %c0_i32_1 = arith.constant 0 : i32
    return %c0_i32, %c0_i32_0 : i32, i32
  }
  func.func @transform_2(%arg0: i32) -> (i32, i32) {
    %c0_i32 = arith.constant 0 : i32
    %c0_i32_0 = arith.constant 0 : i32
    %c0_i32_1 = arith.constant 0 : i32
    return %c0_i32, %c0_i32_0 : i32, i32
  }
  func.func @transform_3(%arg0: i32) -> (i32, i32) {
    %c0_i32 = arith.constant 0 : i32
    %c0_i32_0 = arith.constant 0 : i32
    return %arg0, %c0_i32 : i32, i32
  }
}

module attributes {stable_mosaic.version = 14 : i64} {
  func.func @_node_body(%arg0: memref<2x10240x128xf32, #tpu.memory_space<vmem>>, %arg1: memref<1x128xf32, #tpu.memory_space<vmem>>, %arg2: memref<128x128xf32, #tpu.memory_space<vmem>>, %arg3: memref<1x128xf32, #tpu.memory_space<vmem>>, %arg4: memref<128x128xf32, #tpu.memory_space<vmem>>, %arg5: memref<1x128xf32, #tpu.memory_space<vmem>>, %arg6: memref<1x128xf32, #tpu.memory_space<vmem>>, %arg7: memref<1x128xf32, #tpu.memory_space<vmem>>, %arg8: memref<10000x128xf32, #tpu.memory_space<vmem>>) attributes {dimension_semantics = [], scalar_prefetch = 0 : i64, scratch_operands = 0 : i64, tpu.core_type = #tpu.core_type<tc>} {
    %get3A = arith.constant 0 : index
    %get3A_0 = arith.constant 0 : index
    %get3A_1 = vector.load %arg1[%get3A, %get3A_0] : memref<1x128xf32, #tpu.memory_space<vmem>>, vector<1x128xf32>
    %get3A_2 = arith.constant 0 : index
    %get3A_3 = arith.constant 0 : index
    %get3A_4 = arith.constant 0 : index
    %get3A_5 = vector.load %arg0[%get3A_2, %get3A_3, %get3A_4] : memref<2x10240x128xf32, #tpu.memory_space<vmem>>, vector<1x10240x128xf32>
    %get3A_6 = vector.shape_cast %get3A_5 : vector<1x10240x128xf32> to vector<10240x128xf32>
    %slice3A = vector.extract_strided_slice %get3A_6 {offsets = [0, 0], sizes = [10000, 128], strides = [1, 1]} : vector<10240x128xf32> to vector<10000x128xf32>
    %add3A = vector.broadcast %get3A_1 : vector<1x128xf32> to vector<10000x128xf32>
    %add3A_7 = arith.addf %add3A, %slice3A : vector<10000x128xf32>
    %get3A_8 = arith.constant 1 : index
    %get3A_9 = arith.constant 0 : index
    %get3A_10 = arith.constant 0 : index
    %get3A_11 = vector.load %arg0[%get3A_8, %get3A_9, %get3A_10] : memref<2x10240x128xf32, #tpu.memory_space<vmem>>, vector<1x10240x128xf32>
    %get3A_12 = vector.shape_cast %get3A_11 : vector<1x10240x128xf32> to vector<10240x128xf32>
    %slice3A_13 = vector.extract_strided_slice %get3A_12 {offsets = [0, 0], sizes = [10000, 128], strides = [1, 1]} : vector<10240x128xf32> to vector<10000x128xf32>
    %add3A_14 = arith.addf %add3A_7, %slice3A_13 : vector<10000x128xf32>
    %get3A_15 = arith.constant 0 : index
    %get3A_16 = arith.constant 0 : index
    %get3A_17 = vector.load %arg2[%get3A_15, %get3A_16] : memref<128x128xf32, #tpu.memory_space<vmem>>, vector<128x128xf32>
    %dot_general3A = arith.constant dense<0.000000e+00> : vector<10000x128xf32>
    %dot_general3A_18 = tpu.matmul %add3A_14, %get3A_17, %dot_general3A {dimension_numbers = #tpu.dot_dimension_numbers<[1], [0], [0], [1], [0, 0, 1, 1], [], []>, transpose_lhs_hint = false} : vector<10000x128xf32>, vector<128x128xf32>, vector<10000x128xf32> -> vector<10000x128xf32>
    %get3A_19 = arith.constant 0 : index
    %get3A_20 = arith.constant 0 : index
    %get3A_21 = vector.load %arg3[%get3A_19, %get3A_20] : memref<1x128xf32, #tpu.memory_space<vmem>>, vector<1x128xf32>
    %add3A_22 = vector.broadcast %get3A_21 : vector<1x128xf32> to vector<10000x128xf32>
    %add3A_23 = arith.addf %dot_general3A_18, %add3A_22 : vector<10000x128xf32>
    %max3A = arith.constant 0.000000e+00 : f32
    %max3A_24 = vector.broadcast %max3A : f32 to vector<10000x128xf32>
    %max3A_25 = arith.maximumf %add3A_23, %max3A_24 : vector<10000x128xf32>
    %get3A_26 = arith.constant 0 : index
    %get3A_27 = arith.constant 0 : index
    %get3A_28 = vector.load %arg4[%get3A_26, %get3A_27] : memref<128x128xf32, #tpu.memory_space<vmem>>, vector<128x128xf32>
    %dot_general3A_29 = arith.constant dense<0.000000e+00> : vector<10000x128xf32>
    %dot_general3A_30 = tpu.matmul %max3A_25, %get3A_28, %dot_general3A_29 {dimension_numbers = #tpu.dot_dimension_numbers<[1], [0], [0], [1], [0, 0, 1, 1], [], []>, transpose_lhs_hint = false} : vector<10000x128xf32>, vector<128x128xf32>, vector<10000x128xf32> -> vector<10000x128xf32>
    %get3A_31 = arith.constant 0 : index
    %get3A_32 = arith.constant 0 : index
    %get3A_33 = vector.load %arg5[%get3A_31, %get3A_32] : memref<1x128xf32, #tpu.memory_space<vmem>>, vector<1x128xf32>
    %add3A_34 = vector.broadcast %get3A_33 : vector<1x128xf32> to vector<10000x128xf32>
    %add3A_35 = arith.addf %dot_general3A_30, %add3A_34 : vector<10000x128xf32>
    %reduce_sum3A = arith.constant dense<0.000000e+00> : vector<128xf32>
    %reduce_sum3A_36 = vector.multi_reduction <add>, %add3A_35, %reduce_sum3A [0] : vector<10000x128xf32> to vector<128xf32>
    %broadcast_in_dim3A = vector.shape_cast %reduce_sum3A_36 : vector<128xf32> to vector<1x128xf32>
    %div3A = arith.constant 1.000000e+04 : f32
    %div3A_37 = vector.broadcast %div3A : f32 to vector<1x128xf32>
    %div3A_38 = arith.divf %broadcast_in_dim3A, %div3A_37 : vector<1x128xf32>
    %sub3A = vector.broadcast %div3A_38 : vector<1x128xf32> to vector<10000x128xf32>
    %sub3A_39 = arith.subf %add3A_35, %sub3A : vector<10000x128xf32>
    %square3A = arith.mulf %sub3A_39, %sub3A_39 : vector<10000x128xf32>
    %reduce_sum3A_40 = arith.constant dense<0.000000e+00> : vector<128xf32>
    %reduce_sum3A_41 = vector.multi_reduction <add>, %square3A, %reduce_sum3A_40 [0] : vector<10000x128xf32> to vector<128xf32>
    %broadcast_in_dim3A_42 = vector.shape_cast %reduce_sum3A_41 : vector<128xf32> to vector<1x128xf32>
    %div3A_43 = arith.constant 1.000000e+04 : f32
    %div3A_44 = vector.broadcast %div3A_43 : f32 to vector<1x128xf32>
    %div3A_45 = arith.divf %broadcast_in_dim3A_42, %div3A_44 : vector<1x128xf32>
    %get3A_46 = arith.constant 0 : index
    %get3A_47 = arith.constant 0 : index
    %get3A_48 = vector.load %arg6[%get3A_46, %get3A_47] : memref<1x128xf32, #tpu.memory_space<vmem>>, vector<1x128xf32>
    %sub3A_49 = vector.broadcast %div3A_38 : vector<1x128xf32> to vector<10000x128xf32>
    %sub3A_50 = arith.subf %add3A_35, %sub3A_49 : vector<10000x128xf32>
    %mul3A = vector.broadcast %get3A_48 : vector<1x128xf32> to vector<10000x128xf32>
    %mul3A_51 = arith.mulf %mul3A, %sub3A_50 : vector<10000x128xf32>
    %add3A_52 = arith.constant 9.99999974E-6 : f32
    %add3A_53 = vector.broadcast %add3A_52 : f32 to vector<1x128xf32>
    %add3A_54 = arith.addf %div3A_45, %add3A_53 : vector<1x128xf32>
    %rsqrt3A = math.rsqrt %add3A_54 : vector<1x128xf32>
    %mul3A_55 = vector.broadcast %rsqrt3A : vector<1x128xf32> to vector<10000x128xf32>
    %mul3A_56 = arith.mulf %mul3A_51, %mul3A_55 : vector<10000x128xf32>
    %get3A_57 = arith.constant 0 : index
    %get3A_58 = arith.constant 0 : index
    %get3A_59 = vector.load %arg7[%get3A_57, %get3A_58] : memref<1x128xf32, #tpu.memory_space<vmem>>, vector<1x128xf32>
    %add3A_60 = vector.broadcast %get3A_59 : vector<1x128xf32> to vector<10000x128xf32>
    %add3A_61 = arith.addf %mul3A_56, %add3A_60 : vector<10000x128xf32>
    %get3A_62 = arith.constant 0 : index
    %get3A_63 = arith.constant 0 : index
    %get3A_64 = vector.load %arg1[%get3A_62, %get3A_63] : memref<1x128xf32, #tpu.memory_space<vmem>>, vector<1x128xf32>
    %add3A_65 = vector.broadcast %get3A_64 : vector<1x128xf32> to vector<10000x128xf32>
    %add3A_66 = arith.addf %add3A_61, %add3A_65 : vector<10000x128xf32>
    %max3A_67 = arith.constant 0.000000e+00 : f32
    %max3A_68 = vector.broadcast %max3A_67 : f32 to vector<10000x128xf32>
    %max3A_69 = arith.maximumf %add3A_66, %max3A_68 : vector<10000x128xf32>
    %swap3A = arith.constant 0 : index
    %swap3A_70 = arith.constant 0 : index
    %swap3A_71 = vector.load %arg8[%swap3A, %swap3A_70] : memref<10000x128xf32, #tpu.memory_space<vmem>>, vector<10000x128xf32>
    tpu.vector_store %arg8[%swap3A, %swap3A_70], %max3A_69 {strides = array<i32>} : memref<10000x128xf32, #tpu.memory_space<vmem>>, vector<10000x128xf32>,
    return
  }
}

module attributes {stable_mosaic.version = 14 : i64} {
  func.func @_edge2_body(%arg0: i32, %arg1: memref<2048x8xf32, #tpu.memory_space<vmem>>, %arg2: memref<8x128xf32, #tpu.memory_space<vmem>>, %arg3: memref<1x128xf32, #tpu.memory_space<vmem>>, %arg4: memref<2048x128xf32, #tpu.memory_space<vmem>>, %arg5: memref<2048x128xf32, #tpu.memory_space<vmem>>) attributes {dimension_semantics = [#tpu.dimension_semantics<arbitrary>], iteration_bounds = array<i64: 158>, scalar_prefetch = 0 : i64, scratch_operands = 0 : i64, tpu.core_type = #tpu.core_type<tc>, window_params = [{transform_indices = @transform_0, window_bounds = array<i64: 2048, 8>}, {pipeline_mode = #tpu.pipeline_mode<synchronous>, transform_indices = @transform_1, window_bounds = array<i64: 8, 128>}, {pipeline_mode = #tpu.pipeline_mode<synchronous>, transform_indices = @transform_2, window_bounds = array<i64: 1, 128>}, {transform_indices = @transform_3, window_bounds = array<i64: 2048, 128>}, {transform_indices = @transform_4, window_bounds = array<i64: 2048, 128>}]} {
    %get3A = arith.constant 0 : index
    %get3A_0 = arith.constant 0 : index
    %get3A_1 = vector.load %arg1[%get3A, %get3A_0] : memref<2048x8xf32, #tpu.memory_space<vmem>>, vector<2048x8xf32>
    %get3A_2 = arith.constant 0 : index
    %get3A_3 = arith.constant 0 : index
    %get3A_4 = vector.load %arg2[%get3A_2, %get3A_3] : memref<8x128xf32, #tpu.memory_space<vmem>>, vector<8x128xf32>
    %dot_general3A = arith.constant dense<0.000000e+00> : vector<2048x128xf32>
    %dot_general3A_5 = tpu.matmul %get3A_1, %get3A_4, %dot_general3A {dimension_numbers = #tpu.dot_dimension_numbers<[1], [0], [0], [1], [0, 0, 1, 1], [], []>, transpose_lhs_hint = false} : vector<2048x8xf32>, vector<8x128xf32>, vector<2048x128xf32> -> vector<2048x128xf32>
    %get3A_6 = arith.constant 0 : index
    %get3A_7 = arith.constant 0 : index
    %get3A_8 = vector.load %arg4[%get3A_6, %get3A_7] : memref<2048x128xf32, #tpu.memory_space<vmem>>, vector<2048x128xf32>
    %add3A = arith.addf %get3A_8, %dot_general3A_5 : vector<2048x128xf32>
    %get3A_9 = arith.constant 0 : index
    %get3A_10 = arith.constant 0 : index
    %get3A_11 = vector.load %arg3[%get3A_9, %get3A_10] : memref<1x128xf32, #tpu.memory_space<vmem>>, vector<1x128xf32>
    %add3A_12 = vector.broadcast %get3A_11 : vector<1x128xf32> to vector<2048x128xf32>
    %add3A_13 = arith.addf %add3A, %add3A_12 : vector<2048x128xf32>
    %max3A = arith.constant 0.000000e+00 : f32
    %max3A_14 = vector.broadcast %max3A : f32 to vector<2048x128xf32>
    %max3A_15 = arith.maximumf %add3A_13, %max3A_14 : vector<2048x128xf32>
    %mul3A = arith.constant 2048 : i32
    %mul3A_16 = arith.muli %arg0, %mul3A : i32
    %iota3A = tpu.iota {dimensions = array<i32: 0>} : vector<2048x128xi32>
    %add3A_17 = vector.broadcast %mul3A_16 : i32 to vector<2048x128xi32>
    %add3A_18 = arith.addi %add3A_17, %iota3A : vector<2048x128xi32>
    %lt3A = arith.constant 320000 : i32
    %lt3A_19 = vector.broadcast %lt3A : i32 to vector<2048x128xi32>
    %lt3A_20 = arith.cmpi slt, %add3A_18, %lt3A_19 : vector<2048x128xi32>
    %jit3A = arith.constant 0.000000e+00 : f32
    %broadcast_in_dim3A = vector.broadcast %jit3A : f32 to vector<2048x128xf32>
    %select_n3A = arith.select %lt3A_20, %max3A_15, %broadcast_in_dim3A : vector<2048x128xi1>, vector<2048x128xf32>
    %swap3A = arith.constant 0 : index
    %swap3A_21 = arith.constant 0 : index
    %swap3A_22 = vector.load %arg5[%swap3A, %swap3A_21] : memref<2048x128xf32, #tpu.memory_space<vmem>>, vector<2048x128xf32>
    tpu.vector_store %arg5[%swap3A, %swap3A_21], %select_n3A {strides = array<i32>} : memref<2048x128xf32, #tpu.memory_space<vmem>>, vector<2048x128xf32>,
    return
  }
  func.func @transform_0(%arg0: i32) -> (i32, i32) {
    %c0_i32 = arith.constant 0 : i32
    %c0_i32_0 = arith.constant 0 : i32
    return %arg0, %c0_i32 : i32, i32
  }
  func.func @transform_1(%arg0: i32) -> (i32, i32) {
    %c0_i32 = arith.constant 0 : i32
    %c0_i32_0 = arith.constant 0 : i32
    %c0_i32_1 = arith.constant 0 : i32
    return %c0_i32, %c0_i32_0 : i32, i32
  }
  func.func @transform_2(%arg0: i32) -> (i32, i32) {
    %c0_i32 = arith.constant 0 : i32
    %c0_i32_0 = arith.constant 0 : i32
    %c0_i32_1 = arith.constant 0 : i32
    return %c0_i32, %c0_i32_0 : i32, i32
  }
  func.func @transform_3(%arg0: i32) -> (i32, i32) {
    %c0_i32 = arith.constant 0 : i32
    %c0_i32_0 = arith.constant 0 : i32
    return %arg0, %c0_i32 : i32, i32
  }
  func.func @transform_4(%arg0: i32) -> (i32, i32) {
    %c0_i32 = arith.constant 0 : i32
    %c0_i32_0 = arith.constant 0 : i32
    return %arg0, %c0_i32 : i32, i32
  }
}

module attributes {stable_mosaic.version = 14 : i64} {
  func.func @_final_body(%arg0: memref<2x10240x128xf32, #tpu.memory_space<vmem>>, %arg1: memref<10000x128xf32, #tpu.memory_space<vmem>>, %arg2: memref<128x128xf32, #tpu.memory_space<vmem>>, %arg3: memref<1x128xf32, #tpu.memory_space<vmem>>, %arg4: memref<128x128xf32, #tpu.memory_space<vmem>>, %arg5: memref<1x128xf32, #tpu.memory_space<vmem>>, %arg6: memref<1x128xf32, #tpu.memory_space<vmem>>, %arg7: memref<1x128xf32, #tpu.memory_space<vmem>>, %arg8: memref<1x10000xi32, #tpu.memory_space<vmem>>, %arg9: memref<128x128xf32, #tpu.memory_space<vmem>>, %arg10: memref<1x128xf32, #tpu.memory_space<vmem>>, %arg11: memref<128x128xf32, #tpu.memory_space<vmem>>, %arg12: memref<1x128xf32, #tpu.memory_space<vmem>>, %arg13: memref<128x128xf32, #tpu.memory_space<vmem>>, %arg14: memref<1x128xf32, #tpu.memory_space<vmem>>, %arg15: memref<64x128xf32, #tpu.memory_space<vmem>>, %arg16: memref<10000x128xf32, #tpu.memory_space<vmem>>) attributes {dimension_semantics = [], scalar_prefetch = 0 : i64, scratch_operands = 0 : i64, tpu.core_type = #tpu.core_type<tc>} {
    %get3A = arith.constant 0 : index
    %get3A_0 = arith.constant 0 : index
    %get3A_1 = vector.load %arg1[%get3A, %get3A_0] : memref<10000x128xf32, #tpu.memory_space<vmem>>, vector<10000x128xf32>
    %get3A_2 = arith.constant 0 : index
    %get3A_3 = arith.constant 0 : index
    %get3A_4 = arith.constant 0 : index
    %get3A_5 = vector.load %arg0[%get3A_2, %get3A_3, %get3A_4] : memref<2x10240x128xf32, #tpu.memory_space<vmem>>, vector<1x10240x128xf32>
    %get3A_6 = vector.shape_cast %get3A_5 : vector<1x10240x128xf32> to vector<10240x128xf32>
    %slice3A = vector.extract_strided_slice %get3A_6 {offsets = [0, 0], sizes = [10000, 128], strides = [1, 1]} : vector<10240x128xf32> to vector<10000x128xf32>
    %add3A = arith.addf %get3A_1, %slice3A : vector<10000x128xf32>
    %get3A_7 = arith.constant 1 : index
    %get3A_8 = arith.constant 0 : index
    %get3A_9 = arith.constant 0 : index
    %get3A_10 = vector.load %arg0[%get3A_7, %get3A_8, %get3A_9] : memref<2x10240x128xf32, #tpu.memory_space<vmem>>, vector<1x10240x128xf32>
    %get3A_11 = vector.shape_cast %get3A_10 : vector<1x10240x128xf32> to vector<10240x128xf32>
    %slice3A_12 = vector.extract_strided_slice %get3A_11 {offsets = [0, 0], sizes = [10000, 128], strides = [1, 1]} : vector<10240x128xf32> to vector<10000x128xf32>
    %add3A_13 = arith.addf %add3A, %slice3A_12 : vector<10000x128xf32>
    %get3A_14 = arith.constant 0 : index
    %get3A_15 = arith.constant 0 : index
    %get3A_16 = vector.load %arg2[%get3A_14, %get3A_15] : memref<128x128xf32, #tpu.memory_space<vmem>>, vector<128x128xf32>
    %dot_general3A = arith.constant dense<0.000000e+00> : vector<10000x128xf32>
    %dot_general3A_17 = tpu.matmul %add3A_13, %get3A_16, %dot_general3A {dimension_numbers = #tpu.dot_dimension_numbers<[1], [0], [0], [1], [0, 0, 1, 1], [], []>, transpose_lhs_hint = false} : vector<10000x128xf32>, vector<128x128xf32>, vector<10000x128xf32> -> vector<10000x128xf32>
    %get3A_18 = arith.constant 0 : index
    %get3A_19 = arith.constant 0 : index
    %get3A_20 = vector.load %arg3[%get3A_18, %get3A_19] : memref<1x128xf32, #tpu.memory_space<vmem>>, vector<1x128xf32>
    %add3A_21 = vector.broadcast %get3A_20 : vector<1x128xf32> to vector<10000x128xf32>
    %add3A_22 = arith.addf %dot_general3A_17, %add3A_21 : vector<10000x128xf32>
    %max3A = arith.constant 0.000000e+00 : f32
    %max3A_23 = vector.broadcast %max3A : f32 to vector<10000x128xf32>
    %max3A_24 = arith.maximumf %add3A_22, %max3A_23 : vector<10000x128xf32>
    %get3A_25 = arith.constant 0 : index
    %get3A_26 = arith.constant 0 : index
    %get3A_27 = vector.load %arg4[%get3A_25, %get3A_26] : memref<128x128xf32, #tpu.memory_space<vmem>>, vector<128x128xf32>
    %dot_general3A_28 = arith.constant dense<0.000000e+00> : vector<10000x128xf32>
    %dot_general3A_29 = tpu.matmul %max3A_24, %get3A_27, %dot_general3A_28 {dimension_numbers = #tpu.dot_dimension_numbers<[1], [0], [0], [1], [0, 0, 1, 1], [], []>, transpose_lhs_hint = false} : vector<10000x128xf32>, vector<128x128xf32>, vector<10000x128xf32> -> vector<10000x128xf32>
    %get3A_30 = arith.constant 0 : index
    %get3A_31 = arith.constant 0 : index
    %get3A_32 = vector.load %arg5[%get3A_30, %get3A_31] : memref<1x128xf32, #tpu.memory_space<vmem>>, vector<1x128xf32>
    %add3A_33 = vector.broadcast %get3A_32 : vector<1x128xf32> to vector<10000x128xf32>
    %add3A_34 = arith.addf %dot_general3A_29, %add3A_33 : vector<10000x128xf32>
    %reduce_sum3A = arith.constant dense<0.000000e+00> : vector<128xf32>
    %reduce_sum3A_35 = vector.multi_reduction <add>, %add3A_34, %reduce_sum3A [0] : vector<10000x128xf32> to vector<128xf32>
    %broadcast_in_dim3A = vector.shape_cast %reduce_sum3A_35 : vector<128xf32> to vector<1x128xf32>
    %div3A = arith.constant 1.000000e+04 : f32
    %div3A_36 = vector.broadcast %div3A : f32 to vector<1x128xf32>
    %div3A_37 = arith.divf %broadcast_in_dim3A, %div3A_36 : vector<1x128xf32>
    %sub3A = vector.broadcast %div3A_37 : vector<1x128xf32> to vector<10000x128xf32>
    %sub3A_38 = arith.subf %add3A_34, %sub3A : vector<10000x128xf32>
    %square3A = arith.mulf %sub3A_38, %sub3A_38 : vector<10000x128xf32>
    %reduce_sum3A_39 = arith.constant dense<0.000000e+00> : vector<128xf32>
    %reduce_sum3A_40 = vector.multi_reduction <add>, %square3A, %reduce_sum3A_39 [0] : vector<10000x128xf32> to vector<128xf32>
    %broadcast_in_dim3A_41 = vector.shape_cast %reduce_sum3A_40 : vector<128xf32> to vector<1x128xf32>
    %div3A_42 = arith.constant 1.000000e+04 : f32
    %div3A_43 = vector.broadcast %div3A_42 : f32 to vector<1x128xf32>
    %div3A_44 = arith.divf %broadcast_in_dim3A_41, %div3A_43 : vector<1x128xf32>
    %get3A_45 = arith.constant 0 : index
    %get3A_46 = arith.constant 0 : index
    %get3A_47 = vector.load %arg6[%get3A_45, %get3A_46] : memref<1x128xf32, #tpu.memory_space<vmem>>, vector<1x128xf32>
    %sub3A_48 = vector.broadcast %div3A_37 : vector<1x128xf32> to vector<10000x128xf32>
    %sub3A_49 = arith.subf %add3A_34, %sub3A_48 : vector<10000x128xf32>
    %mul3A = vector.broadcast %get3A_47 : vector<1x128xf32> to vector<10000x128xf32>
    %mul3A_50 = arith.mulf %mul3A, %sub3A_49 : vector<10000x128xf32>
    %add3A_51 = arith.constant 9.99999974E-6 : f32
    %add3A_52 = vector.broadcast %add3A_51 : f32 to vector<1x128xf32>
    %add3A_53 = arith.addf %div3A_44, %add3A_52 : vector<1x128xf32>
    %rsqrt3A = math.rsqrt %add3A_53 : vector<1x128xf32>
    %mul3A_54 = vector.broadcast %rsqrt3A : vector<1x128xf32> to vector<10000x128xf32>
    %mul3A_55 = arith.mulf %mul3A_50, %mul3A_54 : vector<10000x128xf32>
    %get3A_56 = arith.constant 0 : index
    %get3A_57 = arith.constant 0 : index
    %get3A_58 = vector.load %arg7[%get3A_56, %get3A_57] : memref<1x128xf32, #tpu.memory_space<vmem>>, vector<1x128xf32>
    %add3A_59 = vector.broadcast %get3A_58 : vector<1x128xf32> to vector<10000x128xf32>
    %add3A_60 = arith.addf %mul3A_55, %add3A_59 : vector<10000x128xf32>
    %get3A_61 = arith.constant 0 : index
    %get3A_62 = arith.constant 0 : index
    %get3A_63 = vector.load %arg1[%get3A_61, %get3A_62] : memref<10000x128xf32, #tpu.memory_space<vmem>>, vector<10000x128xf32>
    %add3A_64 = arith.addf %add3A_60, %get3A_63 : vector<10000x128xf32>
    %max3A_65 = arith.constant 0.000000e+00 : f32
    %max3A_66 = vector.broadcast %max3A_65 : f32 to vector<10000x128xf32>
    %max3A_67 = arith.maximumf %add3A_64, %max3A_66 : vector<10000x128xf32>
    %iota3A = tpu.iota {dimensions = array<i32: 0>} : vector<64x10000xi32>
    %get3A_68 = arith.constant 0 : index
    %get3A_69 = arith.constant 0 : index
    %get3A_70 = vector.load %arg8[%get3A_68, %get3A_69] : memref<1x10000xi32, #tpu.memory_space<vmem>>, vector<1x10000xi32>
    %eq3A = vector.broadcast %get3A_70 : vector<1x10000xi32> to vector<64x10000xi32>
    %eq3A_71 = arith.cmpi eq, %iota3A, %eq3A : vector<64x10000xi32>
    %convert_element_type3A = arith.extui %eq3A_71 : vector<64x10000xi1> to vector<64x10000xi32>
    %convert_element_type3A_72 = arith.sitofp %convert_element_type3A : vector<64x10000xi32> to vector<64x10000xf32>
    %reduce_sum3A_73 = arith.constant dense<0.000000e+00> : vector<64xf32>
    %reduce_sum3A_74 = vector.multi_reduction <add>, %convert_element_type3A_72, %reduce_sum3A_73 [1] : vector<64x10000xf32> to vector<64xf32>
    %broadcast_in_dim3A_75 = vector.shape_cast %reduce_sum3A_74 : vector<64xf32> to vector<64x1xf32>
    %max3A_76 = arith.constant 1.000000e+00 : f32
    %max3A_77 = vector.broadcast %max3A_76 : f32 to vector<64x1xf32>
    %max3A_78 = arith.maximumf %broadcast_in_dim3A_75, %max3A_77 : vector<64x1xf32>
    %div3A_79 = arith.constant 1.000000e+00 : f32
    %div3A_80 = vector.broadcast %div3A_79 : f32 to vector<64x1xf32>
    %div3A_81 = arith.divf %div3A_80, %max3A_78 : vector<64x1xf32>
    %dot_general3A_82 = arith.constant dense<0.000000e+00> : vector<64x128xf32>
    %dot_general3A_83 = tpu.matmul %convert_element_type3A_72, %max3A_67, %dot_general3A_82 {dimension_numbers = #tpu.dot_dimension_numbers<[1], [0], [0], [1], [0, 0, 1, 1], [], []>, transpose_lhs_hint = false} : vector<64x10000xf32>, vector<10000x128xf32>, vector<64x128xf32> -> vector<64x128xf32>
    %mul3A_84 = vector.broadcast %div3A_81 : vector<64x1xf32> to vector<64x128xf32>
    %mul3A_85 = arith.mulf %dot_general3A_83, %mul3A_84 : vector<64x128xf32>
    %get3A_86 = arith.constant 0 : index
    %get3A_87 = arith.constant 0 : index
    %get3A_88 = vector.load %arg9[%get3A_86, %get3A_87] : memref<128x128xf32, #tpu.memory_space<vmem>>, vector<128x128xf32>
    %dot_general3A_89 = arith.constant dense<0.000000e+00> : vector<64x128xf32>
    %dot_general3A_90 = tpu.matmul %mul3A_85, %get3A_88, %dot_general3A_89 {dimension_numbers = #tpu.dot_dimension_numbers<[1], [0], [0], [1], [0, 0, 1, 1], [], []>, transpose_lhs_hint = false} : vector<64x128xf32>, vector<128x128xf32>, vector<64x128xf32> -> vector<64x128xf32>
    %get3A_91 = arith.constant 0 : index
    %get3A_92 = arith.constant 0 : index
    %get3A_93 = vector.load %arg10[%get3A_91, %get3A_92] : memref<1x128xf32, #tpu.memory_space<vmem>>, vector<1x128xf32>
    %add3A_94 = vector.broadcast %get3A_93 : vector<1x128xf32> to vector<64x128xf32>
    %add3A_95 = arith.addf %dot_general3A_90, %add3A_94 : vector<64x128xf32>
    %max3A_96 = arith.constant 0.000000e+00 : f32
    %max3A_97 = vector.broadcast %max3A_96 : f32 to vector<64x128xf32>
    %max3A_98 = arith.maximumf %add3A_95, %max3A_97 : vector<64x128xf32>
    %get3A_99 = arith.constant 0 : index
    %get3A_100 = arith.constant 0 : index
    %get3A_101 = vector.load %arg11[%get3A_99, %get3A_100] : memref<128x128xf32, #tpu.memory_space<vmem>>, vector<128x128xf32>
    %dot_general3A_102 = arith.constant dense<0.000000e+00> : vector<64x128xf32>
    %dot_general3A_103 = tpu.matmul %max3A_98, %get3A_101, %dot_general3A_102 {dimension_numbers = #tpu.dot_dimension_numbers<[1], [0], [0], [1], [0, 0, 1, 1], [], []>, transpose_lhs_hint = false} : vector<64x128xf32>, vector<128x128xf32>, vector<64x128xf32> -> vector<64x128xf32>
    %get3A_104 = arith.constant 0 : index
    %get3A_105 = arith.constant 0 : index
    %get3A_106 = vector.load %arg12[%get3A_104, %get3A_105] : memref<1x128xf32, #tpu.memory_space<vmem>>, vector<1x128xf32>
    %add3A_107 = vector.broadcast %get3A_106 : vector<1x128xf32> to vector<64x128xf32>
    %add3A_108 = arith.addf %dot_general3A_103, %add3A_107 : vector<64x128xf32>
    %dot_general3A_109 = arith.constant dense<0.000000e+00> : vector<10000x128xf32>
    %dot_general3A_110 = tpu.matmul %convert_element_type3A_72, %add3A_108, %dot_general3A_109 {dimension_numbers = #tpu.dot_dimension_numbers<[0], [0], [1], [1], [0, 1, 1, 1], [], []>, transpose_lhs_hint = false} : vector<64x10000xf32>, vector<64x128xf32>, vector<10000x128xf32> -> vector<10000x128xf32>
    %add3A_111 = arith.addf %max3A_67, %dot_general3A_110 : vector<10000x128xf32>
    %dot_general3A_112 = arith.constant dense<0.000000e+00> : vector<64x128xf32>
    %dot_general3A_113 = tpu.matmul %convert_element_type3A_72, %add3A_111, %dot_general3A_112 {dimension_numbers = #tpu.dot_dimension_numbers<[1], [0], [0], [1], [0, 0, 1, 1], [], []>, transpose_lhs_hint = false} : vector<64x10000xf32>, vector<10000x128xf32>, vector<64x128xf32> -> vector<64x128xf32>
    %mul3A_114 = vector.broadcast %div3A_81 : vector<64x1xf32> to vector<64x128xf32>
    %mul3A_115 = arith.mulf %dot_general3A_113, %mul3A_114 : vector<64x128xf32>
    %get3A_116 = arith.constant 0 : index
    %get3A_117 = arith.constant 0 : index
    %get3A_118 = vector.load %arg13[%get3A_116, %get3A_117] : memref<128x128xf32, #tpu.memory_space<vmem>>, vector<128x128xf32>
    %dot_general3A_119 = arith.constant dense<0.000000e+00> : vector<64x128xf32>
    %dot_general3A_120 = tpu.matmul %mul3A_115, %get3A_118, %dot_general3A_119 {dimension_numbers = #tpu.dot_dimension_numbers<[1], [0], [0], [1], [0, 0, 1, 1], [], []>, transpose_lhs_hint = false} : vector<64x128xf32>, vector<128x128xf32>, vector<64x128xf32> -> vector<64x128xf32>
    %get3A_121 = arith.constant 0 : index
    %get3A_122 = arith.constant 0 : index
    %get3A_123 = vector.load %arg14[%get3A_121, %get3A_122] : memref<1x128xf32, #tpu.memory_space<vmem>>, vector<1x128xf32>
    %add3A_124 = vector.broadcast %get3A_123 : vector<1x128xf32> to vector<64x128xf32>
    %add3A_125 = arith.addf %dot_general3A_120, %add3A_124 : vector<64x128xf32>
    %swap3A = arith.constant 0 : index
    %swap3A_126 = arith.constant 0 : index
    %swap3A_127 = vector.load %arg15[%swap3A, %swap3A_126] : memref<64x128xf32, #tpu.memory_space<vmem>>, vector<64x128xf32>
    tpu.vector_store %arg15[%swap3A, %swap3A_126], %add3A_125 {strides = array<i32>} : memref<64x128xf32, #tpu.memory_space<vmem>>, vector<64x128xf32>,
    %swap3A_128 = arith.constant 0 : index
    %swap3A_129 = arith.constant 0 : index
    %swap3A_130 = vector.load %arg16[%swap3A_128, %swap3A_129] : memref<10000x128xf32, #tpu.memory_space<vmem>>, vector<10000x128xf32>
    tpu.vector_store %arg16[%swap3A_128, %swap3A_129], %add3A_111 {strides = array<i32>} : memref<10000x128xf32, #tpu.memory_space<vmem>>, vector<10000x128xf32>,
    return
  }
}

</mosaic_0001>

<sc_bundles>
// kernel: kernel.12.cloned.1.call-start
scs
__scs_entry_jumppad:
0x0: {  	(pc) =	sbr.rel $0x88, $3  }
0x1: {  	(tag) =	ssettag $0x0;
	lr =	simm.s32 $0x1  }
0x2: {  	[smem:$0x3F87] =	sst lr;
	_ =	strace $0xD0000000  }
0x3: {  	_ = 	snop  }
0x4: {  	_ = 	snop  }
0x5: {  	_ = 	snop  }
0x6: {  	_ = 	snop  }
0x7: {  	_ = 	snop  }
__scs_overlays_trampoline_lowered:
0x8: {  	[smem:$0x3F96] =	sst s0  }
0x9: {  	[smem:$0x3F97] =	sst s1  }
0xa: {  	[smem:$0x3F98] =	sst s2  }
0xb: {  	[smem:$0x3F99] =	sst s3  }
0xc: {  	[smem:$0x3F9A] =	sst s4  }
0xd: {  	[smem:$0x3F9B] =	sst s5  }
0xe: {  	[smem:$0x3F9C] =	sst s6  }
0xf: {  	[smem:$0x3F9D] =	sst s7  }
0x10: {  	[smem:$0x3F9E] =	sst s8  }
0x11: {  	[smem:$0x3F9F] =	sst s9;
	s0 =	simm.s32 @!p0 $0x0  }
0x12: {  	s1 =	sld [smem:$0x3F85];
	s0 =	simm.s32 @p0 $0x1  }
0x13: {  	[smem:$0x3FA0] =	sst s0;
	s0 =	simm.s32 @!p1 $0x0  }
0x14: {  	s2 =	sld [smem:$0x3F84];
	s0 =	simm.s32 @p1 $0x1  }
0x15: {  	[smem:$0x3FA1] =	sst s0;
	s0 =	simm.s32 @!p2 $0x0  }
0x16: {  	s3 =	sld [smem:$0x3FDB];
	s0 =	simm.s32 @p2 $0x1  }
0x17: {  	s4 =	simm.s32 $0x1BF5;
	[smem:$0x3FA3] =	sst s0  }
0x18: {  	s0 =	sld [smem:$0x3F86];
	_ =	swait.ge [sflag:s4], $0x0  }
0x19: {  	s7 =	sld [smem:$0x3F87]  }
0x1a: {  	s8 =	sadd.s32 $0xFFFFE003, lr  }
0x1b: {  	s9 =	sadd.s32 $0xFFFFFEF7, lr;
	s5 =	simm.s32 $0xFFFFFFFF;
	p2 =	slt.u32 s8, $0xFFFFF086  }
0x1c: {  	p1 =	slt.u32 s9, $0xF7A;
	s5 =	simm.s32 @!p2 $0x0  }
0x1d: {  	s5 =	simm.s32 @p1 $0x1;
	p0 =	seq.s32 s7, s2  }
0x1e: {  	s7 =	smul.u32 @!p0 $0xF7A, s2;
	p2 =	seq.s32 @!p0 s5, $0x0  }
0x1f: {  	s9 =	smul.u32 $0xF7A, s1;
	s8 =	simm.s32 @!p0 $0x1BF5;
	p2 =	por !p2, p0  }
0x20: {  	[sflag:s8] =	ssyncset.s32 @!p0 $0xFFFFF086;
	s6 =	sadd.s32 @!p0 s3, s7;
	s7 =	simm.s32 @!p0 $0x108  }
0x21: {  	s3 =	sadd.s32 s3, s9;
	s6 =	sadd.s32 @!p0 $0x88, s6;
	s7 =	simm.s32 @p2 $0x1082  }
0x22: {  	[simem:s7], [sflag:s8] =	dma.local @!p0 [hbm:s6], $0xF7A  }
0x23: {  	s9 =	sor.u32 $0xD0000000, s2;
	s6 =	simm.s32 $0x108;
	_ =	swait.ge @!p0 [sflag:s8], $0x0  }
0x24: {  	s3 =	sadd.s32 $0x88, s3;
	s6 =	simm.s32 @!p1 $0x1082;
	[sflag:s4] =	ssyncset.s32 $0xFFFFF086  }
0x25: {  	[simem:s6], [sflag:s4] =	dma.local [hbm:s3], $0xF7A  }
0x26: {  	[smem:$0x3F87] =	sst s1;
	(tag) =	ssettag s2;
	_ =	strace s9  }
0x27: {  	s1 =	sld [smem:$0x3F97]  }
0x28: {  	s2 =	sld [smem:$0x3F98]  }
0x29: {  	s4 =	sld [smem:$0x3F9A]  }
0x2a: {  	p0 =	seq.s32 s5, $0x0;
	s5 =	sld [smem:$0x3F9B]  }
0x2b: {  	s6 =	sld [smem:$0x3F9C]  }
0x2c: {  	s7 =	sld [smem:$0x3F9D]  }
0x2d: {  	s3 =	simm.s32 $0x108;
	s8 =	sld [smem:$0x3F9E]  }
0x2e: {  	s3 =	simm.s32 @!p0 $0x1082;
	s9 =	sld [smem:$0x3F9F]  }
0x2f: {  	lr =	sadd.s32 s0, s3;
	s0 =	sld [smem:$0x3F96]  }
0x30: {  	s3 =	sld [smem:$0x3F99]  }
0x31: {  	[smem:$0x3FA2] =	sst s10  }
0x32: {  	s10 =	sld [smem:$0x3FA0];
	_ =	sdelay $0x3  }
0x33: {  	p0 =	seq.s32 s10, $0x1;
	s10 =	sld [smem:$0x3FA2];
	_ =	sdelay $0x3  }
0x34: {  	[smem:$0x3FA2] =	sst s10  }
0x35: {  	s10 =	sld [smem:$0x3FA1];
	_ =	sdelay $0x3  }
0x36: {  	p1 =	seq.s32 s10, $0x1;
	s10 =	sld [smem:$0x3FA2];
	_ =	sdelay $0x3  }
0x37: {  	[smem:$0x3FA2] =	sst s10  }
0x38: {  	s10 =	sld [smem:$0x3FA3]  }
0x39: {  	_ = 	snop;
	(pc) =	sbr.ind lr, $3  }
0x3a: {  	_ = 	snop  }
0x3b: {  	_ = 	snop  }
0x3c: {  	p2 =	seq.s32 s10, $0x1;
	s10 =	sld [smem:$0x3FA2]  }
0x3d: {  	_ =	shalt  }
0x3e: {  	_ =	shalt  }
0x3f: {  	_ =	shalt  }
0x40: {  	_ =	shalt  }
0x41: {  	_ =	shalt  }
0x42: {  	_ =	shalt  }
0x43: {  	_ =	shalt  }
0x44: {  	_ =	shalt  }
0x45: {  	_ =	shalt  }
0x46: {  	_ =	shalt  }
0x47: {  	_ =	shalt  }
0x48: {  	_ =	shalt  }
0x49: {  	_ =	shalt  }
0x4a: {  	_ =	shalt  }
0x4b: {  	_ =	shalt  }
0x4c: {  	_ =	shalt  }
0x4d: {  	_ =	shalt  }
0x4e: {  	_ =	shalt  }
0x4f: {  	_ =	shalt  }
0x50: {  	_ =	shalt  }
0x51: {  	_ =	shalt  }
0x52: {  	_ =	shalt  }
0x53: {  	_ =	shalt  }
0x54: {  	_ =	shalt  }
0x55: {  	_ =	shalt  }
0x56: {  	_ =	shalt  }
0x57: {  	_ =	shalt  }
0x58: {  	_ =	shalt  }
0x59: {  	_ =	shalt  }
0x5a: {  	_ =	shalt  }
0x5b: {  	_ =	shalt  }
0x5c: {  	_ =	shalt  }
0x5d: {  	_ =	shalt  }
0x5e: {  	_ =	shalt  }
0x5f: {  	_ =	shalt  }
0x60: {  	_ =	shalt  }
0x61: {  	_ =	shalt  }
0x62: {  	_ =	shalt  }
0x63: {  	_ =	shalt  }
0x64: {  	_ =	shalt  }
0x65: {  	_ =	shalt  }
0x66: {  	_ =	shalt  }
0x67: {  	_ =	shalt  }
0x68: {  	_ =	shalt  }
0x69: {  	_ =	shalt  }
0x6a: {  	_ =	shalt  }
0x6b: {  	_ =	shalt  }
0x6c: {  	_ =	shalt  }
0x6d: {  	_ =	shalt  }
0x6e: {  	_ =	shalt  }
0x6f: {  	_ =	shalt  }
0x70: {  	_ =	shalt  }
0x71: {  	_ =	shalt  }
0x72: {  	_ =	shalt  }
0x73: {  	_ =	shalt  }
0x74: {  	_ =	shalt  }
0x75: {  	_ =	shalt  }
0x76: {  	_ =	shalt  }
0x77: {  	_ =	shalt  }
0x78: {  	_ =	shalt  }
0x79: {  	_ =	shalt  }
0x7a: {  	_ =	shalt  }
0x7b: {  	_ =	shalt  }
0x7c: {  	_ =	shalt  }
0x7d: {  	_ =	shalt  }
0x7e: {  	_ =	shalt  }
0x7f: {  	_ =	shalt  }
0x80: {  	_ =	shalt  }
0x81: {  	_ =	shalt  }
0x82: {  	_ =	shalt  }
0x83: {  	_ =	shalt  }
0x84: {  	_ =	shalt  }
0x85: {  	_ =	shalt  }
0x86: {  	_ =	shalt  }
0x87: {  	_ =	shalt  }
.Lfunc_end0:
.L_simem_size_0:
called_computation.1_lowered:
.L_overlay_start_0:
0x88: {  	s2 =	sld [smem:$0x3FD9]  }
0x89: {  	s3 =	sld [smem:$0x3FFE];
	_ =	sdelay $0x1  }
0x8a: {  	s1 =	srdreg.scid  }
0x8b: {  	s0 =	sand.u32 $0x1, s1  }
0x8c: {  	s16 =	sshll.u32 s0, $0xA;
	s2 =	sadd.s32 s3, s2  }
0x8d: {  	s2 =	sadd.s32 s2, s16  }
0x8e: {  	[smem:$0x3FAE] =	sst s2  }
0x8f: {  	_ = 	snop  }
0x90: {  	(tm) =	ssettm $0x1  }
0x91: {  	s17 =	sld [smem:$0x3FFB];
	_ =	sdelay $0x3  }
0x92: {  	_ =	strace s17  }
0x93: {  	s2 =	sld [smem:$0x3FFC];
	_ =	sdelay $0x3  }
0x94: {  	_ =	strace s2  }
0x95: {  	s2 =	sld [smem:$0x3FFD];
	_ =	sdelay $0x3  }
0x96: {  	_ =	strace s2  }
0x97: {  	_ =	strace $0x8FFFFFFF  }
0x98: {  	s18 =	sld [smem:$0x3FDB];
	_ =	sdelay $0x1  }
0x99: {  	s19 =	simm.s32 $_scs_section_size  }
0x9a: {  	s4 =	simm.s32 $_size__tile_overlayer_lowered;
	s5 =	simm.s32 $_tile_overlayer_lowered  }
0x9b: {  	s22 =	simm.s32 $0x1BFF;
	s21 =	sshll.u32 s5, $0x1;
	s2 =	sadd.s32 s19, s18  }
0x9c: {  	s6 =	simm.s32 $0x0;
	s20 =	sshll.u32 s4, $0x1;
	s4 =	sadd.s32 s21, s2  }
0x9d: {  	[timem:s6], [sflag:s22] =	dma.local [hbm:s4], s20  }
0x9e: {  	_ =	swait.ge [sflag:s22], s20  }
0x9f: {  	s3 =	ssub.s32 $0x0, s20;
	[sflag:s22] =	ssyncset.done $0x0  }
0xa0: {  	[sflag:s22] =	ssyncadd.s32 s3;
	_ =	sdelay $0x1  }
0xa1: {  	s23 =	simm.s32 $0x1B8B  }
0xa2: {  	_ =	swait.ge [sflag:s23], $0x1  }
0xa3: {  	[sflag:s23] =	ssyncset.done $0x0  }
0xa4: {  	s25 =	simm.s32 $0x1B8E;
	s24 =	sld [smem:$0x3FFE];
	[sflag:s23] =	ssyncadd.s32 $0xFFFFFFFF  }
0xa5: {  	s26 =	simm.s32 $execute0_lowered;
	[smem:$0x3FD2] =	sst s25  }
0xa6: {  	s4 =	sshll.u32 s26, $0x1;
	_ =	strace $0x8000004F;
	[dreg:$0x1] =	wrdreg $0xFFFFFFFF  }
0xa7: {  	s28 =	simm.s32 $_size_execute0_lowered;
	s2 =	sadd.s32 s2, s4;
	[dreg:$0x0] =	wrdreg $0x0  }
0xa8: {  	s4 =	sshll.u32 s28, $0x1;
	[dreg:$0x2] =	wrdreg s2  }
0xa9: {  	[dreg:$0x3] =	wrdreg s4  }
0xaa: {  	[dreg:$0x4] =	wrdreg $0xC0  }
0xab: {  	_ =	task [dreg:s6], $0x5FFFF  }
0xac: {  	[dreg:$0x1] =	wrdreg $0xFFFFFFFF  }
0xad: {  	[dreg:$0x0] =	wrdreg $0x60  }
0xae: {  	[dreg:$0x2] =	wrdreg s24  }
0xaf: {  	[dreg:$0x3] =	wrdreg $0x0  }
0xb0: {  	[dreg:$0x4] =	wrdreg $0x9  }
0xb1: {  	_ =	task.clear_ibuf [dreg:s6], $0x5FFFF;
	_ =	strace $0x9000004F  }
0xb2: {  	s29 =	simm.s32 $0x9;
	_ =	strace $0x80000058  }
0xb3: {  	_ =	swait.ge [sflag:s29], $0x1  }
0xb4: {  	[sflag:s29] =	ssyncadd.s32 $0xFFFFFFFF  }
0xb5: {  	_ =	strace $0x90000058  }
0xb6: {  	_ =	sfence  }
0xb7: {  	s30 =	sld [smem:$0x0];
	_ =	sdelay $0x2  }
0xb8: {  	s31 =	sshll.u32 s1, $0xD;
	s1 =	sshrl.u32 s1, $0x2  }
0xb9: {  	s3 =	sand.u32 $0x4000, s31;
	s1 =	sadd.s32 s1, s30  }
0xba: {  	s0 =	sor.u32 s3, s0;
	s1 =	sshll.u32 s1, $0x11  }
0xbb: {  	s0 =	sor.u32 s1, s0  }
0xbc: {  	s0 =	sadd.s32 $0x8F2B, s0  }
0xbd: {  	[sflag:s0] =	ssyncadd.remote.s32 $0x1  }
0xbe: {  	_ =	sfence.sel $0xFFFF  }
0xbf: {  	[dreg:$0x0] =	wrdreg $0xFFFFFFFF;
	(pc) =	sbr.abs _section_cstart, $3  }
0xc0: {  	[dreg:$0x1] =	wrdreg $0xFFFFFFFF  }
0xc1: {  	_ =	task.clear_ibuf [dreg:s6], $0x2FFFF;
	_ =	strace $0x9FFFFFFF  }
0xc2: {  	(tm) =	ssettm $0x7FFFFFFF  }
0xc3: {  	_ =	shalt  }
tec
execute0_lowered:
.L_overlay_start_1:
0x0: {  	(tag) =	ssettag $0x1  }
0x1: {  	s0 =	rddreg [dreg:$0x0]  }
0x2: {  	s1 =	rddreg [dreg:$0x1];
	s2 =	srdreg.scid;
	s3 =	simm.s32 $0x0  }
0x3: {  	s12 =	stileid.u32;
	s28 =	simm.s32 $0x1;
	s29 =	simm.s32 $0x3  }
0x4: {  	s30 =	simm.s32 $0x0;
	s2 =	sand.u32 $0x1, s2;
	s7 =	smul.u32 $0x280, s12  }
0x5: {  	[smem:$0x7FF] =	sst s3;
	s9 =	sadd.s32 $0x35E00, s0;
	s10 =	smul.u32 $0x50000, s12  }
0x6: {  	s5 =	sadd.s32 $0x85E00, s0;
	s6 =	sadd.s32 $0x9D6000, s0;
	s14 =	smul.u32 $0x2800, s12  }
0x7: {  	s19 =	sshll.u32 s12, $0x6;
	s4 =	sshll.u32 s2, $0x4;
	s2 =	ssub.s32 $0x2, s2  }
0x8: {  	_ =	strace $0x80000050;
	s8 =	sor.u32 s12, s4;
	s31 =	sshrl.u32 s2, $0x1  }
0x9: {  	s13 =	sshrl.u32 s10, $0x2;
	s18 =	sadd.s32 s9, s14;
	s20 =	sadd.s32 $0x80, s7  }
0xa: {  	s10 =	sor.u32 $0x1C01, s19;
	s22 =	sadd.s32 $0x100, s7;
	s4 =	smul.u32 $0x4F, s8  }
0xb: {  	s11 =	smul.u32 $0x4F0, s8;
	s0 =	ssub.s32 s2, s31;
	s16 =	sadd.s32 s13, s1  }
0xc: {  	[dreg:$0x4] =	wrdreg s18;
	s21 =	sshll.u32 s20, $0x7;
	s23 =	sshll.u32 s22, $0x7  }
0xd: {  	s13 =	sadd.s32 $0x180, s7;
	s7 =	sadd.s32 $0x200, s7;
	s8 =	smul.u32 $0x27800, s8  }
0xe: {  	s0 =	smax.u32 s0, $0x1;
	s2 =	sadd.s32 s21, s1;
	s19 =	sadd.s32 s23, s1  }
0xf: {  	s24 =	sshll.u32 s13, $0x7;
	s13 =	sshll.u32 s13, $0x4;
	s14 =	sshll.u32 s7, $0x7  }
0x10: {  	s7 =	sshll.u32 s7, $0x4;
	s15 =	sadd.s32 s5, s11;
	[dreg:$0x3] =	wrdreg s0  }
0x11: {  	s11 =	sshll.u32 s20, $0x4;
	s25 =	sadd.s32 s9, s13;
	s21 =	sadd.s32 s14, s1  }
0x12: {  	s7 =	sadd.s32 s9, s7;
	s31 =	sadd.s32 s6, s8;
	[dreg:$0x7] =	wrdreg s25  }
0x13: {  	s0 =	sshrl.u32 s16, $0x3;
	s18 =	sshrl.u32 s2, $0x3;
	[dreg:$0x8] =	wrdreg s7  }
0x14: {  	s19 =	sshrl.u32 s19, $0x3;
	s11 =	sadd.s32 s9, s11;
	[dreg:$0xa] =	wrdreg s31  }
0x15: {  	s17 =	smov.u32 s15;
	s26 =	sadd.s32 $0x10, s15;
	[dreg:$0xb] =	wrdreg s0  }
0x16: {  	s21 =	sshrl.u32 s21, $0x3;
	[dreg:$0x5] =	wrdreg s11;
	s11 =	sshll.u32 s22, $0x4  }
0x17: {  	s25 =	simm.s32 $0x14100;
	[dreg:$0x9] =	wrdreg s26;
	s11 =	sadd.s32 s9, s11  }
0x18: {  	s22 =	simm.s32 $0x14000;
	[dreg:$0x6] =	wrdreg s11;
	s11 =	sadd.s32 s24, s1  }
0x19: {  	s26 =	simm.s32 $0x5;
	s24 =	simm.s32 $0x80;
	s20 =	sshrl.u32 s11, $0x3  }
.LBB2_1:
0x1a: {  	s0 =	rddreg [dreg:$0x4]  }
0x1b: {  	s2 =	rddreg [dreg:$0xb]  }
0x1c: {  	[spmem:s2], [sflag:s10] =	dma.local [hbm:s0], $0x800  }
0x1d: {  	_ =	swait.ge [sflag:s28], $0x800  }
0x1e: {  	[sflag:s28] =	ssyncset.done $0x0  }
0x1f: {  	s15 =	rddreg [dreg:$0x5];
	[sflag:s28] =	ssyncadd.s32 $0xFFFFF800  }
0x20: {  	[spmem:s18], [sflag:s10] =	dma.local [hbm:s15], $0x800  }
0x21: {  	_ =	swait.ge [sflag:s28], $0x800  }
0x22: {  	[sflag:s28] =	ssyncset.done $0x0  }
0x23: {  	s16 =	rddreg [dreg:$0x6];
	[sflag:s28] =	ssyncadd.s32 $0xFFFFF800  }
0x24: {  	[spmem:s19], [sflag:s10] =	dma.local [hbm:s16], $0x800  }
0x25: {  	_ =	swait.ge [sflag:s28], $0x800  }
0x26: {  	[sflag:s28] =	ssyncset.done $0x0  }
0x27: {  	s23 =	rddreg [dreg:$0x7];
	[sflag:s28] =	ssyncadd.s32 $0xFFFFF800  }
0x28: {  	[spmem:s20], [sflag:s10] =	dma.local [hbm:s23], $0x800  }
0x29: {  	_ =	swait.ge [sflag:s28], $0x800  }
0x2a: {  	[sflag:s28] =	ssyncset.done $0x0  }
0x2b: {  	s2 =	rddreg [dreg:$0x8];
	[sflag:s28] =	ssyncadd.s32 $0xFFFFF800  }
0x2c: {  	[spmem:s21], [sflag:s10] =	dma.local [hbm:s2], $0x800  }
0x2d: {  	_ =	swait.ge [sflag:s28], $0x800  }
0x2e: {  	[sflag:s28] =	ssyncset.done $0x0  }
0x2f: {  	[sflag:s28] =	ssyncadd.s32 $0xFFFFF800  }
0x30: {  	[bflag:$0x0] =	sbarrier.arrive $0xFFFF  }
0x31: {  	_ =	strace $0x80000051  }
0x32: {  	[tilespmem:s22], [sflag:$0x1] =	stream.linear.gather [hbm4b:s17+s3], $0x80, $0x200038;
	[tilespmem:$0x1C100] =	vst v63  }
0x33: {  	_ =	strace $0x90000051  }
0x34: {  	_ =	strace $0x80000052  }
0x35: {  	s8 =	simm.s32 $0x14080;
	s7 =	rddreg [dreg:$0x9]  }
0x36: {  	[tilespmem:s8], [sflag:$0x2] =	stream.linear.gather [hbm4b:s7+s3], $0x80, $0x200038;
	[tilespmem:$0x1C100] =	vst v63  }
0x37: {  	_ =	strace $0x90000052  }
0x38: {  	_ =	strace $0x80000053  }
0x39: {  	_ =	swait.ge [sflag:s28], $0x80  }
0x3a: {  	[sflag:s28] =	ssyncset.done $0x0  }
0x3b: {  	[sflag:s28] =	ssyncadd.s32 $0xFFFFFF80  }
0x3c: {  	p0 =	por $0x0, $0x0;
	s0 =	simm.s32 $0x2;
	_ =	strace $0x90000053  }
0x3d: {  	s0 =	simm.s32 @p0 $0x0;
	_ =	strace $0x80000054  }
0x3e: {  	[tilespmem:s25], [sflag:$0x5] =	stream.indirect.gather [spmem:s1], $0x80, s22, s24, $0x2000b8;
	[tilespmem:$0x1C100] =	vst v63  }
0x3f: {  	p5 =	por $0x1, $0x1;
	p1 =	sne.s32 s0, $0x1;
	_ =	swait.ge [sflag:s26], $0x4000  }
0x40: {  	p0 =	por !p5, !p1;
	[sflag:s26] =	ssyncset.done $0x0  }
0x41: {  	p0 =	por !p0, !p0;
	s2 =	simm.s32 $0x2;
	[sflag:s26] =	ssyncadd.s32 $0xFFFFC000  }
0x42: {  	s2 =	sand.u32 @p0 $0x1, s2;
	_ =	strace $0x90000054  }
0x43: {  	s7 =	sadd.s32 @p0 s4, s0;
	s8 =	sshll.u32 @p0 s2, $0x7;
	_ =	strace $0x80000055  }
0x44: {  	s7 =	sshll.u32 @p0 s7, $0x4;
	s8 =	sor.u32 @p0 $0x14000, s8;
	s9 =	rddreg [dreg:$0xa]  }
0x45: {  	[hbm4b:s9+s3] =	stream.linear.scatter [tilespmem:s25], [sflag:$0x3], $0x4000, $0x200038;
	[tilespmem:$0x1C100] =	vst v63  }
0x46: {  	s2 =	sadd.s32 @p0 $0x1, s2;
	s7 =	sand.u32 @p0 $0x1FFFFFF0, s7;
	_ =	strace $0x90000055  }
0x47: {  	s7 =	sadd.s32 @p0 s5, s7;
	s9 =	simm.s32 @p0 $0x0;
	_ =	strace @p0 $0x80000052  }
0x48: {  	[tilespmem:s8], [sflag:s2] =	stream.linear.gather @p0 [hbm4b:s7+s9], $0x80, $0x200038;
	[tilespmem:$0x1C100] =	vst v63  }
0x49: {  	s2 =	sand.u32 $0x1, s28;
	_ =	strace @p0 $0x90000052  }
0x4a: {  	s11 =	sadd.s32 $0x1, s2;
	_ =	strace $0x80000053  }
0x4b: {  	s12 =	simm.s32 $0x80;
	_ =	swait.ge [sflag:s11], $0x80  }
0x4c: {  	p2 =	por $0x0, $0x0;
	s31 =	simm.s32 $0x1;
	[sflag:s11] =	ssyncset.done $0x0  }
0x4d: {  	p6 =	por $0x1, $0x1;
	s13 =	sand.u32 $0x80, s12;
	[sflag:s11] =	ssyncadd.s32 $0xFFFFFF80  }
0x4e: {  	s15 =	sand.u32 $0x1, s3;
	s14 =	sshll.u32 s2, $0xE;
	_ =	strace $0x90000053  }
0x4f: {  	s7 =	sor.u32 $0x14000, s13;
	s8 =	sadd.s32 $0x14100, s14;
	_ =	strace $0x80000054  }
0x50: {  	[tilespmem:s8], [sflag:$0x5] =	stream.indirect.gather [spmem:s1], $0x80, s7, s24, $0x2000b8;
	[tilespmem:$0x1C100] =	vst v63  }
0x51: {  	p1 =	por p2, p1;
	s23 =	sadd.s32 $0x3, s15;
	_ =	swait.ge [sflag:s26], $0x4000  }
0x52: {  	s9 =	simm.s32 $0x1;
	s7 =	sadd.s32 $0x1, s4;
	[sflag:s26] =	ssyncset.done $0x0  }
0x53: {  	s2 =	sadd.s32 @p1 $0x3, s2;
	s7 =	sshll.u32 @p1 s7, $0xB;
	[sflag:s26] =	ssyncadd.s32 $0xFFFFC000  }
0x54: {  	s9 =	simm.s32 @!p0 $0x0;
	s7 =	sand.u32 @p1 $0x1FFFF800, s7;
	_ =	strace $0x90000054  }
0x55: {  	s11 =	simm.s32 @p1 $0x0;
	s7 =	sadd.s32 @p1 s6, s7;
	_ =	strace @p1 $0x80000055  }
0x56: {  	[hbm4b:s7+s11] =	stream.linear.scatter @p1 [tilespmem:s8], [sflag:s2], $0x4000, $0x200038;
	[tilespmem:$0x1C100] =	vst v63  }
0x57: {  	s9 =	sadd.s32 $0x2, s9;
	s8 =	simm.s32 $0x2;
	s2 =	simm.s32 $0x1  }
0x58: {  	s7 =	sadd.s32 $0x1, s0;
	s2 =	simm.s32 @!p1 $0x0;
	_ =	strace @p1 $0x90000055  }
0x59: {  	p0 =	seq.s32 s7, $0x4F;
	s2 =	sadd.s32 $0x1, s2;
	_ =	strace $0x80000056  }
0x5a: {  	s7 =	simm.s32 @p0 $0x0;
	s16 =	sshll.u32 s2, $0x7;
	_ =	swait.ge [sflag:s23], $0x4000  }
0x5b: {  	p0 =	sne.s32 s0, s7;
	[sflag:s23] =	ssyncset.done $0x0;
	s11 =	sand.u32 $0x80, s16  }
0x5c: {  	p2 =	por !p6, !p0;
	[sflag:s23] =	ssyncadd.s32 $0xFFFFC000;
	s23 =	smov.u32 s2  }
.LBB2_2:
0x5d: {  	p2 =	por !p2, !p2  }
0x5e: {  	_ =	strace $0x90000056;
	s12 =	smov.u32 s31;
	s31 =	smov.u32 s8  }
0x5f: {  	s8 =	sadd.s32 $0x1, s8;
	s13 =	smov.u32 s0;
	s15 =	simm.s32 $0x1  }
0x60: {  	s0 =	sand.u32 @p2 $0x1, s9;
	s14 =	sadd.s32 @p2 s4, s7;
	s15 =	simm.s32 @!p2 $0x0  }
0x61: {  	s16 =	sshll.u32 @p2 s0, $0x7;
	s0 =	sadd.s32 @p2 $0x1, s0;
	s14 =	sshll.u32 @p2 s14, $0x4  }
0x62: {  	s9 =	sadd.s32 s15, s9;
	s16 =	sor.u32 @p2 $0x14000, s16;
	s14 =	sand.u32 @p2 $0x1FFFFFF0, s14  }
0x63: {  	s15 =	simm.s32 @p2 $0x0;
	_ =	strace @p2 $0x80000052;
	s14 =	sadd.s32 @p2 s5, s14  }
0x64: {  	[tilespmem:s16], [sflag:s0] =	stream.linear.gather @p2 [hbm4b:s14+s15], $0x80, $0x200038;
	[tilespmem:$0x1C100] =	vst v63  }
0x65: {  	p1 =	sne.s32 s8, $0x4E;
	s0 =	sand.u32 $0x1, s2;
	_ =	strace @p2 $0x90000052  }
0x66: {  	s14 =	sadd.s32 $0x1, s0;
	s0 =	smov.u32 s7;
	_ =	strace $0x80000053  }
0x67: {  	_ =	swait.ge [sflag:s14], $0x80  }
0x68: {  	s11 =	sor.u32 $0x14000, s11;
	[sflag:s14] =	ssyncset.done $0x0  }
0x69: {  	s13 =	sadd.s32 s4, s13;
	[sflag:s14] =	ssyncadd.s32 $0xFFFFFF80;
	s14 =	sand.u32 $0x1, s23  }
0x6a: {  	p2 =	seq.s32 s12, $0x4D;
	_ =	strace $0x90000053;
	s15 =	sshll.u32 s14, $0xE  }
0x6b: {  	s7 =	sadd.s32 $0x1, s7;
	_ =	strace $0x80000054;
	s15 =	sadd.s32 $0x14100, s15  }
0x6c: {  	[tilespmem:s15], [sflag:$0x5] =	stream.indirect.gather [spmem:s1], $0x80, s11, s24, $0x2000b8;
	[tilespmem:$0x1C100] =	vst v63  }
0x6d: {  	p0 =	por p2, p0;
	s11 =	sand.u32 $0x1, s12;
	_ =	swait.ge [sflag:s26], $0x4000  }
0x6e: {  	s13 =	sshll.u32 @p0 s13, $0xB;
	s12 =	sadd.s32 $0x3, s11;
	[sflag:s26] =	ssyncset.done $0x0  }
0x6f: {  	s11 =	sadd.s32 @p0 $0x3, s14;
	s14 =	simm.s32 $0x1;
	[sflag:s26] =	ssyncadd.s32 $0xFFFFC000  }
0x70: {  	s13 =	sand.u32 @p0 $0x1FFFF800, s13;
	s14 =	simm.s32 @!p0 $0x0;
	_ =	strace $0x90000054  }
0x71: {  	s16 =	simm.s32 @p0 $0x0;
	s13 =	sadd.s32 @p0 s6, s13;
	_ =	strace @p0 $0x80000055  }
0x72: {  	[hbm4b:s13+s16] =	stream.linear.scatter @p0 [tilespmem:s15], [sflag:s11], $0x4000, $0x200038;
	[tilespmem:$0x1C100] =	vst v63  }
.Ltmp0:
0x73: {  	s2 =	sadd.s32 s14, s2;
	_ =	strace @p0 $0x90000055;
	(pc) =	sbr.rel @p1 .LBB2_2-.Ltmp0, $4  }
0x74: {  	s11 =	sshll.u32 s2, $0x7;
	p0 =	seq.s32 s7, $0x4F;
	_ =	strace $0x80000056  }
0x75: {  	s11 =	sand.u32 $0x80, s11;
	s7 =	simm.s32 @p0 $0x0;
	_ =	swait.ge [sflag:s12], $0x4000  }
0x76: {  	p2 =	sne.s32 s31, $0x4D;
	p0 =	sne.s32 s0, s7;
	[sflag:s12] =	ssyncset.done $0x0  }
0x77: {  	s23 =	sadd.s32 s14, s23;
	p2 =	por !p2, !p0;
	[sflag:s12] =	ssyncadd.s32 $0xFFFFC000  }
0x78: {  	p1 =	por !p2, !p2  }
0x79: {  	_ =	strace $0x90000056;
	s7 =	sadd.s32 @p1 s4, s7  }
0x7a: {  	s8 =	sand.u32 @p1 $0x1, s9;
	_ =	strace @p1 $0x80000052;
	s7 =	sshll.u32 @p1 s7, $0x4  }
0x7b: {  	s12 =	simm.s32 @p1 $0x0;
	s9 =	sshll.u32 @p1 s8, $0x7;
	s7 =	sand.u32 @p1 $0x1FFFFFF0, s7  }
0x7c: {  	s8 =	sadd.s32 @p1 $0x1, s8;
	s9 =	sor.u32 @p1 $0x14000, s9;
	s7 =	sadd.s32 @p1 s5, s7  }
0x7d: {  	[tilespmem:s9], [sflag:s8] =	stream.linear.gather @p1 [hbm4b:s7+s12], $0x80, $0x200038;
	[tilespmem:$0x1C100] =	vst v63  }
0x7e: {  	s2 =	sand.u32 $0x1, s2;
	_ =	strace @p1 $0x90000052  }
0x7f: {  	s2 =	sadd.s32 $0x1, s2;
	_ =	strace $0x80000053  }
0x80: {  	_ =	swait.ge [sflag:s2], $0x80  }
0x81: {  	[sflag:s2] =	ssyncset.done $0x0  }
0x82: {  	[sflag:s2] =	ssyncadd.s32 $0xFFFFFF80;
	s2 =	sand.u32 $0x1, s23  }
0x83: {  	s16 =	sor.u32 $0x14000, s11;
	_ =	strace $0x90000053;
	s15 =	sshll.u32 s2, $0xE  }
0x84: {  	p6 =	seq.s32 s31, $0x4D;
	_ =	strace $0x80000054;
	s7 =	sadd.s32 $0x14100, s15  }
0x85: {  	[tilespmem:s7], [sflag:$0x5] =	stream.indirect.gather [spmem:s1], $0x80, s16, s24, $0x2000b8;
	[tilespmem:$0x1C100] =	vst v63  }
0x86: {  	s0 =	sadd.s32 s4, s0;
	p0 =	por p6, p0;
	_ =	swait.ge [sflag:s26], $0x4000  }
0x87: {  	s0 =	sshll.u32 @p0 s0, $0xB;
	[sflag:s26] =	ssyncset.done $0x0  }
0x88: {  	s0 =	sand.u32 @p0 $0x1FFFF800, s0;
	[sflag:s26] =	ssyncadd.s32 $0xFFFFC000  }
0x89: {  	s0 =	sadd.s32 @p0 s6, s0;
	_ =	strace $0x90000054  }
0x8a: {  	s8 =	simm.s32 @p0 $0x0;
	s2 =	sadd.s32 @p0 $0x3, s2;
	_ =	strace @p0 $0x80000055  }
0x8b: {  	[hbm4b:s0+s8] =	stream.linear.scatter @p0 [tilespmem:s7], [sflag:s2], $0x4000, $0x200038;
	[tilespmem:$0x1C100] =	vst v63  }
0x8c: {  	s23 =	sand.u32 $0x1, s31;
	_ =	strace @p0 $0x90000055  }
0x8d: {  	s0 =	sadd.s32 $0x3, s23;
	_ =	strace $0x80000056  }
0x8e: {  	_ =	swait.ge [sflag:s0], $0x4000  }
0x8f: {  	[sflag:s0] =	ssyncset.done $0x0  }
0x90: {  	[sflag:s0] =	ssyncadd.s32 $0xFFFFC000  }
0x91: {  	_ =	strace $0x90000056  }
0x92: {  	_ =	strace $0x80000057  }
0x93: {  	_ =	swait.ge [sflag:s29], $0x4000  }
0x94: {  	s30 =	sadd.s32 $0x1, s30;
	s31 =	rddreg [dreg:$0x3]  }
0x95: {  	p0 =	sne.s32 s30, s31  }
.Ltmp1:
0x96: {  	_ = 	snop;
	(pc) =	sbr.rel @p0 .LBB2_1-.Ltmp1, $4  }
0x97: {  	_ = 	snop  }
0x98: {  	[sflag:s29] =	ssyncset.done $0x0  }
0x99: {  	[sflag:s29] =	ssyncadd.s32 $0xFFFFC000  }
0x9a: {  	_ =	strace $0x90000057  }
0x9b: {  	_ =	sfence.sel $0x180000  }
0x9c: {  	[bflag:$0x0] =	sbarrier.arrive $0xFFFF  }
0x9d: {  	_ =	strace $0x90000050  }
0x9e: {  	s0 =	stileid.u32;
	[bflag:$0x2] =	sbarrier.arrive $0xFFFF  }
0x9f: {  	p0 =	sne.s32 s0, $0x0;
	s0 =	rddreg [dreg:$0x2]  }
0xa0: {  	s0 =	sadd.s32 @!p0 $0x100000, s0  }
0xa1: {  	[sflag:s0] =	ssyncadd.tile.s32 @!p0 $0x1;
	_ =	shalt  }
.Lfunc_end2:
_tile_overlayer_lowered:
.L_overlay_start_2:
0xa2: {  	(tag) =	ssettag $0x2  }
0xa3: {  	s0 =	rddreg [dreg:$0x0];
	s2 =	stileid.u32  }
0xa4: {  	s1 =	rddreg [dreg:$0x1];
	p0 =	sne.s32 s2, $0x0  }
0xa5: {  	s3 =	rddreg [dreg:$0x2];
	[bflag:$0x3] =	sbarrier.arrive $0xFFFF;
	s2 =	simm.s32 @!p0 $0x1C01  }
0xa6: {  	[timem:s3], [sflag:s2] =	dma.local @!p0 [hbm:s0], s1  }
0xa7: {  	s0 =	simm.s32 @!p0 $0x1  }
0xa8: {  	_ =	swait.ge @!p0 [sflag:s0], s1  }
0xa9: {  	s1 =	ssub.s32 @!p0 $0x0, s1;
	[sflag:s0] =	ssyncset.done @!p0 $0x0  }
0xaa: {  	[sflag:s0] =	ssyncadd.s32 @!p0 s1  }
0xab: {  	[bflag:$0x3] =	sbarrier.arrive $0xFFFF  }
0xac: {  	_ =	shalt  }

// kernel: kernel.15.cloned.1.call-start
scs
__scs_entry_jumppad:
0x0: {  	(pc) =	sbr.rel $0x88, $3  }
0x1: {  	(tag) =	ssettag $0x0;
	lr =	simm.s32 $0x1  }
0x2: {  	[smem:$0x3F87] =	sst lr;
	_ =	strace $0xD0000000  }
0x3: {  	_ = 	snop  }
0x4: {  	_ = 	snop  }
0x5: {  	_ = 	snop  }
0x6: {  	_ = 	snop  }
0x7: {  	_ = 	snop  }
__scs_overlays_trampoline_lowered:
0x8: {  	[smem:$0x3F96] =	sst s0  }
0x9: {  	[smem:$0x3F97] =	sst s1  }
0xa: {  	[smem:$0x3F98] =	sst s2  }
0xb: {  	[smem:$0x3F99] =	sst s3  }
0xc: {  	[smem:$0x3F9A] =	sst s4  }
0xd: {  	[smem:$0x3F9B] =	sst s5  }
0xe: {  	[smem:$0x3F9C] =	sst s6  }
0xf: {  	[smem:$0x3F9D] =	sst s7  }
0x10: {  	[smem:$0x3F9E] =	sst s8  }
0x11: {  	[smem:$0x3F9F] =	sst s9;
	s0 =	simm.s32 @!p0 $0x0  }
0x12: {  	s1 =	sld [smem:$0x3F85];
	s0 =	simm.s32 @p0 $0x1  }
0x13: {  	[smem:$0x3FA0] =	sst s0;
	s0 =	simm.s32 @!p1 $0x0  }
0x14: {  	s2 =	sld [smem:$0x3F84];
	s0 =	simm.s32 @p1 $0x1  }
0x15: {  	[smem:$0x3FA1] =	sst s0;
	s0 =	simm.s32 @!p2 $0x0  }
0x16: {  	s3 =	sld [smem:$0x3FDB];
	s0 =	simm.s32 @p2 $0x1  }
0x17: {  	s4 =	simm.s32 $0x1BF5;
	[smem:$0x3FA3] =	sst s0  }
0x18: {  	s0 =	sld [smem:$0x3F86];
	_ =	swait.ge [sflag:s4], $0x0  }
0x19: {  	s7 =	sld [smem:$0x3F87]  }
0x1a: {  	s8 =	sadd.s32 $0xFFFFE003, lr  }
0x1b: {  	s9 =	sadd.s32 $0xFFFFFEF7, lr;
	s5 =	simm.s32 $0xFFFFFFFF;
	p2 =	slt.u32 s8, $0xFFFFF086  }
0x1c: {  	p1 =	slt.u32 s9, $0xF7A;
	s5 =	simm.s32 @!p2 $0x0  }
0x1d: {  	s5 =	simm.s32 @p1 $0x1;
	p0 =	seq.s32 s7, s2  }
0x1e: {  	s7 =	smul.u32 @!p0 $0xF7A, s2;
	p2 =	seq.s32 @!p0 s5, $0x0  }
0x1f: {  	s9 =	smul.u32 $0xF7A, s1;
	s8 =	simm.s32 @!p0 $0x1BF5;
	p2 =	por !p2, p0  }
0x20: {  	[sflag:s8] =	ssyncset.s32 @!p0 $0xFFFFF086;
	s6 =	sadd.s32 @!p0 s3, s7;
	s7 =	simm.s32 @!p0 $0x108  }
0x21: {  	s3 =	sadd.s32 s3, s9;
	s6 =	sadd.s32 @!p0 $0x88, s6;
	s7 =	simm.s32 @p2 $0x1082  }
0x22: {  	[simem:s7], [sflag:s8] =	dma.local @!p0 [hbm:s6], $0xF7A  }
0x23: {  	s9 =	sor.u32 $0xD0000000, s2;
	s6 =	simm.s32 $0x108;
	_ =	swait.ge @!p0 [sflag:s8], $0x0  }
0x24: {  	s3 =	sadd.s32 $0x88, s3;
	s6 =	simm.s32 @!p1 $0x1082;
	[sflag:s4] =	ssyncset.s32 $0xFFFFF086  }
0x25: {  	[simem:s6], [sflag:s4] =	dma.local [hbm:s3], $0xF7A  }
0x26: {  	[smem:$0x3F87] =	sst s1;
	(tag) =	ssettag s2;
	_ =	strace s9  }
0x27: {  	s1 =	sld [smem:$0x3F97]  }
0x28: {  	s2 =	sld [smem:$0x3F98]  }
0x29: {  	s4 =	sld [smem:$0x3F9A]  }
0x2a: {  	p0 =	seq.s32 s5, $0x0;
	s5 =	sld [smem:$0x3F9B]  }
0x2b: {  	s6 =	sld [smem:$0x3F9C]  }
0x2c: {  	s7 =	sld [smem:$0x3F9D]  }
0x2d: {  	s3 =	simm.s32 $0x108;
	s8 =	sld [smem:$0x3F9E]  }
0x2e: {  	s3 =	simm.s32 @!p0 $0x1082;
	s9 =	sld [smem:$0x3F9F]  }
0x2f: {  	lr =	sadd.s32 s0, s3;
	s0 =	sld [smem:$0x3F96]  }
0x30: {  	s3 =	sld [smem:$0x3F99]  }
0x31: {  	[smem:$0x3FA2] =	sst s10  }
0x32: {  	s10 =	sld [smem:$0x3FA0];
	_ =	sdelay $0x3  }
0x33: {  	p0 =	seq.s32 s10, $0x1;
	s10 =	sld [smem:$0x3FA2];
	_ =	sdelay $0x3  }
0x34: {  	[smem:$0x3FA2] =	sst s10  }
0x35: {  	s10 =	sld [smem:$0x3FA1];
	_ =	sdelay $0x3  }
0x36: {  	p1 =	seq.s32 s10, $0x1;
	s10 =	sld [smem:$0x3FA2];
	_ =	sdelay $0x3  }
0x37: {  	[smem:$0x3FA2] =	sst s10  }
0x38: {  	s10 =	sld [smem:$0x3FA3]  }
0x39: {  	_ = 	snop;
	(pc) =	sbr.ind lr, $3  }
0x3a: {  	_ = 	snop  }
0x3b: {  	_ = 	snop  }
0x3c: {  	p2 =	seq.s32 s10, $0x1;
	s10 =	sld [smem:$0x3FA2]  }
0x3d: {  	_ =	shalt  }
0x3e: {  	_ =	shalt  }
0x3f: {  	_ =	shalt  }
0x40: {  	_ =	shalt  }
0x41: {  	_ =	shalt  }
0x42: {  	_ =	shalt  }
0x43: {  	_ =	shalt  }
0x44: {  	_ =	shalt  }
0x45: {  	_ =	shalt  }
0x46: {  	_ =	shalt  }
0x47: {  	_ =	shalt  }
0x48: {  	_ =	shalt  }
0x49: {  	_ =	shalt  }
0x4a: {  	_ =	shalt  }
0x4b: {  	_ =	shalt  }
0x4c: {  	_ =	shalt  }
0x4d: {  	_ =	shalt  }
0x4e: {  	_ =	shalt  }
0x4f: {  	_ =	shalt  }
0x50: {  	_ =	shalt  }
0x51: {  	_ =	shalt  }
0x52: {  	_ =	shalt  }
0x53: {  	_ =	shalt  }
0x54: {  	_ =	shalt  }
0x55: {  	_ =	shalt  }
0x56: {  	_ =	shalt  }
0x57: {  	_ =	shalt  }
0x58: {  	_ =	shalt  }
0x59: {  	_ =	shalt  }
0x5a: {  	_ =	shalt  }
0x5b: {  	_ =	shalt  }
0x5c: {  	_ =	shalt  }
0x5d: {  	_ =	shalt  }
0x5e: {  	_ =	shalt  }
0x5f: {  	_ =	shalt  }
0x60: {  	_ =	shalt  }
0x61: {  	_ =	shalt  }
0x62: {  	_ =	shalt  }
0x63: {  	_ =	shalt  }
0x64: {  	_ =	shalt  }
0x65: {  	_ =	shalt  }
0x66: {  	_ =	shalt  }
0x67: {  	_ =	shalt  }
0x68: {  	_ =	shalt  }
0x69: {  	_ =	shalt  }
0x6a: {  	_ =	shalt  }
0x6b: {  	_ =	shalt  }
0x6c: {  	_ =	shalt  }
0x6d: {  	_ =	shalt  }
0x6e: {  	_ =	shalt  }
0x6f: {  	_ =	shalt  }
0x70: {  	_ =	shalt  }
0x71: {  	_ =	shalt  }
0x72: {  	_ =	shalt  }
0x73: {  	_ =	shalt  }
0x74: {  	_ =	shalt  }
0x75: {  	_ =	shalt  }
0x76: {  	_ =	shalt  }
0x77: {  	_ =	shalt  }
0x78: {  	_ =	shalt  }
0x79: {  	_ =	shalt  }
0x7a: {  	_ =	shalt  }
0x7b: {  	_ =	shalt  }
0x7c: {  	_ =	shalt  }
0x7d: {  	_ =	shalt  }
0x7e: {  	_ =	shalt  }
0x7f: {  	_ =	shalt  }
0x80: {  	_ =	shalt  }
0x81: {  	_ =	shalt  }
0x82: {  	_ =	shalt  }
0x83: {  	_ =	shalt  }
0x84: {  	_ =	shalt  }
0x85: {  	_ =	shalt  }
0x86: {  	_ =	shalt  }
0x87: {  	_ =	shalt  }
.Lfunc_end0:
.L_simem_size_0:
called_computation.2_lowered:
.L_overlay_start_0:
0x88: {  	s2 =	sld [smem:$0x3FD9]  }
0x89: {  	s3 =	sld [smem:$0x3FFE];
	_ =	sdelay $0x1  }
0x8a: {  	s1 =	srdreg.scid  }
0x8b: {  	s0 =	sand.u32 $0x1, s1  }
0x8c: {  	s16 =	sshll.u32 s0, $0xA;
	s2 =	sadd.s32 s3, s2  }
0x8d: {  	s2 =	sadd.s32 s2, s16  }
0x8e: {  	[smem:$0x3FAE] =	sst s2  }
0x8f: {  	_ = 	snop  }
0x90: {  	(tm) =	ssettm $0x1  }
0x91: {  	s17 =	sld [smem:$0x3FFB];
	_ =	sdelay $0x3  }
0x92: {  	_ =	strace s17  }
0x93: {  	s2 =	sld [smem:$0x3FFC];
	_ =	sdelay $0x3  }
0x94: {  	_ =	strace s2  }
0x95: {  	s2 =	sld [smem:$0x3FFD];
	_ =	sdelay $0x3  }
0x96: {  	_ =	strace s2  }
0x97: {  	_ =	strace $0x8FFFFFFF  }
0x98: {  	s18 =	sld [smem:$0x3FDB];
	_ =	sdelay $0x1  }
0x99: {  	s19 =	simm.s32 $_scs_section_size  }
0x9a: {  	s4 =	simm.s32 $_size__tile_overlayer_lowered;
	s5 =	simm.s32 $_tile_overlayer_lowered  }
0x9b: {  	s22 =	simm.s32 $0x1BFF;
	s21 =	sshll.u32 s5, $0x1;
	s2 =	sadd.s32 s19, s18  }
0x9c: {  	s6 =	simm.s32 $0x0;
	s20 =	sshll.u32 s4, $0x1;
	s4 =	sadd.s32 s21, s2  }
0x9d: {  	[timem:s6], [sflag:s22] =	dma.local [hbm:s4], s20  }
0x9e: {  	_ =	swait.ge [sflag:s22], s20  }
0x9f: {  	s3 =	ssub.s32 $0x0, s20;
	[sflag:s22] =	ssyncset.done $0x0  }
0xa0: {  	[sflag:s22] =	ssyncadd.s32 s3;
	_ =	sdelay $0x1  }
0xa1: {  	s23 =	simm.s32 $0x1B8B  }
0xa2: {  	_ =	swait.ge [sflag:s23], $0x1  }
0xa3: {  	[sflag:s23] =	ssyncset.done $0x0  }
0xa4: {  	s25 =	simm.s32 $0x1B8E;
	s24 =	sld [smem:$0x3FFE];
	[sflag:s23] =	ssyncadd.s32 $0xFFFFFFFF  }
0xa5: {  	s26 =	simm.s32 $execute0_lowered;
	[smem:$0x3FD2] =	sst s25  }
0xa6: {  	s4 =	sshll.u32 s26, $0x1;
	_ =	strace $0x80000059;
	[dreg:$0x1] =	wrdreg $0xFFFFFFFF  }
0xa7: {  	s28 =	simm.s32 $_size_execute0_lowered;
	s2 =	sadd.s32 s2, s4;
	[dreg:$0x0] =	wrdreg $0x0  }
0xa8: {  	s4 =	sshll.u32 s28, $0x1;
	[dreg:$0x2] =	wrdreg s2  }
0xa9: {  	[dreg:$0x3] =	wrdreg s4  }
0xaa: {  	[dreg:$0x4] =	wrdreg $0xC0  }
0xab: {  	_ =	task [dreg:s6], $0x5FFFF  }
0xac: {  	[dreg:$0x1] =	wrdreg $0xFFFFFFFF  }
0xad: {  	[dreg:$0x0] =	wrdreg $0x60  }
0xae: {  	[dreg:$0x2] =	wrdreg s24  }
0xaf: {  	[dreg:$0x3] =	wrdreg $0x0  }
0xb0: {  	[dreg:$0x4] =	wrdreg $0x9  }
0xb1: {  	_ =	task.clear_ibuf [dreg:s6], $0x5FFFF;
	_ =	strace $0x90000059  }
0xb2: {  	s29 =	simm.s32 $0x9;
	_ =	strace $0x80000061  }
0xb3: {  	_ =	swait.ge [sflag:s29], $0x1  }
0xb4: {  	[sflag:s29] =	ssyncadd.s32 $0xFFFFFFFF  }
0xb5: {  	_ =	strace $0x90000061  }
0xb6: {  	_ =	sfence  }
0xb7: {  	s30 =	sld [smem:$0x0];
	_ =	sdelay $0x2  }
0xb8: {  	s31 =	sshll.u32 s1, $0xD;
	s1 =	sshrl.u32 s1, $0x2  }
0xb9: {  	s3 =	sand.u32 $0x4000, s31;
	s1 =	sadd.s32 s1, s30  }
0xba: {  	s0 =	sor.u32 s3, s0;
	s1 =	sshll.u32 s1, $0x11  }
0xbb: {  	s0 =	sor.u32 s1, s0  }
0xbc: {  	s0 =	sadd.s32 $0x8F2B, s0  }
0xbd: {  	[sflag:s0] =	ssyncadd.remote.s32 $0x1  }
0xbe: {  	_ =	sfence.sel $0xFFFF  }
0xbf: {  	[dreg:$0x0] =	wrdreg $0xFFFFFFFF;
	(pc) =	sbr.abs _section_cstart, $3  }
0xc0: {  	[dreg:$0x1] =	wrdreg $0xFFFFFFFF  }
0xc1: {  	_ =	task.clear_ibuf [dreg:s6], $0x2FFFF;
	_ =	strace $0x9FFFFFFF  }
0xc2: {  	(tm) =	ssettm $0x7FFFFFFF  }
0xc3: {  	_ =	shalt  }
tec
execute0_lowered:
.L_overlay_start_1:
0x0: {  	(tag) =	ssettag $0x1  }
0x1: {  	s6 =	rddreg [dreg:$0x0]  }
0x2: {  	s2 =	rddreg [dreg:$0x1];
	s3 =	simm.s32 $0x0;
	s0 =	stileid.u32  }
0x3: {  	s4 =	srdreg.scid;
	s16 =	simm.s32 $0x5;
	s17 =	simm.s32 $0x1  }
0x4: {  	s18 =	simm.s32 $0x0;
	[smem:$0x7FF] =	sst s3;
	s7 =	smul.u32 $0x14000, s0  }
0x5: {  	s8 =	sand.u32 $0x1, s4;
	s4 =	sadd.s32 $0xEC6000, s6;
	s11 =	smul.u32 $0x50000, s0  }
0x6: {  	s5 =	sadd.s32 $0x4000, s6;
	s29 =	sshll.u32 s0, $0x6;
	s9 =	smul.u32 $0x140000, s8  }
0x7: {  	_ =	strace $0x8000005A;
	s25 =	sshll.u32 s8, $0x4;
	s8 =	ssub.s32 $0x2, s8  }
0x8: {  	s10 =	sshrl.u32 s7, $0x3;
	s7 =	sadd.s32 s7, s9;
	s9 =	sor.u32 s0, s25  }
0x9: {  	s12 =	sshrl.u32 s8, $0x1;
	s28 =	sshrl.u32 s11, $0x2;
	s13 =	smul.u32 $0x4F, s9  }
0xa: {  	s10 =	sadd.s32 s10, s6;
	s12 =	ssub.s32 s8, s12;
	s26 =	smul.u32 $0x27800, s9  }
0xb: {  	s15 =	sadd.s32 s28, s2;
	s7 =	sshrl.u32 s7, $0x3;
	s9 =	smul.u32 $0x4F0, s9  }
0xc: {  	s30 =	sadd.s32 $0xDE00, s10;
	s11 =	smax.u32 s12, $0x1;
	s12 =	sshrl.u32 s15, $0x3  }
0xd: {  	s15 =	simm.s32 $0x80;
	s14 =	sadd.s32 s7, s6;
	[dreg:$0x4] =	wrdreg s30  }
0xe: {  	s7 =	sor.u32 $0x1C01, s29;
	[dreg:$0x3] =	wrdreg s13;
	s31 =	sadd.s32 s4, s26  }
0xf: {  	s9 =	sadd.s32 s5, s9;
	s10 =	sadd.s32 $0x35E00, s14;
	[dreg:$0x5] =	wrdreg s31  }
.LBB2_1:
0x10: {  	s0 =	rddreg [dreg:$0x4]  }
0x11: {  	[spmem:s12], [sflag:s7] =	dma.local [hbm:s0], $0x2800  }
0x12: {  	_ =	swait.ge [sflag:s17], $0x2800  }
0x13: {  	[sflag:s17] =	ssyncset.done $0x0  }
0x14: {  	[sflag:s17] =	ssyncadd.s32 $0xFFFFD800  }
0x15: {  	[bflag:$0x0] =	sbarrier.arrive $0xFFFF  }
0x16: {  	s1 =	simm.s32 $0x14000;
	_ =	strace $0x8000005B  }
0x17: {  	s19 =	simm.s32 $0x1;
	p0 =	por $0x0, $0x0;
	s25 =	rddreg [dreg:$0x5]  }
0x18: {  	[tilespmem:s1], [sflag:$0x1] =	stream.linear.gather [hbm4b:s25+s3], $0x4000, $0x200038;
	[tilespmem:$0x1C100] =	vst v63  }
0x19: {  	s26 =	simm.s32 $0x1C000;
	s19 =	simm.s32 @p0 $0x0  }
0x1a: {  	[tilespmem:s26], [sflag:$0x3] =	stream.linear.gather [hbm4b:s9+s3], $0x80, $0x200038;
	[tilespmem:$0x1C100] =	vst v63  }
0x1b: {  	p0 =	seq.s32 s19, $0x0;
	_ =	strace $0x9000005B  }
0x1c: {  	s21 =	sand.u32 @!p0 $0x1, s17;
	s20 =	rddreg [dreg:$0x3]  }
0x1d: {  	s22 =	sshll.u32 @!p0 s21, $0xE;
	s20 =	sadd.s32 @!p0 s20, s19  }
0x1e: {  	s23 =	sshll.u32 @!p0 s21, $0x7;
	s22 =	sadd.s32 @!p0 $0x14000, s22;
	s24 =	sshll.u32 @!p0 s20, $0xB  }
0x1f: {  	s25 =	simm.s32 @!p0 $0x0;
	s26 =	sadd.s32 @!p0 $0x1, s21;
	s24 =	sand.u32 @!p0 $0x1FFFF800, s24  }
0x20: {  	_ =	strace @!p0 $0x8000005C;
	s20 =	sshll.u32 @!p0 s20, $0x4;
	s24 =	sadd.s32 @!p0 s4, s24  }
0x21: {  	[tilespmem:s22], [sflag:s26] =	stream.linear.gather @!p0 [hbm4b:s24+s25], $0x4000, $0x200038;
	[tilespmem:$0x1C100] =	vst v63  }
0x22: {  	s21 =	sadd.s32 @!p0 $0x3, s21;
	s20 =	sand.u32 @!p0 $0x1FFFFFF0, s20;
	_ =	strace @!p0 $0x9000005C  }
0x23: {  	s20 =	sadd.s32 @!p0 s5, s20;
	s22 =	sor.u32 @!p0 $0x1C000, s23;
	_ =	strace @!p0 $0x8000005D  }
0x24: {  	[tilespmem:s22], [sflag:s21] =	stream.linear.gather @!p0 [hbm4b:s20+s25], $0x80, $0x200038;
	[tilespmem:$0x1C100] =	vst v63  }
0x25: {  	s31 =	sand.u32 $0x1, s3;
	_ =	strace @!p0 $0x9000005D  }
0x26: {  	s6 =	simm.s32 $0x0;
	s0 =	sadd.s32 $0x1, s31;
	_ =	strace $0x8000005E  }
0x27: {  	s8 =	sadd.s32 $0x3, s31;
	p1 =	sne.s32 s19, $0x0;
	_ =	swait.ge [sflag:s0], $0x4000  }
0x28: {  	s29 =	smov.u32 s19;
	s30 =	simm.s32 @!p0 $0x2;
	[sflag:s0] =	ssyncset.done $0x0  }
0x29: {  	s30 =	smov.u32 @p0 s17;
	s1 =	simm.s32 $0x0;
	[sflag:s0] =	ssyncadd.s32 $0xFFFFC000  }
0x2a: {  	s23 =	sand.u32 $0x80, s6;
	s26 =	simm.s32 $0x4C;
	_ =	strace $0x9000005E  }
0x2b: {  	s14 =	sor.u32 $0x1C000, s23;
	s22 =	sand.u32 $0x4000, s1;
	_ =	strace $0x8000005F  }
0x2c: {  	s21 =	simm.s32 @!p0 $0x1;
	s20 =	simm.s32 $0x1;
	_ =	swait.ge [sflag:s8], $0x80  }
0x2d: {  	s21 =	simm.s32 @p0 $0x0;
	s20 =	simm.s32 @!p1 $0x0;
	[sflag:s8] =	ssyncset.done $0x0  }
0x2e: {  	s13 =	sadd.s32 $0x14000, s22;
	s20 =	sadd.s32 $0x0, s20;
	[sflag:s8] =	ssyncadd.s32 $0xFFFFFF80  }
0x2f: {  	s25 =	sadd.s32 $0x1, s21;
	s28 =	sand.u32 $0x1, s20;
	_ =	strace $0x9000005F  }
0x30: {  	s24 =	sand.u32 $0x1, s20;
	s23 =	sshll.u32 s20, $0xE;
	_ =	strace $0x80000060  }
0x31: {  	[spmem:s2] =	stream.indirect.scatter.add.f32 [tilespmem:s13], [sflag:$0x5], $0x80, s14, s15, $0x2000b8;
	[tilespmem:$0x1C100] =	vst v63  }
0x32: {  	s31 =	sshll.u32 s20, $0x7;
	s21 =	smov.u32 s20;
	_ =	swait.ge [sflag:s16], $0x4000  }
0x33: {  	s22 =	sand.u32 $0x4000, s23;
	s23 =	sand.u32 $0x80, s31;
	[sflag:s16] =	ssyncset.done $0x0  }
.LBB2_2:
0x34: {  	s19 =	sadd.s32 $0x1, s19  }
0x35: {  	[sflag:s16] =	ssyncadd.s32 $0xFFFFC000;
	p1 =	seq.s32 s19, $0x4F  }
0x36: {  	_ =	strace $0x90000060;
	s19 =	simm.s32 @p1 $0x0  }
0x37: {  	s31 =	smov.u32 s30;
	s30 =	rddreg [dreg:$0x3];
	p2 =	seq.s32 s29, s19  }
0x38: {  	p1 =	sne.s32 s29, s19;
	s29 =	sadd.s32 $0x1, s28;
	s28 =	sand.u32 @!p2 $0x1, s31  }
0x39: {  	s0 =	sand.u32 @!p2 $0x1, s25;
	s30 =	sadd.s32 @!p2 s30, s19;
	s8 =	simm.s32 @!p2 $0x0  }
0x3a: {  	_ =	strace @!p2 $0x8000005C;
	s13 =	sshll.u32 @!p2 s28, $0xE;
	s6 =	sshll.u32 @!p2 s30, $0xB  }
0x3b: {  	s14 =	sshll.u32 @!p2 s0, $0x7;
	s30 =	sshll.u32 @!p2 s30, $0x4;
	s6 =	sand.u32 @!p2 $0x1FFFF800, s6  }
0x3c: {  	s28 =	sadd.s32 @!p2 $0x1, s28;
	s13 =	sadd.s32 @!p2 $0x14000, s13;
	s6 =	sadd.s32 @!p2 s4, s6  }
0x3d: {  	[tilespmem:s13], [sflag:s28] =	stream.linear.gather @!p2 [hbm4b:s6+s8], $0x4000, $0x200038;
	[tilespmem:$0x1C100] =	vst v63  }
0x3e: {  	s0 =	sadd.s32 @!p2 $0x3, s0;
	s30 =	sand.u32 @!p2 $0x1FFFFFF0, s30;
	_ =	strace @!p2 $0x9000005C  }
0x3f: {  	s6 =	sor.u32 @!p2 $0x1C000, s14;
	s13 =	sadd.s32 @!p2 s5, s30;
	_ =	strace @!p2 $0x8000005D  }
0x40: {  	[tilespmem:s6], [sflag:s0] =	stream.linear.gather @!p2 [hbm4b:s13+s8], $0x80, $0x200038;
	[tilespmem:$0x1C100] =	vst v63  }
0x41: {  	_ =	strace @!p2 $0x9000005D  }
0x42: {  	s1 =	simm.s32 @!p2 $0x1;
	_ =	strace $0x8000005E  }
0x43: {  	s26 =	sadd.s32 $0xFFFFFFFF, s26;
	s1 =	simm.s32 @p2 $0x0;
	_ =	swait.ge [sflag:s29], $0x4000  }
0x44: {  	p0 =	sne.s32 s26, $0x0;
	s25 =	sadd.s32 s25, s1;
	[sflag:s29] =	ssyncset.done $0x0  }
0x45: {  	s30 =	sadd.s32 @!p2 $0x1, s31;
	s14 =	sadd.s32 $0x14000, s22;
	[sflag:s29] =	ssyncadd.s32 $0xFFFFC000  }
0x46: {  	s30 =	smov.u32 @p2 s31;
	s0 =	simm.s32 $0x1;
	_ =	strace $0x9000005E  }
0x47: {  	s13 =	sadd.s32 $0x3, s24;
	s0 =	simm.s32 @!p1 $0x0;
	_ =	strace $0x8000005F  }
0x48: {  	s31 =	sor.u32 $0x1C000, s23;
	s20 =	sadd.s32 s0, s20;
	_ =	swait.ge [sflag:s13], $0x80  }
0x49: {  	s21 =	sadd.s32 s0, s21;
	s28 =	sand.u32 $0x1, s20;
	[sflag:s13] =	ssyncset.done $0x0  }
0x4a: {  	s0 =	sand.u32 $0x1, s21;
	s6 =	sshll.u32 s20, $0xE;
	[sflag:s13] =	ssyncadd.s32 $0xFFFFFF80  }
.Ltmp0:
0x4b: {  	s8 =	sshll.u32 s21, $0x7;
	_ =	strace $0x9000005F;
	(pc) =	sbr.rel @p0 .LBB2_2-.Ltmp0, $4  }
0x4c: {  	s1 =	sand.u32 $0x4000, s6;
	s6 =	sand.u32 $0x80, s8;
	_ =	strace $0x80000060  }
0x4d: {  	[spmem:s2] =	stream.indirect.scatter.add.f32 [tilespmem:s14], [sflag:$0x5], $0x80, s31, s15, $0x2000b8;
	[tilespmem:$0x1C100] =	vst v63  }
0x4e: {  	s24 =	smov.u32 s0;
	s29 =	smov.u32 s19;
	_ =	swait.ge [sflag:s16], $0x4000  }
0x4f: {  	s22 =	smov.u32 s1;
	s23 =	smov.u32 s6;
	[sflag:s16] =	ssyncset.done $0x0  }
0x50: {  	s0 =	sadd.s32 $0x1, s19  }
0x51: {  	[sflag:s16] =	ssyncadd.s32 $0xFFFFC000;
	p0 =	seq.s32 s0, $0x4F  }
0x52: {  	_ =	strace $0x90000060;
	s0 =	simm.s32 @p0 $0x0  }
0x53: {  	s1 =	rddreg [dreg:$0x3];
	p0 =	seq.s32 s29, s0  }
0x54: {  	s6 =	sand.u32 @!p0 $0x1, s30;
	s1 =	sadd.s32 @!p0 s1, s0  }
0x55: {  	s14 =	simm.s32 @!p0 $0x0;
	_ =	strace @!p0 $0x8000005C;
	s13 =	sshll.u32 @!p0 s1, $0xB  }
0x56: {  	s8 =	sshll.u32 @!p0 s6, $0xE;
	s6 =	sadd.s32 @!p0 $0x1, s6;
	s13 =	sand.u32 @!p0 $0x1FFFF800, s13  }
0x57: {  	s1 =	sshll.u32 @!p0 s1, $0x4;
	s8 =	sadd.s32 @!p0 $0x14000, s8;
	s13 =	sadd.s32 @!p0 s4, s13  }
0x58: {  	[tilespmem:s8], [sflag:s6] =	stream.linear.gather @!p0 [hbm4b:s13+s14], $0x4000, $0x200038;
	[tilespmem:$0x1C100] =	vst v63  }
0x59: {  	s1 =	sand.u32 @!p0 $0x1FFFFFF0, s1;
	s6 =	sand.u32 @!p0 $0x1, s25  }
0x5a: {  	s1 =	sadd.s32 @!p0 s5, s1;
	s8 =	sshll.u32 @!p0 s6, $0x7;
	_ =	strace @!p0 $0x9000005C  }
0x5b: {  	s6 =	sadd.s32 @!p0 $0x3, s6;
	s8 =	sor.u32 @!p0 $0x1C000, s8;
	_ =	strace @!p0 $0x8000005D  }
0x5c: {  	[tilespmem:s8], [sflag:s6] =	stream.linear.gather @!p0 [hbm4b:s1+s14], $0x80, $0x200038;
	[tilespmem:$0x1C100] =	vst v63  }
0x5d: {  	_ =	strace @!p0 $0x9000005D  }
0x5e: {  	s19 =	sadd.s32 $0x1, s28;
	_ =	strace $0x8000005E  }
0x5f: {  	_ =	swait.ge [sflag:s19], $0x4000  }
0x60: {  	[sflag:s19] =	ssyncset.done $0x0  }
0x61: {  	[sflag:s19] =	ssyncadd.s32 $0xFFFFC000  }
0x62: {  	_ =	strace $0x9000005E  }
0x63: {  	s25 =	sadd.s32 $0x3, s24;
	_ =	strace $0x8000005F  }
0x64: {  	_ =	swait.ge [sflag:s25], $0x80  }
0x65: {  	[sflag:s25] =	ssyncset.done $0x0  }
0x66: {  	[sflag:s25] =	ssyncadd.s32 $0xFFFFFF80  }
0x67: {  	_ =	strace $0x9000005F  }
0x68: {  	s26 =	sadd.s32 $0x14000, s22;
	s28 =	sor.u32 $0x1C000, s23;
	_ =	strace $0x80000060  }
0x69: {  	[spmem:s2] =	stream.indirect.scatter.add.f32 [tilespmem:s26], [sflag:$0x5], $0x80, s28, s15, $0x2000b8;
	[tilespmem:$0x1C100] =	vst v63  }
0x6a: {  	p0 =	sne.s32 s29, s0;
	s0 =	simm.s32 $0x1;
	_ =	swait.ge [sflag:s16], $0x4000  }
0x6b: {  	s0 =	simm.s32 @!p0 $0x0;
	[sflag:s16] =	ssyncset.done $0x0  }
0x6c: {  	s29 =	sadd.s32 s0, s20;
	[sflag:s16] =	ssyncadd.s32 $0xFFFFC000  }
0x6d: {  	s30 =	sand.u32 $0x1, s29;
	_ =	strace $0x90000060  }
0x6e: {  	s6 =	sadd.s32 $0x1, s30;
	_ =	strace $0x8000005E  }
0x6f: {  	_ =	swait.ge [sflag:s6], $0x4000  }
0x70: {  	[sflag:s6] =	ssyncset.done $0x0  }
0x71: {  	s0 =	sadd.s32 s0, s21;
	[sflag:s6] =	ssyncadd.s32 $0xFFFFC000  }
0x72: {  	s31 =	sand.u32 $0x1, s0;
	_ =	strace $0x9000005E  }
0x73: {  	s6 =	sadd.s32 $0x3, s31;
	_ =	strace $0x8000005F  }
0x74: {  	_ =	swait.ge [sflag:s6], $0x80  }
0x75: {  	[sflag:s6] =	ssyncset.done $0x0  }
0x76: {  	s1 =	sshll.u32 s29, $0xE;
	s0 =	sshll.u32 s0, $0x7;
	[sflag:s6] =	ssyncadd.s32 $0xFFFFFF80  }
0x77: {  	s1 =	sand.u32 $0x4000, s1;
	s0 =	sand.u32 $0x80, s0;
	_ =	strace $0x9000005F  }
0x78: {  	s1 =	sadd.s32 $0x14000, s1;
	s0 =	sor.u32 $0x1C000, s0;
	_ =	strace $0x80000060  }
0x79: {  	[spmem:s2] =	stream.indirect.scatter.add.f32 [tilespmem:s1], [sflag:$0x5], $0x80, s0, s15, $0x2000b8;
	[tilespmem:$0x1C100] =	vst v63  }
0x7a: {  	_ =	swait.ge [sflag:s16], $0x4000  }
0x7b: {  	[sflag:s16] =	ssyncset.done $0x0  }
0x7c: {  	s18 =	sadd.s32 $0x1, s18;
	[sflag:s16] =	ssyncadd.s32 $0xFFFFC000  }
0x7d: {  	p0 =	sne.s32 s18, s11;
	_ =	strace $0x90000060  }
.Ltmp1:
0x7e: {  	[bflag:$0x0] =	sbarrier.arrive $0xFFFF;
	(pc) =	sbr.rel @p0 .LBB2_1-.Ltmp1, $4  }
0x7f: {  	[hbm:s10], [sflag:s7] =	dma.local [spmem:s12], $0x2800  }
0x80: {  	_ =	swait.ge [sflag:s17], $0x2800  }
0x81: {  	[sflag:s17] =	ssyncset.done $0x0  }
0x82: {  	[sflag:s17] =	ssyncadd.s32 $0xFFFFD800  }
0x83: {  	_ =	sfence.sel $0x180000  }
0x84: {  	[bflag:$0x0] =	sbarrier.arrive $0xFFFF  }
0x85: {  	_ =	strace $0x9000005A  }
0x86: {  	s0 =	stileid.u32;
	[bflag:$0x2] =	sbarrier.arrive $0xFFFF  }
0x87: {  	p0 =	sne.s32 s0, $0x0;
	s0 =	rddreg [dreg:$0x2]  }
0x88: {  	s0 =	sadd.s32 @!p0 $0x100000, s0  }
0x89: {  	[sflag:s0] =	ssyncadd.tile.s32 @!p0 $0x1;
	_ =	shalt  }
.Lfunc_end2:
_tile_overlayer_lowered:
.L_overlay_start_2:
0x8a: {  	(tag) =	ssettag $0x2  }
0x8b: {  	s0 =	rddreg [dreg:$0x0];
	s2 =	stileid.u32  }
0x8c: {  	s1 =	rddreg [dreg:$0x1];
	p0 =	sne.s32 s2, $0x0  }
0x8d: {  	s3 =	rddreg [dreg:$0x2];
	[bflag:$0x3] =	sbarrier.arrive $0xFFFF;
	s2 =	simm.s32 @!p0 $0x1C01  }
0x8e: {  	[timem:s3], [sflag:s2] =	dma.local @!p0 [hbm:s0], s1  }
0x8f: {  	s0 =	simm.s32 @!p0 $0x1  }
0x90: {  	_ =	swait.ge @!p0 [sflag:s0], s1  }
0x91: {  	s1 =	ssub.s32 @!p0 $0x0, s1;
	[sflag:s0] =	ssyncset.done @!p0 $0x0  }
0x92: {  	[sflag:s0] =	ssyncadd.s32 @!p0 s1  }
0x93: {  	[bflag:$0x3] =	sbarrier.arrive $0xFFFF  }
0x94: {  	_ =	shalt  }

// kernel: kernel.9.cloned.1.call-start
scs
__scs_entry_jumppad:
0x0: {  	(pc) =	sbr.rel $0x88, $3  }
0x1: {  	(tag) =	ssettag $0x0;
	lr =	simm.s32 $0x1  }
0x2: {  	[smem:$0x3F87] =	sst lr;
	_ =	strace $0xD0000000  }
0x3: {  	_ = 	snop  }
0x4: {  	_ = 	snop  }
0x5: {  	_ = 	snop  }
0x6: {  	_ = 	snop  }
0x7: {  	_ = 	snop  }
__scs_overlays_trampoline_lowered:
0x8: {  	[smem:$0x3F96] =	sst s0  }
0x9: {  	[smem:$0x3F97] =	sst s1  }
0xa: {  	[smem:$0x3F98] =	sst s2  }
0xb: {  	[smem:$0x3F99] =	sst s3  }
0xc: {  	[smem:$0x3F9A] =	sst s4  }
0xd: {  	[smem:$0x3F9B] =	sst s5  }
0xe: {  	[smem:$0x3F9C] =	sst s6  }
0xf: {  	[smem:$0x3F9D] =	sst s7  }
0x10: {  	[smem:$0x3F9E] =	sst s8  }
0x11: {  	[smem:$0x3F9F] =	sst s9;
	s0 =	simm.s32 @!p0 $0x0  }
0x12: {  	s1 =	sld [smem:$0x3F85];
	s0 =	simm.s32 @p0 $0x1  }
0x13: {  	[smem:$0x3FA0] =	sst s0;
	s0 =	simm.s32 @!p1 $0x0  }
0x14: {  	s2 =	sld [smem:$0x3F84];
	s0 =	simm.s32 @p1 $0x1  }
0x15: {  	[smem:$0x3FA1] =	sst s0;
	s0 =	simm.s32 @!p2 $0x0  }
0x16: {  	s3 =	sld [smem:$0x3FDB];
	s0 =	simm.s32 @p2 $0x1  }
0x17: {  	s4 =	simm.s32 $0x1BF5;
	[smem:$0x3FA3] =	sst s0  }
0x18: {  	s0 =	sld [smem:$0x3F86];
	_ =	swait.ge [sflag:s4], $0x0  }
0x19: {  	s7 =	sld [smem:$0x3F87]  }
0x1a: {  	s8 =	sadd.s32 $0xFFFFE003, lr  }
0x1b: {  	s9 =	sadd.s32 $0xFFFFFEF7, lr;
	s5 =	simm.s32 $0xFFFFFFFF;
	p2 =	slt.u32 s8, $0xFFFFF086  }
0x1c: {  	p1 =	slt.u32 s9, $0xF7A;
	s5 =	simm.s32 @!p2 $0x0  }
0x1d: {  	s5 =	simm.s32 @p1 $0x1;
	p0 =	seq.s32 s7, s2  }
0x1e: {  	s7 =	smul.u32 @!p0 $0xF7A, s2;
	p2 =	seq.s32 @!p0 s5, $0x0  }
0x1f: {  	s9 =	smul.u32 $0xF7A, s1;
	s8 =	simm.s32 @!p0 $0x1BF5;
	p2 =	por !p2, p0  }
0x20: {  	[sflag:s8] =	ssyncset.s32 @!p0 $0xFFFFF086;
	s6 =	sadd.s32 @!p0 s3, s7;
	s7 =	simm.s32 @!p0 $0x108  }
0x21: {  	s3 =	sadd.s32 s3, s9;
	s6 =	sadd.s32 @!p0 $0x88, s6;
	s7 =	simm.s32 @p2 $0x1082  }
0x22: {  	[simem:s7], [sflag:s8] =	dma.local @!p0 [hbm:s6], $0xF7A  }
0x23: {  	s9 =	sor.u32 $0xD0000000, s2;
	s6 =	simm.s32 $0x108;
	_ =	swait.ge @!p0 [sflag:s8], $0x0  }
0x24: {  	s3 =	sadd.s32 $0x88, s3;
	s6 =	simm.s32 @!p1 $0x1082;
	[sflag:s4] =	ssyncset.s32 $0xFFFFF086  }
0x25: {  	[simem:s6], [sflag:s4] =	dma.local [hbm:s3], $0xF7A  }
0x26: {  	[smem:$0x3F87] =	sst s1;
	(tag) =	ssettag s2;
	_ =	strace s9  }
0x27: {  	s1 =	sld [smem:$0x3F97]  }
0x28: {  	s2 =	sld [smem:$0x3F98]  }
0x29: {  	s4 =	sld [smem:$0x3F9A]  }
0x2a: {  	p0 =	seq.s32 s5, $0x0;
	s5 =	sld [smem:$0x3F9B]  }
0x2b: {  	s6 =	sld [smem:$0x3F9C]  }
0x2c: {  	s7 =	sld [smem:$0x3F9D]  }
0x2d: {  	s3 =	simm.s32 $0x108;
	s8 =	sld [smem:$0x3F9E]  }
0x2e: {  	s3 =	simm.s32 @!p0 $0x1082;
	s9 =	sld [smem:$0x3F9F]  }
0x2f: {  	lr =	sadd.s32 s0, s3;
	s0 =	sld [smem:$0x3F96]  }
0x30: {  	s3 =	sld [smem:$0x3F99]  }
0x31: {  	[smem:$0x3FA2] =	sst s10  }
0x32: {  	s10 =	sld [smem:$0x3FA0];
	_ =	sdelay $0x3  }
0x33: {  	p0 =	seq.s32 s10, $0x1;
	s10 =	sld [smem:$0x3FA2];
	_ =	sdelay $0x3  }
0x34: {  	[smem:$0x3FA2] =	sst s10  }
0x35: {  	s10 =	sld [smem:$0x3FA1];
	_ =	sdelay $0x3  }
0x36: {  	p1 =	seq.s32 s10, $0x1;
	s10 =	sld [smem:$0x3FA2];
	_ =	sdelay $0x3  }
0x37: {  	[smem:$0x3FA2] =	sst s10  }
0x38: {  	s10 =	sld [smem:$0x3FA3]  }
0x39: {  	_ = 	snop;
	(pc) =	sbr.ind lr, $3  }
0x3a: {  	_ = 	snop  }
0x3b: {  	_ = 	snop  }
0x3c: {  	p2 =	seq.s32 s10, $0x1;
	s10 =	sld [smem:$0x3FA2]  }
0x3d: {  	_ =	shalt  }
0x3e: {  	_ =	shalt  }
0x3f: {  	_ =	shalt  }
0x40: {  	_ =	shalt  }
0x41: {  	_ =	shalt  }
0x42: {  	_ =	shalt  }
0x43: {  	_ =	shalt  }
0x44: {  	_ =	shalt  }
0x45: {  	_ =	shalt  }
0x46: {  	_ =	shalt  }
0x47: {  	_ =	shalt  }
0x48: {  	_ =	shalt  }
0x49: {  	_ =	shalt  }
0x4a: {  	_ =	shalt  }
0x4b: {  	_ =	shalt  }
0x4c: {  	_ =	shalt  }
0x4d: {  	_ =	shalt  }
0x4e: {  	_ =	shalt  }
0x4f: {  	_ =	shalt  }
0x50: {  	_ =	shalt  }
0x51: {  	_ =	shalt  }
0x52: {  	_ =	shalt  }
0x53: {  	_ =	shalt  }
0x54: {  	_ =	shalt  }
0x55: {  	_ =	shalt  }
0x56: {  	_ =	shalt  }
0x57: {  	_ =	shalt  }
0x58: {  	_ =	shalt  }
0x59: {  	_ =	shalt  }
0x5a: {  	_ =	shalt  }
0x5b: {  	_ =	shalt  }
0x5c: {  	_ =	shalt  }
0x5d: {  	_ =	shalt  }
0x5e: {  	_ =	shalt  }
0x5f: {  	_ =	shalt  }
0x60: {  	_ =	shalt  }
0x61: {  	_ =	shalt  }
0x62: {  	_ =	shalt  }
0x63: {  	_ =	shalt  }
0x64: {  	_ =	shalt  }
0x65: {  	_ =	shalt  }
0x66: {  	_ =	shalt  }
0x67: {  	_ =	shalt  }
0x68: {  	_ =	shalt  }
0x69: {  	_ =	shalt  }
0x6a: {  	_ =	shalt  }
0x6b: {  	_ =	shalt  }
0x6c: {  	_ =	shalt  }
0x6d: {  	_ =	shalt  }
0x6e: {  	_ =	shalt  }
0x6f: {  	_ =	shalt  }
0x70: {  	_ =	shalt  }
0x71: {  	_ =	shalt  }
0x72: {  	_ =	shalt  }
0x73: {  	_ =	shalt  }
0x74: {  	_ =	shalt  }
0x75: {  	_ =	shalt  }
0x76: {  	_ =	shalt  }
0x77: {  	_ =	shalt  }
0x78: {  	_ =	shalt  }
0x79: {  	_ =	shalt  }
0x7a: {  	_ =	shalt  }
0x7b: {  	_ =	shalt  }
0x7c: {  	_ =	shalt  }
0x7d: {  	_ =	shalt  }
0x7e: {  	_ =	shalt  }
0x7f: {  	_ =	shalt  }
0x80: {  	_ =	shalt  }
0x81: {  	_ =	shalt  }
0x82: {  	_ =	shalt  }
0x83: {  	_ =	shalt  }
0x84: {  	_ =	shalt  }
0x85: {  	_ =	shalt  }
0x86: {  	_ =	shalt  }
0x87: {  	_ =	shalt  }
.Lfunc_end0:
.L_simem_size_0:
called_computation_lowered:
.L_overlay_start_0:
0x88: {  	s2 =	sld [smem:$0x3FD9]  }
0x89: {  	s3 =	sld [smem:$0x3FFE];
	_ =	sdelay $0x1  }
0x8a: {  	s1 =	srdreg.scid  }
0x8b: {  	s0 =	sand.u32 $0x1, s1  }
0x8c: {  	s16 =	sshll.u32 s0, $0xA;
	s2 =	sadd.s32 s3, s2  }
0x8d: {  	s2 =	sadd.s32 s2, s16  }
0x8e: {  	[smem:$0x3FAE] =	sst s2  }
0x8f: {  	_ = 	snop  }
0x90: {  	(tm) =	ssettm $0x1  }
0x91: {  	s17 =	sld [smem:$0x3FFB];
	_ =	sdelay $0x3  }
0x92: {  	_ =	strace s17  }
0x93: {  	s2 =	sld [smem:$0x3FFC];
	_ =	sdelay $0x3  }
0x94: {  	_ =	strace s2  }
0x95: {  	s2 =	sld [smem:$0x3FFD];
	_ =	sdelay $0x3  }
0x96: {  	_ =	strace s2  }
0x97: {  	_ =	strace $0x8FFFFFFF  }
0x98: {  	s18 =	sld [smem:$0x3FDB];
	_ =	sdelay $0x1  }
0x99: {  	s19 =	simm.s32 $_scs_section_size  }
0x9a: {  	s4 =	simm.s32 $_size__tile_overlayer_lowered;
	s5 =	simm.s32 $_tile_overlayer_lowered  }
0x9b: {  	s22 =	simm.s32 $0x1BFF;
	s21 =	sshll.u32 s5, $0x1;
	s2 =	sadd.s32 s19, s18  }
0x9c: {  	s6 =	simm.s32 $0x0;
	s20 =	sshll.u32 s4, $0x1;
	s4 =	sadd.s32 s21, s2  }
0x9d: {  	[timem:s6], [sflag:s22] =	dma.local [hbm:s4], s20  }
0x9e: {  	_ =	swait.ge [sflag:s22], s20  }
0x9f: {  	s3 =	ssub.s32 $0x0, s20;
	[sflag:s22] =	ssyncset.done $0x0  }
0xa0: {  	[sflag:s22] =	ssyncadd.s32 s3;
	_ =	sdelay $0x1  }
0xa1: {  	s23 =	simm.s32 $0x1B8B  }
0xa2: {  	_ =	swait.ge [sflag:s23], $0x1  }
0xa3: {  	[sflag:s23] =	ssyncset.done $0x0  }
0xa4: {  	s25 =	simm.s32 $0x1B8E;
	s24 =	sld [smem:$0x3FFE];
	[sflag:s23] =	ssyncadd.s32 $0xFFFFFFFF  }
0xa5: {  	s26 =	simm.s32 $execute0_lowered;
	[smem:$0x3FD2] =	sst s25  }
0xa6: {  	s4 =	sshll.u32 s26, $0x1;
	_ =	strace $0x80000046;
	[dreg:$0x1] =	wrdreg $0xFFFFFFFF  }
0xa7: {  	s28 =	simm.s32 $_size_execute0_lowered;
	s2 =	sadd.s32 s2, s4;
	[dreg:$0x0] =	wrdreg $0x0  }
0xa8: {  	s4 =	sshll.u32 s28, $0x1;
	[dreg:$0x2] =	wrdreg s2  }
0xa9: {  	[dreg:$0x3] =	wrdreg s4  }
0xaa: {  	[dreg:$0x4] =	wrdreg $0xC0  }
0xab: {  	_ =	task [dreg:s6], $0x5FFFF  }
0xac: {  	[dreg:$0x1] =	wrdreg $0xFFFFFFFF  }
0xad: {  	[dreg:$0x0] =	wrdreg $0x60  }
0xae: {  	[dreg:$0x2] =	wrdreg s24  }
0xaf: {  	[dreg:$0x3] =	wrdreg $0x0  }
0xb0: {  	[dreg:$0x4] =	wrdreg $0x9  }
0xb1: {  	_ =	task.clear_ibuf [dreg:s6], $0x5FFFF;
	_ =	strace $0x90000046  }
0xb2: {  	s29 =	simm.s32 $0x9;
	_ =	strace $0x8000004E  }
0xb3: {  	_ =	swait.ge [sflag:s29], $0x1  }
0xb4: {  	[sflag:s29] =	ssyncadd.s32 $0xFFFFFFFF  }
0xb5: {  	_ =	strace $0x9000004E  }
0xb6: {  	_ =	sfence  }
0xb7: {  	s30 =	sld [smem:$0x0];
	_ =	sdelay $0x2  }
0xb8: {  	s31 =	sshll.u32 s1, $0xD;
	s1 =	sshrl.u32 s1, $0x2  }
0xb9: {  	s3 =	sand.u32 $0x4000, s31;
	s1 =	sadd.s32 s1, s30  }
0xba: {  	s0 =	sor.u32 s3, s0;
	s1 =	sshll.u32 s1, $0x11  }
0xbb: {  	s0 =	sor.u32 s1, s0  }
0xbc: {  	s0 =	sadd.s32 $0x8F2B, s0  }
0xbd: {  	[sflag:s0] =	ssyncadd.remote.s32 $0x1  }
0xbe: {  	_ =	sfence.sel $0xFFFF  }
0xbf: {  	[dreg:$0x0] =	wrdreg $0xFFFFFFFF;
	(pc) =	sbr.abs _section_cstart, $3  }
0xc0: {  	[dreg:$0x1] =	wrdreg $0xFFFFFFFF  }
0xc1: {  	_ =	task.clear_ibuf [dreg:s6], $0x2FFFF;
	_ =	strace $0x9FFFFFFF  }
0xc2: {  	(tm) =	ssettm $0x7FFFFFFF  }
0xc3: {  	_ =	shalt  }
tec
execute0_lowered:
.L_overlay_start_1:
0x0: {  	(tag) =	ssettag $0x1  }
0x1: {  	s6 =	rddreg [dreg:$0x0]  }
0x2: {  	s2 =	rddreg [dreg:$0x1];
	s3 =	simm.s32 $0x0;
	s0 =	stileid.u32  }
0x3: {  	s4 =	srdreg.scid;
	s16 =	simm.s32 $0x5;
	s17 =	simm.s32 $0x1  }
0x4: {  	s18 =	simm.s32 $0x0;
	[smem:$0x7FF] =	sst s3;
	s7 =	smul.u32 $0x14000, s0  }
0x5: {  	s8 =	sand.u32 $0x1, s4;
	s4 =	sadd.s32 $0x9D6000, s6;
	s11 =	smul.u32 $0x50000, s0  }
0x6: {  	s5 =	sadd.s32 $0x4000, s6;
	s29 =	sshll.u32 s0, $0x6;
	s9 =	smul.u32 $0x140000, s8  }
0x7: {  	_ =	strace $0x80000047;
	s25 =	sshll.u32 s8, $0x4;
	s8 =	ssub.s32 $0x2, s8  }
0x8: {  	s10 =	sshrl.u32 s7, $0x3;
	s7 =	sadd.s32 s7, s9;
	s9 =	sor.u32 s0, s25  }
0x9: {  	s12 =	sshrl.u32 s8, $0x1;
	s28 =	sshrl.u32 s11, $0x2;
	s13 =	smul.u32 $0x4F, s9  }
0xa: {  	s10 =	sadd.s32 s10, s6;
	s12 =	ssub.s32 s8, s12;
	s26 =	smul.u32 $0x27800, s9  }
0xb: {  	s15 =	sadd.s32 s28, s2;
	s7 =	sshrl.u32 s7, $0x3;
	s9 =	smul.u32 $0x4F0, s9  }
0xc: {  	s30 =	sadd.s32 $0xDE00, s10;
	s11 =	smax.u32 s12, $0x1;
	s12 =	sshrl.u32 s15, $0x3  }
0xd: {  	s15 =	simm.s32 $0x80;
	s14 =	sadd.s32 s7, s6;
	[dreg:$0x4] =	wrdreg s30  }
0xe: {  	s7 =	sor.u32 $0x1C01, s29;
	[dreg:$0x3] =	wrdreg s13;
	s31 =	sadd.s32 s4, s26  }
0xf: {  	s9 =	sadd.s32 s5, s9;
	s10 =	sadd.s32 $0x35E00, s14;
	[dreg:$0x5] =	wrdreg s31  }
.LBB2_1:
0x10: {  	s0 =	rddreg [dreg:$0x4]  }
0x11: {  	[spmem:s12], [sflag:s7] =	dma.local [hbm:s0], $0x2800  }
0x12: {  	_ =	swait.ge [sflag:s17], $0x2800  }
0x13: {  	[sflag:s17] =	ssyncset.done $0x0  }
0x14: {  	[sflag:s17] =	ssyncadd.s32 $0xFFFFD800  }
0x15: {  	[bflag:$0x0] =	sbarrier.arrive $0xFFFF  }
0x16: {  	s1 =	simm.s32 $0x14000;
	_ =	strace $0x80000048  }
0x17: {  	s19 =	simm.s32 $0x1;
	p0 =	por $0x0, $0x0;
	s25 =	rddreg [dreg:$0x5]  }
0x18: {  	[tilespmem:s1], [sflag:$0x1] =	stream.linear.gather [hbm4b:s25+s3], $0x4000, $0x200038;
	[tilespmem:$0x1C100] =	vst v63  }
0x19: {  	s26 =	simm.s32 $0x1C000;
	s19 =	simm.s32 @p0 $0x0  }
0x1a: {  	[tilespmem:s26], [sflag:$0x3] =	stream.linear.gather [hbm4b:s9+s3], $0x80, $0x200038;
	[tilespmem:$0x1C100] =	vst v63  }
0x1b: {  	p0 =	seq.s32 s19, $0x0;
	_ =	strace $0x90000048  }
0x1c: {  	s21 =	sand.u32 @!p0 $0x1, s17;
	s20 =	rddreg [dreg:$0x3]  }
0x1d: {  	s22 =	sshll.u32 @!p0 s21, $0xE;
	s20 =	sadd.s32 @!p0 s20, s19  }
0x1e: {  	s23 =	sshll.u32 @!p0 s21, $0x7;
	s22 =	sadd.s32 @!p0 $0x14000, s22;
	s24 =	sshll.u32 @!p0 s20, $0xB  }
0x1f: {  	s25 =	simm.s32 @!p0 $0x0;
	s26 =	sadd.s32 @!p0 $0x1, s21;
	s24 =	sand.u32 @!p0 $0x1FFFF800, s24  }
0x20: {  	_ =	strace @!p0 $0x80000049;
	s20 =	sshll.u32 @!p0 s20, $0x4;
	s24 =	sadd.s32 @!p0 s4, s24  }
0x21: {  	[tilespmem:s22], [sflag:s26] =	stream.linear.gather @!p0 [hbm4b:s24+s25], $0x4000, $0x200038;
	[tilespmem:$0x1C100] =	vst v63  }
0x22: {  	s21 =	sadd.s32 @!p0 $0x3, s21;
	s20 =	sand.u32 @!p0 $0x1FFFFFF0, s20;
	_ =	strace @!p0 $0x90000049  }
0x23: {  	s20 =	sadd.s32 @!p0 s5, s20;
	s22 =	sor.u32 @!p0 $0x1C000, s23;
	_ =	strace @!p0 $0x8000004A  }
0x24: {  	[tilespmem:s22], [sflag:s21] =	stream.linear.gather @!p0 [hbm4b:s20+s25], $0x80, $0x200038;
	[tilespmem:$0x1C100] =	vst v63  }
0x25: {  	s31 =	sand.u32 $0x1, s3;
	_ =	strace @!p0 $0x9000004A  }
0x26: {  	s6 =	simm.s32 $0x0;
	s0 =	sadd.s32 $0x1, s31;
	_ =	strace $0x8000004B  }
0x27: {  	s8 =	sadd.s32 $0x3, s31;
	p1 =	sne.s32 s19, $0x0;
	_ =	swait.ge [sflag:s0], $0x4000  }
0x28: {  	s29 =	smov.u32 s19;
	s30 =	simm.s32 @!p0 $0x2;
	[sflag:s0] =	ssyncset.done $0x0  }
0x29: {  	s30 =	smov.u32 @p0 s17;
	s1 =	simm.s32 $0x0;
	[sflag:s0] =	ssyncadd.s32 $0xFFFFC000  }
0x2a: {  	s23 =	sand.u32 $0x80, s6;
	s26 =	simm.s32 $0x4C;
	_ =	strace $0x9000004B  }
0x2b: {  	s14 =	sor.u32 $0x1C000, s23;
	s22 =	sand.u32 $0x4000, s1;
	_ =	strace $0x8000004C  }
0x2c: {  	s21 =	simm.s32 @!p0 $0x1;
	s20 =	simm.s32 $0x1;
	_ =	swait.ge [sflag:s8], $0x80  }
0x2d: {  	s21 =	simm.s32 @p0 $0x0;
	s20 =	simm.s32 @!p1 $0x0;
	[sflag:s8] =	ssyncset.done $0x0  }
0x2e: {  	s13 =	sadd.s32 $0x14000, s22;
	s20 =	sadd.s32 $0x0, s20;
	[sflag:s8] =	ssyncadd.s32 $0xFFFFFF80  }
0x2f: {  	s25 =	sadd.s32 $0x1, s21;
	s28 =	sand.u32 $0x1, s20;
	_ =	strace $0x9000004C  }
0x30: {  	s24 =	sand.u32 $0x1, s20;
	s23 =	sshll.u32 s20, $0xE;
	_ =	strace $0x8000004D  }
0x31: {  	[spmem:s2] =	stream.indirect.scatter.add.f32 [tilespmem:s13], [sflag:$0x5], $0x80, s14, s15, $0x2000b8;
	[tilespmem:$0x1C100] =	vst v63  }
0x32: {  	s31 =	sshll.u32 s20, $0x7;
	s21 =	smov.u32 s20;
	_ =	swait.ge [sflag:s16], $0x4000  }
0x33: {  	s22 =	sand.u32 $0x4000, s23;
	s23 =	sand.u32 $0x80, s31;
	[sflag:s16] =	ssyncset.done $0x0  }
.LBB2_2:
0x34: {  	s19 =	sadd.s32 $0x1, s19  }
0x35: {  	[sflag:s16] =	ssyncadd.s32 $0xFFFFC000;
	p1 =	seq.s32 s19, $0x4F  }
0x36: {  	_ =	strace $0x9000004D;
	s19 =	simm.s32 @p1 $0x0  }
0x37: {  	s31 =	smov.u32 s30;
	s30 =	rddreg [dreg:$0x3];
	p2 =	seq.s32 s29, s19  }
0x38: {  	p1 =	sne.s32 s29, s19;
	s29 =	sadd.s32 $0x1, s28;
	s28 =	sand.u32 @!p2 $0x1, s31  }
0x39: {  	s0 =	sand.u32 @!p2 $0x1, s25;
	s30 =	sadd.s32 @!p2 s30, s19;
	s8 =	simm.s32 @!p2 $0x0  }
0x3a: {  	_ =	strace @!p2 $0x80000049;
	s13 =	sshll.u32 @!p2 s28, $0xE;
	s6 =	sshll.u32 @!p2 s30, $0xB  }
0x3b: {  	s14 =	sshll.u32 @!p2 s0, $0x7;
	s30 =	sshll.u32 @!p2 s30, $0x4;
	s6 =	sand.u32 @!p2 $0x1FFFF800, s6  }
0x3c: {  	s28 =	sadd.s32 @!p2 $0x1, s28;
	s13 =	sadd.s32 @!p2 $0x14000, s13;
	s6 =	sadd.s32 @!p2 s4, s6  }
0x3d: {  	[tilespmem:s13], [sflag:s28] =	stream.linear.gather @!p2 [hbm4b:s6+s8], $0x4000, $0x200038;
	[tilespmem:$0x1C100] =	vst v63  }
0x3e: {  	s0 =	sadd.s32 @!p2 $0x3, s0;
	s30 =	sand.u32 @!p2 $0x1FFFFFF0, s30;
	_ =	strace @!p2 $0x90000049  }
0x3f: {  	s6 =	sor.u32 @!p2 $0x1C000, s14;
	s13 =	sadd.s32 @!p2 s5, s30;
	_ =	strace @!p2 $0x8000004A  }
0x40: {  	[tilespmem:s6], [sflag:s0] =	stream.linear.gather @!p2 [hbm4b:s13+s8], $0x80, $0x200038;
	[tilespmem:$0x1C100] =	vst v63  }
0x41: {  	_ =	strace @!p2 $0x9000004A  }
0x42: {  	s1 =	simm.s32 @!p2 $0x1;
	_ =	strace $0x8000004B  }
0x43: {  	s26 =	sadd.s32 $0xFFFFFFFF, s26;
	s1 =	simm.s32 @p2 $0x0;
	_ =	swait.ge [sflag:s29], $0x4000  }
0x44: {  	p0 =	sne.s32 s26, $0x0;
	s25 =	sadd.s32 s25, s1;
	[sflag:s29] =	ssyncset.done $0x0  }
0x45: {  	s30 =	sadd.s32 @!p2 $0x1, s31;
	s14 =	sadd.s32 $0x14000, s22;
	[sflag:s29] =	ssyncadd.s32 $0xFFFFC000  }
0x46: {  	s30 =	smov.u32 @p2 s31;
	s0 =	simm.s32 $0x1;
	_ =	strace $0x9000004B  }
0x47: {  	s13 =	sadd.s32 $0x3, s24;
	s0 =	simm.s32 @!p1 $0x0;
	_ =	strace $0x8000004C  }
0x48: {  	s31 =	sor.u32 $0x1C000, s23;
	s20 =	sadd.s32 s0, s20;
	_ =	swait.ge [sflag:s13], $0x80  }
0x49: {  	s21 =	sadd.s32 s0, s21;
	s28 =	sand.u32 $0x1, s20;
	[sflag:s13] =	ssyncset.done $0x0  }
0x4a: {  	s0 =	sand.u32 $0x1, s21;
	s6 =	sshll.u32 s20, $0xE;
	[sflag:s13] =	ssyncadd.s32 $0xFFFFFF80  }
.Ltmp0:
0x4b: {  	s8 =	sshll.u32 s21, $0x7;
	_ =	strace $0x9000004C;
	(pc) =	sbr.rel @p0 .LBB2_2-.Ltmp0, $4  }
0x4c: {  	s1 =	sand.u32 $0x4000, s6;
	s6 =	sand.u32 $0x80, s8;
	_ =	strace $0x8000004D  }
0x4d: {  	[spmem:s2] =	stream.indirect.scatter.add.f32 [tilespmem:s14], [sflag:$0x5], $0x80, s31, s15, $0x2000b8;
	[tilespmem:$0x1C100] =	vst v63  }
0x4e: {  	s24 =	smov.u32 s0;
	s29 =	smov.u32 s19;
	_ =	swait.ge [sflag:s16], $0x4000  }
0x4f: {  	s22 =	smov.u32 s1;
	s23 =	smov.u32 s6;
	[sflag:s16] =	ssyncset.done $0x0  }
0x50: {  	s0 =	sadd.s32 $0x1, s19  }
0x51: {  	[sflag:s16] =	ssyncadd.s32 $0xFFFFC000;
	p0 =	seq.s32 s0, $0x4F  }
0x52: {  	_ =	strace $0x9000004D;
	s0 =	simm.s32 @p0 $0x0  }
0x53: {  	s1 =	rddreg [dreg:$0x3];
	p0 =	seq.s32 s29, s0  }
0x54: {  	s6 =	sand.u32 @!p0 $0x1, s30;
	s1 =	sadd.s32 @!p0 s1, s0  }
0x55: {  	s14 =	simm.s32 @!p0 $0x0;
	_ =	strace @!p0 $0x80000049;
	s13 =	sshll.u32 @!p0 s1, $0xB  }
0x56: {  	s8 =	sshll.u32 @!p0 s6, $0xE;
	s6 =	sadd.s32 @!p0 $0x1, s6;
	s13 =	sand.u32 @!p0 $0x1FFFF800, s13  }
0x57: {  	s1 =	sshll.u32 @!p0 s1, $0x4;
	s8 =	sadd.s32 @!p0 $0x14000, s8;
	s13 =	sadd.s32 @!p0 s4, s13  }
0x58: {  	[tilespmem:s8], [sflag:s6] =	stream.linear.gather @!p0 [hbm4b:s13+s14], $0x4000, $0x200038;
	[tilespmem:$0x1C100] =	vst v63  }
0x59: {  	s1 =	sand.u32 @!p0 $0x1FFFFFF0, s1;
	s6 =	sand.u32 @!p0 $0x1, s25  }
0x5a: {  	s1 =	sadd.s32 @!p0 s5, s1;
	s8 =	sshll.u32 @!p0 s6, $0x7;
	_ =	strace @!p0 $0x90000049  }
0x5b: {  	s6 =	sadd.s32 @!p0 $0x3, s6;
	s8 =	sor.u32 @!p0 $0x1C000, s8;
	_ =	strace @!p0 $0x8000004A  }
0x5c: {  	[tilespmem:s8], [sflag:s6] =	stream.linear.gather @!p0 [hbm4b:s1+s14], $0x80, $0x200038;
	[tilespmem:$0x1C100] =	vst v63  }
0x5d: {  	_ =	strace @!p0 $0x9000004A  }
0x5e: {  	s19 =	sadd.s32 $0x1, s28;
	_ =	strace $0x8000004B  }
0x5f: {  	_ =	swait.ge [sflag:s19], $0x4000  }
0x60: {  	[sflag:s19] =	ssyncset.done $0x0  }
0x61: {  	[sflag:s19] =	ssyncadd.s32 $0xFFFFC000  }
0x62: {  	_ =	strace $0x9000004B  }
0x63: {  	s25 =	sadd.s32 $0x3, s24;
	_ =	strace $0x8000004C  }
0x64: {  	_ =	swait.ge [sflag:s25], $0x80  }
0x65: {  	[sflag:s25] =	ssyncset.done $0x0  }
0x66: {  	[sflag:s25] =	ssyncadd.s32 $0xFFFFFF80  }
0x67: {  	_ =	strace $0x9000004C  }
0x68: {  	s26 =	sadd.s32 $0x14000, s22;
	s28 =	sor.u32 $0x1C000, s23;
	_ =	strace $0x8000004D  }
0x69: {  	[spmem:s2] =	stream.indirect.scatter.add.f32 [tilespmem:s26], [sflag:$0x5], $0x80, s28, s15, $0x2000b8;
	[tilespmem:$0x1C100] =	vst v63  }
0x6a: {  	p0 =	sne.s32 s29, s0;
	s0 =	simm.s32 $0x1;
	_ =	swait.ge [sflag:s16], $0x4000  }
0x6b: {  	s0 =	simm.s32 @!p0 $0x0;
	[sflag:s16] =	ssyncset.done $0x0  }
0x6c: {  	s29 =	sadd.s32 s0, s20;
	[sflag:s16] =	ssyncadd.s32 $0xFFFFC000  }
0x6d: {  	s30 =	sand.u32 $0x1, s29;
	_ =	strace $0x9000004D  }
0x6e: {  	s6 =	sadd.s32 $0x1, s30;
	_ =	strace $0x8000004B  }
0x6f: {  	_ =	swait.ge [sflag:s6], $0x4000  }
0x70: {  	[sflag:s6] =	ssyncset.done $0x0  }
0x71: {  	s0 =	sadd.s32 s0, s21;
	[sflag:s6] =	ssyncadd.s32 $0xFFFFC000  }
0x72: {  	s31 =	sand.u32 $0x1, s0;
	_ =	strace $0x9000004B  }
0x73: {  	s6 =	sadd.s32 $0x3, s31;
	_ =	strace $0x8000004C  }
0x74: {  	_ =	swait.ge [sflag:s6], $0x80  }
0x75: {  	[sflag:s6] =	ssyncset.done $0x0  }
0x76: {  	s1 =	sshll.u32 s29, $0xE;
	s0 =	sshll.u32 s0, $0x7;
	[sflag:s6] =	ssyncadd.s32 $0xFFFFFF80  }
0x77: {  	s1 =	sand.u32 $0x4000, s1;
	s0 =	sand.u32 $0x80, s0;
	_ =	strace $0x9000004C  }
0x78: {  	s1 =	sadd.s32 $0x14000, s1;
	s0 =	sor.u32 $0x1C000, s0;
	_ =	strace $0x8000004D  }
0x79: {  	[spmem:s2] =	stream.indirect.scatter.add.f32 [tilespmem:s1], [sflag:$0x5], $0x80, s0, s15, $0x2000b8;
	[tilespmem:$0x1C100] =	vst v63  }
0x7a: {  	_ =	swait.ge [sflag:s16], $0x4000  }
0x7b: {  	[sflag:s16] =	ssyncset.done $0x0  }
0x7c: {  	s18 =	sadd.s32 $0x1, s18;
	[sflag:s16] =	ssyncadd.s32 $0xFFFFC000  }
0x7d: {  	p0 =	sne.s32 s18, s11;
	_ =	strace $0x9000004D  }
.Ltmp1:
0x7e: {  	[bflag:$0x0] =	sbarrier.arrive $0xFFFF;
	(pc) =	sbr.rel @p0 .LBB2_1-.Ltmp1, $4  }
0x7f: {  	[hbm:s10], [sflag:s7] =	dma.local [spmem:s12], $0x2800  }
0x80: {  	_ =	swait.ge [sflag:s17], $0x2800  }
0x81: {  	[sflag:s17] =	ssyncset.done $0x0  }
0x82: {  	[sflag:s17] =	ssyncadd.s32 $0xFFFFD800  }
0x83: {  	_ =	sfence.sel $0x180000  }
0x84: {  	[bflag:$0x0] =	sbarrier.arrive $0xFFFF  }
0x85: {  	_ =	strace $0x90000047  }
0x86: {  	s0 =	stileid.u32;
	[bflag:$0x2] =	sbarrier.arrive $0xFFFF  }
0x87: {  	p0 =	sne.s32 s0, $0x0;
	s0 =	rddreg [dreg:$0x2]  }
0x88: {  	s0 =	sadd.s32 @!p0 $0x100000, s0  }
0x89: {  	[sflag:s0] =	ssyncadd.tile.s32 @!p0 $0x1;
	_ =	shalt  }
.Lfunc_end2:
_tile_overlayer_lowered:
.L_overlay_start_2:
0x8a: {  	(tag) =	ssettag $0x2  }
0x8b: {  	s0 =	rddreg [dreg:$0x0];
	s2 =	stileid.u32  }
0x8c: {  	s1 =	rddreg [dreg:$0x1];
	p0 =	sne.s32 s2, $0x0  }
0x8d: {  	s3 =	rddreg [dreg:$0x2];
	[bflag:$0x3] =	sbarrier.arrive $0xFFFF;
	s2 =	simm.s32 @!p0 $0x1C01  }
0x8e: {  	[timem:s3], [sflag:s2] =	dma.local @!p0 [hbm:s0], s1  }
0x8f: {  	s0 =	simm.s32 @!p0 $0x1  }
0x90: {  	_ =	swait.ge @!p0 [sflag:s0], s1  }
0x91: {  	s1 =	ssub.s32 @!p0 $0x0, s1;
	[sflag:s0] =	ssyncset.done @!p0 $0x0  }
0x92: {  	[sflag:s0] =	ssyncadd.s32 @!p0 s1  }
0x93: {  	[bflag:$0x3] =	sbarrier.arrive $0xFFFF  }
0x94: {  	_ =	shalt  }

</sc_bundles>
